<compile_context>
chip_gen: v7x
topology: tpu7x:2x2x1
jax: 0.10.2.dev20260603
libtpu: 0.0.44.dev20260713+nightly
codegen_flags: <defaults>
</compile_context>

<pallas_src>
import functools

import jax
import jax.numpy as jnp
from jax import lax
from jax.experimental import pallas as pl
from jax.experimental.pallas import tpu as pltpu
from jax.experimental.pallas import tpu_sc as plsc

R = 32768
K = 64
J = 256
L = 16
NC = 2
NS = 16
NW = NC * NS
RPW = R // NW
BLK = 128
NBLK = RPW // BLK
NCH = J // L

_mesh = plsc.VectorSubcoreMesh(core_axis_name="c", subcore_axis_name="s")


@functools.partial(
    pl.kernel,
    out_type=jax.ShapeDtypeStruct((R, J), jnp.float32),
    mesh=_mesh,
    compiler_params=pltpu.CompilerParams(needs_layout_passes=False),
    scratch_types=[
        pltpu.VMEM((J,), jnp.int32),
        pltpu.VMEM((J,), jnp.float32),
        pltpu.VMEM((J,), jnp.float32),
        pltpu.VMEM((L,), jnp.float32),
        pltpu.VMEM((J,), jnp.int32),
        pltpu.VMEM((J,), jnp.float32),
        pltpu.VMEM((J,), jnp.float32),
        pltpu.VMEM((J,), jnp.float32),
        pltpu.VMEM((BLK + 1, K), jnp.float32),
        pltpu.VMEM((BLK + 1, K), jnp.float32),
        pltpu.VMEM((BLK, J), jnp.float32),
        pltpu.VMEM((BLK, J), jnp.float32),
        pltpu.SemaphoreType.DMA,
        pltpu.SemaphoreType.DMA,
        pltpu.SemaphoreType.DMA,
        pltpu.SemaphoreType.DMA,
    ],
)
def _regrid(y_hbm, inds_hbm, w_hbm, mask_hbm, fill_hbm, out_hbm,
            s_inds, s_w, s_mask, s_fill, s_i0, s_a0, s_a1, s_c,
            y_v0, y_v1, o_v0, o_v1, isem0, isem1, osem0, osem1):
    wid = lax.axis_index("s") * NC + lax.axis_index("c")
    row0 = wid * RPW

    pltpu.sync_copy(inds_hbm, s_inds)
    pltpu.sync_copy(w_hbm, s_w)
    pltpu.sync_copy(mask_hbm, s_mask)
    pltpu.sync_copy(fill_hbm, s_fill)

    fillv = s_fill[...]
    for c in range(NCH):
        sl = pl.ds(c * L, L)
        iv = s_inds[sl]
        wv = s_w[sl]
        mv = s_mask[sl]
        a1 = wv * mv
        s_i0[sl] = iv - 1
        s_a0[sl] = mv - a1
        s_a1[sl] = a1
        s_c[sl] = fillv - fillv * mv

    isems = (isem0, isem1)
    osems = (osem0, osem1)
    y_bufs = (y_v0, y_v1)
    o_bufs = (o_v0, o_v1)

    def start_in(b):
        return pltpu.async_copy(
            y_hbm.at[pl.ds(row0 + b * BLK, BLK), :],
            y_bufs[b % 2].at[pl.ds(0, BLK), :], isems[b % 2])

    def start_out(b):
        return pltpu.async_copy(
            o_bufs[b % 2], out_hbm.at[pl.ds(row0 + b * BLK, BLK), :],
            osems[b % 2])

    in_d = start_in(0)
    out_d = [None, None]
    for b in range(NBLK):
        p = b % 2
        nxt = start_in(b + 1) if b + 1 < NBLK else None
        in_d.wait()
        if out_d[p] is not None:
            out_d[p].wait()
        yvp = y_bufs[p]
        ovp = o_bufs[p]

        def chunk_body(c, _, yvp=yvp, ovp=ovp):
            sl = pl.ds(c * L, L)
            i0 = s_i0[sl]
            a0 = s_a0[sl]
            a1 = s_a1[sl]
            cv = s_c[sl]
            i1 = i0 + 1

            @plsc.parallel_loop(0, BLK, unroll=8)
            def row_loop(r):
                rv = jnp.full((L,), r, dtype=jnp.int32)
                y0 = plsc.load_gather(yvp, [rv, i0])
                y1 = plsc.load_gather(yvp, [rv, i1])
                ovp[r, sl] = cv + a0 * y0 + a1 * y1

            return 0

        lax.fori_loop(0, NCH, chunk_body, 0)
        out_d[p] = start_out(b)
        in_d = nxt
    out_d[0].wait()
    out_d[1].wait()


def kernel(y_data, inds, weights, mask, fill_value):
    inds32 = inds.astype(jnp.int32)
    w = weights.astype(jnp.float32)
    m = mask.astype(jnp.float32)
    fill16 = jnp.broadcast_to(jnp.asarray(fill_value, jnp.float32), (L,))
    return _regrid(y_data, inds32, w, m, fill16)

# --- scband reference (transcript-rebuilt; emitter-appended) ---
"""Pipeline reference for scband-regrid-35502199669541 (READ-ONLY COPY).

The authoritative reference and input builder live on the scoring server;
editing this copy changes nothing except your own understanding.
"""

import jax, jax.numpy as jnp
import numpy as np


def setup_inputs(seed: int = 0) -> dict:
    key = jax.random.key(seed)
    # Recreate the __init__ buffers from x_data / x_eval (matches torch Regrid.__init__)
    x_data = jnp.arange(64, dtype=jnp.float32) * 4.0           # sorted knots 0,4,...,252
    x_eval = jnp.arange(256, dtype=jnp.float32)                # eval points 0..255
    n = x_data.shape[0]
    inds = jnp.searchsorted(x_data, x_eval)                    # side='left' == torch default
    inds = jnp.where(inds == 0, 1, inds)
    inds = jnp.where(inds == n, n - 1, inds)
    x0 = x_data[inds - 1]
    x1 = x_data[inds]
    weights = (x_eval - x0) / (x1 - x0)
    mask = ((x_eval >= x_data[0]) & (x_eval <= x_data[-1])).astype(jnp.float32)
    fill_value = jnp.array(0.0, dtype=jnp.float32)
    y_data = jax.random.normal(key, (32768, 64), dtype=jnp.float32)
    return {"y_data": y_data, "inds": inds, "weights": weights, "mask": mask, "fill_value": fill_value}


def reference(y_data, inds, weights, mask, fill_value):
    # gather along last axis (SparseCore-style gather)
    y0 = jnp.take(y_data, inds - 1, axis=-1)
    y1 = jnp.take(y_data, inds, axis=-1)
    # torch.lerp(y0, y1, w) == y0 + w * (y1 - y0)
    y_eval = y0 + weights * (y1 - y0)
    y_eval = mask * y_eval + (1.0 - mask) * fill_value
    return y_eval

if __name__ == "__main__":
    import jax
    _d = setup_inputs()
    print(jax.jit(kernel)(*tuple(_d.values())))

</pallas_src>

<mosaic_0001>
#map = affine_map<(d0, d1) -> (0, 0)>
#map1 = affine_map<(d0, d1) -> (0)>
module attributes {stable_mosaic.version = 14 : i64} {
  func.func @_regrid(%arg0: i32, %arg1: i32, %arg2: memref<32768x64xf32, #tpu.memory_space<hbm>>, %arg3: memref<256xi32, #tpu.memory_space<hbm>>, %arg4: memref<256xf32, #tpu.memory_space<hbm>>, %arg5: memref<256xf32, #tpu.memory_space<hbm>>, %arg6: memref<16xf32, #tpu.memory_space<hbm>>, %arg7: memref<32768x256xf32, #tpu.memory_space<hbm>>, %arg8: memref<256xi32, #tpu.memory_space<vmem>>, %arg9: memref<256xf32, #tpu.memory_space<vmem>>, %arg10: memref<256xf32, #tpu.memory_space<vmem>>, %arg11: memref<16xf32, #tpu.memory_space<vmem>>, %arg12: memref<256xi32, #tpu.memory_space<vmem>>, %arg13: memref<256xf32, #tpu.memory_space<vmem>>, %arg14: memref<256xf32, #tpu.memory_space<vmem>>, %arg15: memref<256xf32, #tpu.memory_space<vmem>>, %arg16: memref<129x64xf32, #tpu.memory_space<vmem>>, %arg17: memref<129x64xf32, #tpu.memory_space<vmem>>, %arg18: memref<128x256xf32, #tpu.memory_space<vmem>>, %arg19: memref<128x256xf32, #tpu.memory_space<vmem>>, %arg20: memref<!tpu.dma_semaphore, #tpu.memory_space<semaphore_mem>>, %arg21: memref<!tpu.dma_semaphore, #tpu.memory_space<semaphore_mem>>, %arg22: memref<!tpu.dma_semaphore, #tpu.memory_space<semaphore_mem>>, %arg23: memref<!tpu.dma_semaphore, #tpu.memory_space<semaphore_mem>>) attributes {dimension_semantics = [#tpu.dimension_semantics<core_parallel>, #tpu.dimension_semantics<subcore_parallel>], iteration_bounds = array<i64: 2, 16>, scalar_prefetch = 0 : i64, scratch_operands = 16 : i64, tpu.core_type = #tpu.core_type<sc_vector_subcore>, window_params = [{transform_indices = #map}, {transform_indices = #map1}, {transform_indices = #map1}, {transform_indices = #map1}, {transform_indices = #map1}, {transform_indices = #map}]} {
    %mul3A = arith.constant 2 : i32
    %mul3A_0 = arith.muli %arg1, %mul3A : i32
    %add3A = arith.addi %mul3A_0, %arg0 : i32
    %mul3A_1 = arith.constant 1024 : i32
    %mul3A_2 = arith.muli %add3A, %mul3A_1 : i32
    "tpu.region"() ({
      %run_scoped3A = tpu.sem_alloc : memref<!tpu.dma_semaphore, #tpu.memory_space<semaphore_mem>>
      tpu.enqueue_dma source(%arg3 : memref<256xi32, #tpu.memory_space<hbm>>) target(%arg8 : memref<256xi32, #tpu.memory_space<vmem>>) target_semaphore(%run_scoped3A : memref<!tpu.dma_semaphore, #tpu.memory_space<semaphore_mem>>)
      tpu.wait_dma2 semaphore(%run_scoped3A : memref<!tpu.dma_semaphore, #tpu.memory_space<semaphore_mem>>) src(%arg3 : memref<256xi32, #tpu.memory_space<hbm>>) dst(%arg8 : memref<256xi32, #tpu.memory_space<vmem>>)
      tpu.yield
    }) : () -> ()
    "tpu.region"() ({
      %run_scoped3A = tpu.sem_alloc : memref<!tpu.dma_semaphore, #tpu.memory_space<semaphore_mem>>
      tpu.enqueue_dma source(%arg4 : memref<256xf32, #tpu.memory_space<hbm>>) target(%arg9 : memref<256xf32, #tpu.memory_space<vmem>>) target_semaphore(%run_scoped3A : memref<!tpu.dma_semaphore, #tpu.memory_space<semaphore_mem>>)
      tpu.wait_dma2 semaphore(%run_scoped3A : memref<!tpu.dma_semaphore, #tpu.memory_space<semaphore_mem>>) src(%arg4 : memref<256xf32, #tpu.memory_space<hbm>>) dst(%arg9 : memref<256xf32, #tpu.memory_space<vmem>>)
      tpu.yield
    }) : () -> ()
    "tpu.region"() ({
      %run_scoped3A = tpu.sem_alloc : memref<!tpu.dma_semaphore, #tpu.memory_space<semaphore_mem>>
      tpu.enqueue_dma source(%arg5 : memref<256xf32, #tpu.memory_space<hbm>>) target(%arg10 : memref<256xf32, #tpu.memory_space<vmem>>) target_semaphore(%run_scoped3A : memref<!tpu.dma_semaphore, #tpu.memory_space<semaphore_mem>>)
      tpu.wait_dma2 semaphore(%run_scoped3A : memref<!tpu.dma_semaphore, #tpu.memory_space<semaphore_mem>>) src(%arg5 : memref<256xf32, #tpu.memory_space<hbm>>) dst(%arg10 : memref<256xf32, #tpu.memory_space<vmem>>)
      tpu.yield
    }) : () -> ()
    "tpu.region"() ({
      %run_scoped3A = tpu.sem_alloc : memref<!tpu.dma_semaphore, #tpu.memory_space<semaphore_mem>>
      tpu.enqueue_dma source(%arg6 : memref<16xf32, #tpu.memory_space<hbm>>) target(%arg11 : memref<16xf32, #tpu.memory_space<vmem>>) target_semaphore(%run_scoped3A : memref<!tpu.dma_semaphore, #tpu.memory_space<semaphore_mem>>)
      tpu.wait_dma2 semaphore(%run_scoped3A : memref<!tpu.dma_semaphore, #tpu.memory_space<semaphore_mem>>) src(%arg6 : memref<16xf32, #tpu.memory_space<hbm>>) dst(%arg11 : memref<16xf32, #tpu.memory_space<vmem>>)
      tpu.yield
    }) : () -> ()
    %get3A = arith.constant 0 : index
    %get3A_3 = tpu.vector_load %arg11[%get3A] {strides = array<i32>} : memref<16xf32, #tpu.memory_space<vmem>>, vector<16xf32>,
    %get3A_4 = arith.constant 0 : index
    %get3A_5 = tpu.vector_load %arg8[%get3A_4] {strides = array<i32>} : memref<256xi32, #tpu.memory_space<vmem>>, vector<16xi32>,
    %get3A_6 = arith.constant 0 : index
    %get3A_7 = tpu.vector_load %arg9[%get3A_6] {strides = array<i32>} : memref<256xf32, #tpu.memory_space<vmem>>, vector<16xf32>,
    %get3A_8 = arith.constant 0 : index
    %get3A_9 = tpu.vector_load %arg10[%get3A_8] {strides = array<i32>} : memref<256xf32, #tpu.memory_space<vmem>>, vector<16xf32>,
    %mul3A_10 = arith.mulf %get3A_7, %get3A_9 : vector<16xf32>
    %sub3A = arith.constant 1 : i32
    %sub3A_11 = vector.broadcast %sub3A : i32 to vector<16xi32>
    %sub3A_12 = arith.subi %get3A_5, %sub3A_11 : vector<16xi32>
    %swap3A = arith.constant 0 : index
    %swap3A_13 = tpu.vector_load %arg12[%swap3A] {strides = array<i32>} : memref<256xi32, #tpu.memory_space<vmem>>, vector<16xi32>,
    tpu.vector_store %arg12[%swap3A], %sub3A_12 {strides = array<i32>} : memref<256xi32, #tpu.memory_space<vmem>>, vector<16xi32>,
    %sub3A_14 = arith.subf %get3A_9, %mul3A_10 : vector<16xf32>
    %swap3A_15 = arith.constant 0 : index
    %swap3A_16 = tpu.vector_load %arg13[%swap3A_15] {strides = array<i32>} : memref<256xf32, #tpu.memory_space<vmem>>, vector<16xf32>,
    tpu.vector_store %arg13[%swap3A_15], %sub3A_14 {strides = array<i32>} : memref<256xf32, #tpu.memory_space<vmem>>, vector<16xf32>,
    %swap3A_17 = arith.constant 0 : index
    %swap3A_18 = tpu.vector_load %arg14[%swap3A_17] {strides = array<i32>} : memref<256xf32, #tpu.memory_space<vmem>>, vector<16xf32>,
    tpu.vector_store %arg14[%swap3A_17], %mul3A_10 {strides = array<i32>} : memref<256xf32, #tpu.memory_space<vmem>>, vector<16xf32>,
    %mul3A_19 = arith.mulf %get3A_3, %get3A_9 : vector<16xf32>
    %sub3A_20 = arith.subf %get3A_3, %mul3A_19 : vector<16xf32>
    %swap3A_21 = arith.constant 0 : index
    %swap3A_22 = tpu.vector_load %arg15[%swap3A_21] {strides = array<i32>} : memref<256xf32, #tpu.memory_space<vmem>>, vector<16xf32>,
    tpu.vector_store %arg15[%swap3A_21], %sub3A_20 {strides = array<i32>} : memref<256xf32, #tpu.memory_space<vmem>>, vector<16xf32>,
    %get3A_23 = arith.constant 16 : index
    %get3A_24 = tpu.vector_load %arg8[%get3A_23] {strides = array<i32>} : memref<256xi32, #tpu.memory_space<vmem>>, vector<16xi32>,
    %get3A_25 = arith.constant 16 : index
    %get3A_26 = tpu.vector_load %arg9[%get3A_25] {strides = array<i32>} : memref<256xf32, #tpu.memory_space<vmem>>, vector<16xf32>,
    %get3A_27 = arith.constant 16 : index
    %get3A_28 = tpu.vector_load %arg10[%get3A_27] {strides = array<i32>} : memref<256xf32, #tpu.memory_space<vmem>>, vector<16xf32>,
    %mul3A_29 = arith.mulf %get3A_26, %get3A_28 : vector<16xf32>
    %sub3A_30 = arith.constant 1 : i32
    %sub3A_31 = vector.broadcast %sub3A_30 : i32 to vector<16xi32>
    %sub3A_32 = arith.subi %get3A_24, %sub3A_31 : vector<16xi32>
    %swap3A_33 = arith.constant 16 : index
    %swap3A_34 = tpu.vector_load %arg12[%swap3A_33] {strides = array<i32>} : memref<256xi32, #tpu.memory_space<vmem>>, vector<16xi32>,
    tpu.vector_store %arg12[%swap3A_33], %sub3A_32 {strides = array<i32>} : memref<256xi32, #tpu.memory_space<vmem>>, vector<16xi32>,
    %sub3A_35 = arith.subf %get3A_28, %mul3A_29 : vector<16xf32>
    %swap3A_36 = arith.constant 16 : index
    %swap3A_37 = tpu.vector_load %arg13[%swap3A_36] {strides = array<i32>} : memref<256xf32, #tpu.memory_space<vmem>>, vector<16xf32>,
    tpu.vector_store %arg13[%swap3A_36], %sub3A_35 {strides = array<i32>} : memref<256xf32, #tpu.memory_space<vmem>>, vector<16xf32>,
    %swap3A_38 = arith.constant 16 : index
    %swap3A_39 = tpu.vector_load %arg14[%swap3A_38] {strides = array<i32>} : memref<256xf32, #tpu.memory_space<vmem>>, vector<16xf32>,
    tpu.vector_store %arg14[%swap3A_38], %mul3A_29 {strides = array<i32>} : memref<256xf32, #tpu.memory_space<vmem>>, vector<16xf32>,
    %mul3A_40 = arith.mulf %get3A_3, %get3A_28 : vector<16xf32>
    %sub3A_41 = arith.subf %get3A_3, %mul3A_40 : vector<16xf32>
    %swap3A_42 = arith.constant 16 : index
    %swap3A_43 = tpu.vector_load %arg15[%swap3A_42] {strides = array<i32>} : memref<256xf32, #tpu.memory_space<vmem>>, vector<16xf32>,
    tpu.vector_store %arg15[%swap3A_42], %sub3A_41 {strides = array<i32>} : memref<256xf32, #tpu.memory_space<vmem>>, vector<16xf32>,
    %get3A_44 = arith.constant 32 : index
    %get3A_45 = tpu.vector_load %arg8[%get3A_44] {strides = array<i32>} : memref<256xi32, #tpu.memory_space<vmem>>, vector<16xi32>,
    %get3A_46 = arith.constant 32 : index
    %get3A_47 = tpu.vector_load %arg9[%get3A_46] {strides = array<i32>} : memref<256xf32, #tpu.memory_space<vmem>>, vector<16xf32>,
    %get3A_48 = arith.constant 32 : index
    %get3A_49 = tpu.vector_load %arg10[%get3A_48] {strides = array<i32>} : memref<256xf32, #tpu.memory_space<vmem>>, vector<16xf32>,
    %mul3A_50 = arith.mulf %get3A_47, %get3A_49 : vector<16xf32>
    %sub3A_51 = arith.constant 1 : i32
    %sub3A_52 = vector.broadcast %sub3A_51 : i32 to vector<16xi32>
    %sub3A_53 = arith.subi %get3A_45, %sub3A_52 : vector<16xi32>
    %swap3A_54 = arith.constant 32 : index
    %swap3A_55 = tpu.vector_load %arg12[%swap3A_54] {strides = array<i32>} : memref<256xi32, #tpu.memory_space<vmem>>, vector<16xi32>,
    tpu.vector_store %arg12[%swap3A_54], %sub3A_53 {strides = array<i32>} : memref<256xi32, #tpu.memory_space<vmem>>, vector<16xi32>,
    %sub3A_56 = arith.subf %get3A_49, %mul3A_50 : vector<16xf32>
    %swap3A_57 = arith.constant 32 : index
    %swap3A_58 = tpu.vector_load %arg13[%swap3A_57] {strides = array<i32>} : memref<256xf32, #tpu.memory_space<vmem>>, vector<16xf32>,
    tpu.vector_store %arg13[%swap3A_57], %sub3A_56 {strides = array<i32>} : memref<256xf32, #tpu.memory_space<vmem>>, vector<16xf32>,
    %swap3A_59 = arith.constant 32 : index
    %swap3A_60 = tpu.vector_load %arg14[%swap3A_59] {strides = array<i32>} : memref<256xf32, #tpu.memory_space<vmem>>, vector<16xf32>,
    tpu.vector_store %arg14[%swap3A_59], %mul3A_50 {strides = array<i32>} : memref<256xf32, #tpu.memory_space<vmem>>, vector<16xf32>,
    %mul3A_61 = arith.mulf %get3A_3, %get3A_49 : vector<16xf32>
    %sub3A_62 = arith.subf %get3A_3, %mul3A_61 : vector<16xf32>
    %swap3A_63 = arith.constant 32 : index
    %swap3A_64 = tpu.vector_load %arg15[%swap3A_63] {strides = array<i32>} : memref<256xf32, #tpu.memory_space<vmem>>, vector<16xf32>,
    tpu.vector_store %arg15[%swap3A_63], %sub3A_62 {strides = array<i32>} : memref<256xf32, #tpu.memory_space<vmem>>, vector<16xf32>,
    %get3A_65 = arith.constant 48 : index
    %get3A_66 = tpu.vector_load %arg8[%get3A_65] {strides = array<i32>} : memref<256xi32, #tpu.memory_space<vmem>>, vector<16xi32>,
    %get3A_67 = arith.constant 48 : index
    %get3A_68 = tpu.vector_load %arg9[%get3A_67] {strides = array<i32>} : memref<256xf32, #tpu.memory_space<vmem>>, vector<16xf32>,
    %get3A_69 = arith.constant 48 : index
    %get3A_70 = tpu.vector_load %arg10[%get3A_69] {strides = array<i32>} : memref<256xf32, #tpu.memory_space<vmem>>, vector<16xf32>,
    %mul3A_71 = arith.mulf %get3A_68, %get3A_70 : vector<16xf32>
    %sub3A_72 = arith.constant 1 : i32
    %sub3A_73 = vector.broadcast %sub3A_72 : i32 to vector<16xi32>
    %sub3A_74 = arith.subi %get3A_66, %sub3A_73 : vector<16xi32>
    %swap3A_75 = arith.constant 48 : index
    %swap3A_76 = tpu.vector_load %arg12[%swap3A_75] {strides = array<i32>} : memref<256xi32, #tpu.memory_space<vmem>>, vector<16xi32>,
    tpu.vector_store %arg12[%swap3A_75], %sub3A_74 {strides = array<i32>} : memref<256xi32, #tpu.memory_space<vmem>>, vector<16xi32>,
    %sub3A_77 = arith.subf %get3A_70, %mul3A_71 : vector<16xf32>
    %swap3A_78 = arith.constant 48 : index
    %swap3A_79 = tpu.vector_load %arg13[%swap3A_78] {strides = array<i32>} : memref<256xf32, #tpu.memory_space<vmem>>, vector<16xf32>,
    tpu.vector_store %arg13[%swap3A_78], %sub3A_77 {strides = array<i32>} : memref<256xf32, #tpu.memory_space<vmem>>, vector<16xf32>,
    %swap3A_80 = arith.constant 48 : index
    %swap3A_81 = tpu.vector_load %arg14[%swap3A_80] {strides = array<i32>} : memref<256xf32, #tpu.memory_space<vmem>>, vector<16xf32>,
    tpu.vector_store %arg14[%swap3A_80], %mul3A_71 {strides = array<i32>} : memref<256xf32, #tpu.memory_space<vmem>>, vector<16xf32>,
    %mul3A_82 = arith.mulf %get3A_3, %get3A_70 : vector<16xf32>
    %sub3A_83 = arith.subf %get3A_3, %mul3A_82 : vector<16xf32>
    %swap3A_84 = arith.constant 48 : index
    %swap3A_85 = tpu.vector_load %arg15[%swap3A_84] {strides = array<i32>} : memref<256xf32, #tpu.memory_space<vmem>>, vector<16xf32>,
    tpu.vector_store %arg15[%swap3A_84], %sub3A_83 {strides = array<i32>} : memref<256xf32, #tpu.memory_space<vmem>>, vector<16xf32>,
    %get3A_86 = arith.constant 64 : index
    %get3A_87 = tpu.vector_load %arg8[%get3A_86] {strides = array<i32>} : memref<256xi32, #tpu.memory_space<vmem>>, vector<16xi32>,
    %get3A_88 = arith.constant 64 : index
    %get3A_89 = tpu.vector_load %arg9[%get3A_88] {strides = array<i32>} : memref<256xf32, #tpu.memory_space<vmem>>, vector<16xf32>,
    %get3A_90 = arith.constant 64 : index
    %get3A_91 = tpu.vector_load %arg10[%get3A_90] {strides = array<i32>} : memref<256xf32, #tpu.memory_space<vmem>>, vector<16xf32>,
    %mul3A_92 = arith.mulf %get3A_89, %get3A_91 : vector<16xf32>
    %sub3A_93 = arith.constant 1 : i32
    %sub3A_94 = vector.broadcast %sub3A_93 : i32 to vector<16xi32>
    %sub3A_95 = arith.subi %get3A_87, %sub3A_94 : vector<16xi32>
    %swap3A_96 = arith.constant 64 : index
    %swap3A_97 = tpu.vector_load %arg12[%swap3A_96] {strides = array<i32>} : memref<256xi32, #tpu.memory_space<vmem>>, vector<16xi32>,
    tpu.vector_store %arg12[%swap3A_96], %sub3A_95 {strides = array<i32>} : memref<256xi32, #tpu.memory_space<vmem>>, vector<16xi32>,
    %sub3A_98 = arith.subf %get3A_91, %mul3A_92 : vector<16xf32>
    %swap3A_99 = arith.constant 64 : index
    %swap3A_100 = tpu.vector_load %arg13[%swap3A_99] {strides = array<i32>} : memref<256xf32, #tpu.memory_space<vmem>>, vector<16xf32>,
    tpu.vector_store %arg13[%swap3A_99], %sub3A_98 {strides = array<i32>} : memref<256xf32, #tpu.memory_space<vmem>>, vector<16xf32>,
    %swap3A_101 = arith.constant 64 : index
    %swap3A_102 = tpu.vector_load %arg14[%swap3A_101] {strides = array<i32>} : memref<256xf32, #tpu.memory_space<vmem>>, vector<16xf32>,
    tpu.vector_store %arg14[%swap3A_101], %mul3A_92 {strides = array<i32>} : memref<256xf32, #tpu.memory_space<vmem>>, vector<16xf32>,
    %mul3A_103 = arith.mulf %get3A_3, %get3A_91 : vector<16xf32>
    %sub3A_104 = arith.subf %get3A_3, %mul3A_103 : vector<16xf32>
    %swap3A_105 = arith.constant 64 : index
    %swap3A_106 = tpu.vector_load %arg15[%swap3A_105] {strides = array<i32>} : memref<256xf32, #tpu.memory_space<vmem>>, vector<16xf32>,
    tpu.vector_store %arg15[%swap3A_105], %sub3A_104 {strides = array<i32>} : memref<256xf32, #tpu.memory_space<vmem>>, vector<16xf32>,
    %get3A_107 = arith.constant 80 : index
    %get3A_108 = tpu.vector_load %arg8[%get3A_107] {strides = array<i32>} : memref<256xi32, #tpu.memory_space<vmem>>, vector<16xi32>,
    %get3A_109 = arith.constant 80 : index
    %get3A_110 = tpu.vector_load %arg9[%get3A_109] {strides = array<i32>} : memref<256xf32, #tpu.memory_space<vmem>>, vector<16xf32>,
    %get3A_111 = arith.constant 80 : index
    %get3A_112 = tpu.vector_load %arg10[%get3A_111] {strides = array<i32>} : memref<256xf32, #tpu.memory_space<vmem>>, vector<16xf32>,
    %mul3A_113 = arith.mulf %get3A_110, %get3A_112 : vector<16xf32>
    %sub3A_114 = arith.constant 1 : i32
    %sub3A_115 = vector.broadcast %sub3A_114 : i32 to vector<16xi32>
    %sub3A_116 = arith.subi %get3A_108, %sub3A_115 : vector<16xi32>
    %swap3A_117 = arith.constant 80 : index
    %swap3A_118 = tpu.vector_load %arg12[%swap3A_117] {strides = array<i32>} : memref<256xi32, #tpu.memory_space<vmem>>, vector<16xi32>,
    tpu.vector_store %arg12[%swap3A_117], %sub3A_116 {strides = array<i32>} : memref<256xi32, #tpu.memory_space<vmem>>, vector<16xi32>,
    %sub3A_119 = arith.subf %get3A_112, %mul3A_113 : vector<16xf32>
    %swap3A_120 = arith.constant 80 : index
    %swap3A_121 = tpu.vector_load %arg13[%swap3A_120] {strides = array<i32>} : memref<256xf32, #tpu.memory_space<vmem>>, vector<16xf32>,
    tpu.vector_store %arg13[%swap3A_120], %sub3A_119 {strides = array<i32>} : memref<256xf32, #tpu.memory_space<vmem>>, vector<16xf32>,
    %swap3A_122 = arith.constant 80 : index
    %swap3A_123 = tpu.vector_load %arg14[%swap3A_122] {strides = array<i32>} : memref<256xf32, #tpu.memory_space<vmem>>, vector<16xf32>,
    tpu.vector_store %arg14[%swap3A_122], %mul3A_113 {strides = array<i32>} : memref<256xf32, #tpu.memory_space<vmem>>, vector<16xf32>,
    %mul3A_124 = arith.mulf %get3A_3, %get3A_112 : vector<16xf32>
    %sub3A_125 = arith.subf %get3A_3, %mul3A_124 : vector<16xf32>
    %swap3A_126 = arith.constant 80 : index
    %swap3A_127 = tpu.vector_load %arg15[%swap3A_126] {strides = array<i32>} : memref<256xf32, #tpu.memory_space<vmem>>, vector<16xf32>,
    tpu.vector_store %arg15[%swap3A_126], %sub3A_125 {strides = array<i32>} : memref<256xf32, #tpu.memory_space<vmem>>, vector<16xf32>,
    %get3A_128 = arith.constant 96 : index
    %get3A_129 = tpu.vector_load %arg8[%get3A_128] {strides = array<i32>} : memref<256xi32, #tpu.memory_space<vmem>>, vector<16xi32>,
    %get3A_130 = arith.constant 96 : index
    %get3A_131 = tpu.vector_load %arg9[%get3A_130] {strides = array<i32>} : memref<256xf32, #tpu.memory_space<vmem>>, vector<16xf32>,
    %get3A_132 = arith.constant 96 : index
    %get3A_133 = tpu.vector_load %arg10[%get3A_132] {strides = array<i32>} : memref<256xf32, #tpu.memory_space<vmem>>, vector<16xf32>,
    %mul3A_134 = arith.mulf %get3A_131, %get3A_133 : vector<16xf32>
    %sub3A_135 = arith.constant 1 : i32
    %sub3A_136 = vector.broadcast %sub3A_135 : i32 to vector<16xi32>
    %sub3A_137 = arith.subi %get3A_129, %sub3A_136 : vector<16xi32>
    %swap3A_138 = arith.constant 96 : index
    %swap3A_139 = tpu.vector_load %arg12[%swap3A_138] {strides = array<i32>} : memref<256xi32, #tpu.memory_space<vmem>>, vector<16xi32>,
    tpu.vector_store %arg12[%swap3A_138], %sub3A_137 {strides = array<i32>} : memref<256xi32, #tpu.memory_space<vmem>>, vector<16xi32>,
    %sub3A_140 = arith.subf %get3A_133, %mul3A_134 : vector<16xf32>
    %swap3A_141 = arith.constant 96 : index
    %swap3A_142 = tpu.vector_load %arg13[%swap3A_141] {strides = array<i32>} : memref<256xf32, #tpu.memory_space<vmem>>, vector<16xf32>,
    tpu.vector_store %arg13[%swap3A_141], %sub3A_140 {strides = array<i32>} : memref<256xf32, #tpu.memory_space<vmem>>, vector<16xf32>,
    %swap3A_143 = arith.constant 96 : index
    %swap3A_144 = tpu.vector_load %arg14[%swap3A_143] {strides = array<i32>} : memref<256xf32, #tpu.memory_space<vmem>>, vector<16xf32>,
    tpu.vector_store %arg14[%swap3A_143], %mul3A_134 {strides = array<i32>} : memref<256xf32, #tpu.memory_space<vmem>>, vector<16xf32>,
    %mul3A_145 = arith.mulf %get3A_3, %get3A_133 : vector<16xf32>
    %sub3A_146 = arith.subf %get3A_3, %mul3A_145 : vector<16xf32>
    %swap3A_147 = arith.constant 96 : index
    %swap3A_148 = tpu.vector_load %arg15[%swap3A_147] {strides = array<i32>} : memref<256xf32, #tpu.memory_space<vmem>>, vector<16xf32>,
    tpu.vector_store %arg15[%swap3A_147], %sub3A_146 {strides = array<i32>} : memref<256xf32, #tpu.memory_space<vmem>>, vector<16xf32>,
    %get3A_149 = arith.constant 112 : index
    %get3A_150 = tpu.vector_load %arg8[%get3A_149] {strides = array<i32>} : memref<256xi32, #tpu.memory_space<vmem>>, vector<16xi32>,
    %get3A_151 = arith.constant 112 : index
    %get3A_152 = tpu.vector_load %arg9[%get3A_151] {strides = array<i32>} : memref<256xf32, #tpu.memory_space<vmem>>, vector<16xf32>,
    %get3A_153 = arith.constant 112 : index
    %get3A_154 = tpu.vector_load %arg10[%get3A_153] {strides = array<i32>} : memref<256xf32, #tpu.memory_space<vmem>>, vector<16xf32>,
    %mul3A_155 = arith.mulf %get3A_152, %get3A_154 : vector<16xf32>
    %sub3A_156 = arith.constant 1 : i32
    %sub3A_157 = vector.broadcast %sub3A_156 : i32 to vector<16xi32>
    %sub3A_158 = arith.subi %get3A_150, %sub3A_157 : vector<16xi32>
    %swap3A_159 = arith.constant 112 : index
    %swap3A_160 = tpu.vector_load %arg12[%swap3A_159] {strides = array<i32>} : memref<256xi32, #tpu.memory_space<vmem>>, vector<16xi32>,
    tpu.vector_store %arg12[%swap3A_159], %sub3A_158 {strides = array<i32>} : memref<256xi32, #tpu.memory_space<vmem>>, vector<16xi32>,
    %sub3A_161 = arith.subf %get3A_154, %mul3A_155 : vector<16xf32>
    %swap3A_162 = arith.constant 112 : index
    %swap3A_163 = tpu.vector_load %arg13[%swap3A_162] {strides = array<i32>} : memref<256xf32, #tpu.memory_space<vmem>>, vector<16xf32>,
    tpu.vector_store %arg13[%swap3A_162], %sub3A_161 {strides = array<i32>} : memref<256xf32, #tpu.memory_space<vmem>>, vector<16xf32>,
    %swap3A_164 = arith.constant 112 : index
    %swap3A_165 = tpu.vector_load %arg14[%swap3A_164] {strides = array<i32>} : memref<256xf32, #tpu.memory_space<vmem>>, vector<16xf32>,
    tpu.vector_store %arg14[%swap3A_164], %mul3A_155 {strides = array<i32>} : memref<256xf32, #tpu.memory_space<vmem>>, vector<16xf32>,
    %mul3A_166 = arith.mulf %get3A_3, %get3A_154 : vector<16xf32>
    %sub3A_167 = arith.subf %get3A_3, %mul3A_166 : vector<16xf32>
    %swap3A_168 = arith.constant 112 : index
    %swap3A_169 = tpu.vector_load %arg15[%swap3A_168] {strides = array<i32>} : memref<256xf32, #tpu.memory_space<vmem>>, vector<16xf32>,
    tpu.vector_store %arg15[%swap3A_168], %sub3A_167 {strides = array<i32>} : memref<256xf32, #tpu.memory_space<vmem>>, vector<16xf32>,
    %get3A_170 = arith.constant 128 : index
    %get3A_171 = tpu.vector_load %arg8[%get3A_170] {strides = array<i32>} : memref<256xi32, #tpu.memory_space<vmem>>, vector<16xi32>,
    %get3A_172 = arith.constant 128 : index
    %get3A_173 = tpu.vector_load %arg9[%get3A_172] {strides = array<i32>} : memref<256xf32, #tpu.memory_space<vmem>>, vector<16xf32>,
    %get3A_174 = arith.constant 128 : index
    %get3A_175 = tpu.vector_load %arg10[%get3A_174] {strides = array<i32>} : memref<256xf32, #tpu.memory_space<vmem>>, vector<16xf32>,
    %mul3A_176 = arith.mulf %get3A_173, %get3A_175 : vector<16xf32>
    %sub3A_177 = arith.constant 1 : i32
    %sub3A_178 = vector.broadcast %sub3A_177 : i32 to vector<16xi32>
    %sub3A_179 = arith.subi %get3A_171, %sub3A_178 : vector<16xi32>
    %swap3A_180 = arith.constant 128 : index
    %swap3A_181 = tpu.vector_load %arg12[%swap3A_180] {strides = array<i32>} : memref<256xi32, #tpu.memory_space<vmem>>, vector<16xi32>,
    tpu.vector_store %arg12[%swap3A_180], %sub3A_179 {strides = array<i32>} : memref<256xi32, #tpu.memory_space<vmem>>, vector<16xi32>,
    %sub3A_182 = arith.subf %get3A_175, %mul3A_176 : vector<16xf32>
    %swap3A_183 = arith.constant 128 : index
    %swap3A_184 = tpu.vector_load %arg13[%swap3A_183] {strides = array<i32>} : memref<256xf32, #tpu.memory_space<vmem>>, vector<16xf32>,
    tpu.vector_store %arg13[%swap3A_183], %sub3A_182 {strides = array<i32>} : memref<256xf32, #tpu.memory_space<vmem>>, vector<16xf32>,
    %swap3A_185 = arith.constant 128 : index
    %swap3A_186 = tpu.vector_load %arg14[%swap3A_185] {strides = array<i32>} : memref<256xf32, #tpu.memory_space<vmem>>, vector<16xf32>,
    tpu.vector_store %arg14[%swap3A_185], %mul3A_176 {strides = array<i32>} : memref<256xf32, #tpu.memory_space<vmem>>, vector<16xf32>,
    %mul3A_187 = arith.mulf %get3A_3, %get3A_175 : vector<16xf32>
    %sub3A_188 = arith.subf %get3A_3, %mul3A_187 : vector<16xf32>
    %swap3A_189 = arith.constant 128 : index
    %swap3A_190 = tpu.vector_load %arg15[%swap3A_189] {strides = array<i32>} : memref<256xf32, #tpu.memory_space<vmem>>, vector<16xf32>,
    tpu.vector_store %arg15[%swap3A_189], %sub3A_188 {strides = array<i32>} : memref<256xf32, #tpu.memory_space<vmem>>, vector<16xf32>,
    %get3A_191 = arith.constant 144 : index
    %get3A_192 = tpu.vector_load %arg8[%get3A_191] {strides = array<i32>} : memref<256xi32, #tpu.memory_space<vmem>>, vector<16xi32>,
    %get3A_193 = arith.constant 144 : index
    %get3A_194 = tpu.vector_load %arg9[%get3A_193] {strides = array<i32>} : memref<256xf32, #tpu.memory_space<vmem>>, vector<16xf32>,
    %get3A_195 = arith.constant 144 : index
    %get3A_196 = tpu.vector_load %arg10[%get3A_195] {strides = array<i32>} : memref<256xf32, #tpu.memory_space<vmem>>, vector<16xf32>,
    %mul3A_197 = arith.mulf %get3A_194, %get3A_196 : vector<16xf32>
    %sub3A_198 = arith.constant 1 : i32
    %sub3A_199 = vector.broadcast %sub3A_198 : i32 to vector<16xi32>
    %sub3A_200 = arith.subi %get3A_192, %sub3A_199 : vector<16xi32>
    %swap3A_201 = arith.constant 144 : index
    %swap3A_202 = tpu.vector_load %arg12[%swap3A_201] {strides = array<i32>} : memref<256xi32, #tpu.memory_space<vmem>>, vector<16xi32>,
    tpu.vector_store %arg12[%swap3A_201], %sub3A_200 {strides = array<i32>} : memref<256xi32, #tpu.memory_space<vmem>>, vector<16xi32>,
    %sub3A_203 = arith.subf %get3A_196, %mul3A_197 : vector<16xf32>
    %swap3A_204 = arith.constant 144 : index
    %swap3A_205 = tpu.vector_load %arg13[%swap3A_204] {strides = array<i32>} : memref<256xf32, #tpu.memory_space<vmem>>, vector<16xf32>,
    tpu.vector_store %arg13[%swap3A_204], %sub3A_203 {strides = array<i32>} : memref<256xf32, #tpu.memory_space<vmem>>, vector<16xf32>,
    %swap3A_206 = arith.constant 144 : index
    %swap3A_207 = tpu.vector_load %arg14[%swap3A_206] {strides = array<i32>} : memref<256xf32, #tpu.memory_space<vmem>>, vector<16xf32>,
    tpu.vector_store %arg14[%swap3A_206], %mul3A_197 {strides = array<i32>} : memref<256xf32, #tpu.memory_space<vmem>>, vector<16xf32>,
    %mul3A_208 = arith.mulf %get3A_3, %get3A_196 : vector<16xf32>
    %sub3A_209 = arith.subf %get3A_3, %mul3A_208 : vector<16xf32>
    %swap3A_210 = arith.constant 144 : index
    %swap3A_211 = tpu.vector_load %arg15[%swap3A_210] {strides = array<i32>} : memref<256xf32, #tpu.memory_space<vmem>>, vector<16xf32>,
    tpu.vector_store %arg15[%swap3A_210], %sub3A_209 {strides = array<i32>} : memref<256xf32, #tpu.memory_space<vmem>>, vector<16xf32>,
    %get3A_212 = arith.constant 160 : index
    %get3A_213 = tpu.vector_load %arg8[%get3A_212] {strides = array<i32>} : memref<256xi32, #tpu.memory_space<vmem>>, vector<16xi32>,
    %get3A_214 = arith.constant 160 : index
    %get3A_215 = tpu.vector_load %arg9[%get3A_214] {strides = array<i32>} : memref<256xf32, #tpu.memory_space<vmem>>, vector<16xf32>,
    %get3A_216 = arith.constant 160 : index
    %get3A_217 = tpu.vector_load %arg10[%get3A_216] {strides = array<i32>} : memref<256xf32, #tpu.memory_space<vmem>>, vector<16xf32>,
    %mul3A_218 = arith.mulf %get3A_215, %get3A_217 : vector<16xf32>
    %sub3A_219 = arith.constant 1 : i32
    %sub3A_220 = vector.broadcast %sub3A_219 : i32 to vector<16xi32>
    %sub3A_221 = arith.subi %get3A_213, %sub3A_220 : vector<16xi32>
    %swap3A_222 = arith.constant 160 : index
    %swap3A_223 = tpu.vector_load %arg12[%swap3A_222] {strides = array<i32>} : memref<256xi32, #tpu.memory_space<vmem>>, vector<16xi32>,
    tpu.vector_store %arg12[%swap3A_222], %sub3A_221 {strides = array<i32>} : memref<256xi32, #tpu.memory_space<vmem>>, vector<16xi32>,
    %sub3A_224 = arith.subf %get3A_217, %mul3A_218 : vector<16xf32>
    %swap3A_225 = arith.constant 160 : index
    %swap3A_226 = tpu.vector_load %arg13[%swap3A_225] {strides = array<i32>} : memref<256xf32, #tpu.memory_space<vmem>>, vector<16xf32>,
    tpu.vector_store %arg13[%swap3A_225], %sub3A_224 {strides = array<i32>} : memref<256xf32, #tpu.memory_space<vmem>>, vector<16xf32>,
    %swap3A_227 = arith.constant 160 : index
    %swap3A_228 = tpu.vector_load %arg14[%swap3A_227] {strides = array<i32>} : memref<256xf32, #tpu.memory_space<vmem>>, vector<16xf32>,
    tpu.vector_store %arg14[%swap3A_227], %mul3A_218 {strides = array<i32>} : memref<256xf32, #tpu.memory_space<vmem>>, vector<16xf32>,
    %mul3A_229 = arith.mulf %get3A_3, %get3A_217 : vector<16xf32>
    %sub3A_230 = arith.subf %get3A_3, %mul3A_229 : vector<16xf32>
    %swap3A_231 = arith.constant 160 : index
    %swap3A_232 = tpu.vector_load %arg15[%swap3A_231] {strides = array<i32>} : memref<256xf32, #tpu.memory_space<vmem>>, vector<16xf32>,
    tpu.vector_store %arg15[%swap3A_231], %sub3A_230 {strides = array<i32>} : memref<256xf32, #tpu.memory_space<vmem>>, vector<16xf32>,
    %get3A_233 = arith.constant 176 : index
    %get3A_234 = tpu.vector_load %arg8[%get3A_233] {strides = array<i32>} : memref<256xi32, #tpu.memory_space<vmem>>, vector<16xi32>,
    %get3A_235 = arith.constant 176 : index
    %get3A_236 = tpu.vector_load %arg9[%get3A_235] {strides = array<i32>} : memref<256xf32, #tpu.memory_space<vmem>>, vector<16xf32>,
    %get3A_237 = arith.constant 176 : index
    %get3A_238 = tpu.vector_load %arg10[%get3A_237] {strides = array<i32>} : memref<256xf32, #tpu.memory_space<vmem>>, vector<16xf32>,
    %mul3A_239 = arith.mulf %get3A_236, %get3A_238 : vector<16xf32>
    %sub3A_240 = arith.constant 1 : i32
    %sub3A_241 = vector.broadcast %sub3A_240 : i32 to vector<16xi32>
    %sub3A_242 = arith.subi %get3A_234, %sub3A_241 : vector<16xi32>
    %swap3A_243 = arith.constant 176 : index
    %swap3A_244 = tpu.vector_load %arg12[%swap3A_243] {strides = array<i32>} : memref<256xi32, #tpu.memory_space<vmem>>, vector<16xi32>,
    tpu.vector_store %arg12[%swap3A_243], %sub3A_242 {strides = array<i32>} : memref<256xi32, #tpu.memory_space<vmem>>, vector<16xi32>,
    %sub3A_245 = arith.subf %get3A_238, %mul3A_239 : vector<16xf32>
    %swap3A_246 = arith.constant 176 : index
    %swap3A_247 = tpu.vector_load %arg13[%swap3A_246] {strides = array<i32>} : memref<256xf32, #tpu.memory_space<vmem>>, vector<16xf32>,
    tpu.vector_store %arg13[%swap3A_246], %sub3A_245 {strides = array<i32>} : memref<256xf32, #tpu.memory_space<vmem>>, vector<16xf32>,
    %swap3A_248 = arith.constant 176 : index
    %swap3A_249 = tpu.vector_load %arg14[%swap3A_248] {strides = array<i32>} : memref<256xf32, #tpu.memory_space<vmem>>, vector<16xf32>,
    tpu.vector_store %arg14[%swap3A_248], %mul3A_239 {strides = array<i32>} : memref<256xf32, #tpu.memory_space<vmem>>, vector<16xf32>,
    %mul3A_250 = arith.mulf %get3A_3, %get3A_238 : vector<16xf32>
    %sub3A_251 = arith.subf %get3A_3, %mul3A_250 : vector<16xf32>
    %swap3A_252 = arith.constant 176 : index
    %swap3A_253 = tpu.vector_load %arg15[%swap3A_252] {strides = array<i32>} : memref<256xf32, #tpu.memory_space<vmem>>, vector<16xf32>,
    tpu.vector_store %arg15[%swap3A_252], %sub3A_251 {strides = array<i32>} : memref<256xf32, #tpu.memory_space<vmem>>, vector<16xf32>,
    %get3A_254 = arith.constant 192 : index
    %get3A_255 = tpu.vector_load %arg8[%get3A_254] {strides = array<i32>} : memref<256xi32, #tpu.memory_space<vmem>>, vector<16xi32>,
    %get3A_256 = arith.constant 192 : index
    %get3A_257 = tpu.vector_load %arg9[%get3A_256] {strides = array<i32>} : memref<256xf32, #tpu.memory_space<vmem>>, vector<16xf32>,
    %get3A_258 = arith.constant 192 : index
    %get3A_259 = tpu.vector_load %arg10[%get3A_258] {strides = array<i32>} : memref<256xf32, #tpu.memory_space<vmem>>, vector<16xf32>,
    %mul3A_260 = arith.mulf %get3A_257, %get3A_259 : vector<16xf32>
    %sub3A_261 = arith.constant 1 : i32
    %sub3A_262 = vector.broadcast %sub3A_261 : i32 to vector<16xi32>
    %sub3A_263 = arith.subi %get3A_255, %sub3A_262 : vector<16xi32>
    %swap3A_264 = arith.constant 192 : index
    %swap3A_265 = tpu.vector_load %arg12[%swap3A_264] {strides = array<i32>} : memref<256xi32, #tpu.memory_space<vmem>>, vector<16xi32>,
    tpu.vector_store %arg12[%swap3A_264], %sub3A_263 {strides = array<i32>} : memref<256xi32, #tpu.memory_space<vmem>>, vector<16xi32>,
    %sub3A_266 = arith.subf %get3A_259, %mul3A_260 : vector<16xf32>
    %swap3A_267 = arith.constant 192 : index
    %swap3A_268 = tpu.vector_load %arg13[%swap3A_267] {strides = array<i32>} : memref<256xf32, #tpu.memory_space<vmem>>, vector<16xf32>,
    tpu.vector_store %arg13[%swap3A_267], %sub3A_266 {strides = array<i32>} : memref<256xf32, #tpu.memory_space<vmem>>, vector<16xf32>,
    %swap3A_269 = arith.constant 192 : index
    %swap3A_270 = tpu.vector_load %arg14[%swap3A_269] {strides = array<i32>} : memref<256xf32, #tpu.memory_space<vmem>>, vector<16xf32>,
    tpu.vector_store %arg14[%swap3A_269], %mul3A_260 {strides = array<i32>} : memref<256xf32, #tpu.memory_space<vmem>>, vector<16xf32>,
    %mul3A_271 = arith.mulf %get3A_3, %get3A_259 : vector<16xf32>
    %sub3A_272 = arith.subf %get3A_3, %mul3A_271 : vector<16xf32>
    %swap3A_273 = arith.constant 192 : index
    %swap3A_274 = tpu.vector_load %arg15[%swap3A_273] {strides = array<i32>} : memref<256xf32, #tpu.memory_space<vmem>>, vector<16xf32>,
    tpu.vector_store %arg15[%swap3A_273], %sub3A_272 {strides = array<i32>} : memref<256xf32, #tpu.memory_space<vmem>>, vector<16xf32>,
    %get3A_275 = arith.constant 208 : index
    %get3A_276 = tpu.vector_load %arg8[%get3A_275] {strides = array<i32>} : memref<256xi32, #tpu.memory_space<vmem>>, vector<16xi32>,
    %get3A_277 = arith.constant 208 : index
    %get3A_278 = tpu.vector_load %arg9[%get3A_277] {strides = array<i32>} : memref<256xf32, #tpu.memory_space<vmem>>, vector<16xf32>,
    %get3A_279 = arith.constant 208 : index
    %get3A_280 = tpu.vector_load %arg10[%get3A_279] {strides = array<i32>} : memref<256xf32, #tpu.memory_space<vmem>>, vector<16xf32>,
    %mul3A_281 = arith.mulf %get3A_278, %get3A_280 : vector<16xf32>
    %sub3A_282 = arith.constant 1 : i32
    %sub3A_283 = vector.broadcast %sub3A_282 : i32 to vector<16xi32>
    %sub3A_284 = arith.subi %get3A_276, %sub3A_283 : vector<16xi32>
    %swap3A_285 = arith.constant 208 : index
    %swap3A_286 = tpu.vector_load %arg12[%swap3A_285] {strides = array<i32>} : memref<256xi32, #tpu.memory_space<vmem>>, vector<16xi32>,
    tpu.vector_store %arg12[%swap3A_285], %sub3A_284 {strides = array<i32>} : memref<256xi32, #tpu.memory_space<vmem>>, vector<16xi32>,
    %sub3A_287 = arith.subf %get3A_280, %mul3A_281 : vector<16xf32>
    %swap3A_288 = arith.constant 208 : index
    %swap3A_289 = tpu.vector_load %arg13[%swap3A_288] {strides = array<i32>} : memref<256xf32, #tpu.memory_space<vmem>>, vector<16xf32>,
    tpu.vector_store %arg13[%swap3A_288], %sub3A_287 {strides = array<i32>} : memref<256xf32, #tpu.memory_space<vmem>>, vector<16xf32>,
    %swap3A_290 = arith.constant 208 : index
    %swap3A_291 = tpu.vector_load %arg14[%swap3A_290] {strides = array<i32>} : memref<256xf32, #tpu.memory_space<vmem>>, vector<16xf32>,
    tpu.vector_store %arg14[%swap3A_290], %mul3A_281 {strides = array<i32>} : memref<256xf32, #tpu.memory_space<vmem>>, vector<16xf32>,
    %mul3A_292 = arith.mulf %get3A_3, %get3A_280 : vector<16xf32>
    %sub3A_293 = arith.subf %get3A_3, %mul3A_292 : vector<16xf32>
    %swap3A_294 = arith.constant 208 : index
    %swap3A_295 = tpu.vector_load %arg15[%swap3A_294] {strides = array<i32>} : memref<256xf32, #tpu.memory_space<vmem>>, vector<16xf32>,
    tpu.vector_store %arg15[%swap3A_294], %sub3A_293 {strides = array<i32>} : memref<256xf32, #tpu.memory_space<vmem>>, vector<16xf32>,
    %get3A_296 = arith.constant 224 : index
    %get3A_297 = tpu.vector_load %arg8[%get3A_296] {strides = array<i32>} : memref<256xi32, #tpu.memory_space<vmem>>, vector<16xi32>,
    %get3A_298 = arith.constant 224 : index
    %get3A_299 = tpu.vector_load %arg9[%get3A_298] {strides = array<i32>} : memref<256xf32, #tpu.memory_space<vmem>>, vector<16xf32>,
    %get3A_300 = arith.constant 224 : index
    %get3A_301 = tpu.vector_load %arg10[%get3A_300] {strides = array<i32>} : memref<256xf32, #tpu.memory_space<vmem>>, vector<16xf32>,
    %mul3A_302 = arith.mulf %get3A_299, %get3A_301 : vector<16xf32>
    %sub3A_303 = arith.constant 1 : i32
    %sub3A_304 = vector.broadcast %sub3A_303 : i32 to vector<16xi32>
    %sub3A_305 = arith.subi %get3A_297, %sub3A_304 : vector<16xi32>
    %swap3A_306 = arith.constant 224 : index
    %swap3A_307 = tpu.vector_load %arg12[%swap3A_306] {strides = array<i32>} : memref<256xi32, #tpu.memory_space<vmem>>, vector<16xi32>,
    tpu.vector_store %arg12[%swap3A_306], %sub3A_305 {strides = array<i32>} : memref<256xi32, #tpu.memory_space<vmem>>, vector<16xi32>,
    %sub3A_308 = arith.subf %get3A_301, %mul3A_302 : vector<16xf32>
    %swap3A_309 = arith.constant 224 : index
    %swap3A_310 = tpu.vector_load %arg13[%swap3A_309] {strides = array<i32>} : memref<256xf32, #tpu.memory_space<vmem>>, vector<16xf32>,
    tpu.vector_store %arg13[%swap3A_309], %sub3A_308 {strides = array<i32>} : memref<256xf32, #tpu.memory_space<vmem>>, vector<16xf32>,
    %swap3A_311 = arith.constant 224 : index
    %swap3A_312 = tpu.vector_load %arg14[%swap3A_311] {strides = array<i32>} : memref<256xf32, #tpu.memory_space<vmem>>, vector<16xf32>,
    tpu.vector_store %arg14[%swap3A_311], %mul3A_302 {strides = array<i32>} : memref<256xf32, #tpu.memory_space<vmem>>, vector<16xf32>,
    %mul3A_313 = arith.mulf %get3A_3, %get3A_301 : vector<16xf32>
    %sub3A_314 = arith.subf %get3A_3, %mul3A_313 : vector<16xf32>
    %swap3A_315 = arith.constant 224 : index
    %swap3A_316 = tpu.vector_load %arg15[%swap3A_315] {strides = array<i32>} : memref<256xf32, #tpu.memory_space<vmem>>, vector<16xf32>,
    tpu.vector_store %arg15[%swap3A_315], %sub3A_314 {strides = array<i32>} : memref<256xf32, #tpu.memory_space<vmem>>, vector<16xf32>,
    %get3A_317 = arith.constant 240 : index
    %get3A_318 = tpu.vector_load %arg8[%get3A_317] {strides = array<i32>} : memref<256xi32, #tpu.memory_space<vmem>>, vector<16xi32>,
    %get3A_319 = arith.constant 240 : index
    %get3A_320 = tpu.vector_load %arg9[%get3A_319] {strides = array<i32>} : memref<256xf32, #tpu.memory_space<vmem>>, vector<16xf32>,
    %get3A_321 = arith.constant 240 : index
    %get3A_322 = tpu.vector_load %arg10[%get3A_321] {strides = array<i32>} : memref<256xf32, #tpu.memory_space<vmem>>, vector<16xf32>,
    %mul3A_323 = arith.mulf %get3A_320, %get3A_322 : vector<16xf32>
    %sub3A_324 = arith.constant 1 : i32
    %sub3A_325 = vector.broadcast %sub3A_324 : i32 to vector<16xi32>
    %sub3A_326 = arith.subi %get3A_318, %sub3A_325 : vector<16xi32>
    %swap3A_327 = arith.constant 240 : index
    %swap3A_328 = tpu.vector_load %arg12[%swap3A_327] {strides = array<i32>} : memref<256xi32, #tpu.memory_space<vmem>>, vector<16xi32>,
    tpu.vector_store %arg12[%swap3A_327], %sub3A_326 {strides = array<i32>} : memref<256xi32, #tpu.memory_space<vmem>>, vector<16xi32>,
    %sub3A_329 = arith.subf %get3A_322, %mul3A_323 : vector<16xf32>
    %swap3A_330 = arith.constant 240 : index
    %swap3A_331 = tpu.vector_load %arg13[%swap3A_330] {strides = array<i32>} : memref<256xf32, #tpu.memory_space<vmem>>, vector<16xf32>,
    tpu.vector_store %arg13[%swap3A_330], %sub3A_329 {strides = array<i32>} : memref<256xf32, #tpu.memory_space<vmem>>, vector<16xf32>,
    %swap3A_332 = arith.constant 240 : index
    %swap3A_333 = tpu.vector_load %arg14[%swap3A_332] {strides = array<i32>} : memref<256xf32, #tpu.memory_space<vmem>>, vector<16xf32>,
    tpu.vector_store %arg14[%swap3A_332], %mul3A_323 {strides = array<i32>} : memref<256xf32, #tpu.memory_space<vmem>>, vector<16xf32>,
    %mul3A_334 = arith.mulf %get3A_3, %get3A_322 : vector<16xf32>
    %sub3A_335 = arith.subf %get3A_3, %mul3A_334 : vector<16xf32>
    %swap3A_336 = arith.constant 240 : index
    %swap3A_337 = tpu.vector_load %arg15[%swap3A_336] {strides = array<i32>} : memref<256xf32, #tpu.memory_space<vmem>>, vector<16xf32>,
    tpu.vector_store %arg15[%swap3A_336], %sub3A_335 {strides = array<i32>} : memref<256xf32, #tpu.memory_space<vmem>>, vector<16xf32>,
    %add3A_338 = arith.constant 0 : i32
    %add3A_339 = arith.addi %mul3A_2, %add3A_338 : i32
    %dma_start3A = arith.constant 0 : i32
    %dma_start3A_340 = arith.constant 0 : i32
    %dma_start3A_341 = tpu.memref_slice %arg16[%dma_start3A, %dma_start3A_340] : memref<129x64xf32, #tpu.memory_space<vmem>> -> memref<128x64xf32, #tpu.memory_space<vmem>>
    %dma_start3A_342 = arith.constant 0 : i32
    %dma_start3A_343 = tpu.memref_slice %arg2[%add3A_339, %dma_start3A_342] : memref<32768x64xf32, #tpu.memory_space<hbm>> -> memref<128x64xf32, #tpu.memory_space<hbm>>
    %dma_start3A_344 = arith.constant 0 : i32
    %dma_start3A_345 = arith.constant 0 : i32
    %dma_start3A_346 = tpu.memref_slice %arg16[%dma_start3A_344, %dma_start3A_345] : memref<129x64xf32, #tpu.memory_space<vmem>> -> memref<128x64xf32, #tpu.memory_space<vmem>>
    %dma_start3A_347 = arith.constant 0 : i32
    %dma_start3A_348 = tpu.memref_slice %arg2[%add3A_339, %dma_start3A_347] : memref<32768x64xf32, #tpu.memory_space<hbm>> -> memref<128x64xf32, #tpu.memory_space<hbm>>
    tpu.enqueue_dma source(%dma_start3A_348 : memref<128x64xf32, #tpu.memory_space<hbm>>) target(%dma_start3A_346 : memref<128x64xf32, #tpu.memory_space<vmem>>) target_semaphore(%arg20 : memref<!tpu.dma_semaphore, #tpu.memory_space<semaphore_mem>>)
    %add3A_349 = arith.constant 128 : i32
    %add3A_350 = arith.addi %mul3A_2, %add3A_349 : i32
    %dma_start3A_351 = arith.constant 0 : i32
    %dma_start3A_352 = arith.constant 0 : i32
    %dma_start3A_353 = tpu.memref_slice %arg17[%dma_start3A_351, %dma_start3A_352] : memref<129x64xf32, #tpu.memory_space<vmem>> -> memref<128x64xf32, #tpu.memory_space<vmem>>
    %dma_start3A_354 = arith.constant 0 : i32
    %dma_start3A_355 = tpu.memref_slice %arg2[%add3A_350, %dma_start3A_354] : memref<32768x64xf32, #tpu.memory_space<hbm>> -> memref<128x64xf32, #tpu.memory_space<hbm>>
    %dma_start3A_356 = arith.constant 0 : i32
    %dma_start3A_357 = arith.constant 0 : i32
    %dma_start3A_358 = tpu.memref_slice %arg17[%dma_start3A_356, %dma_start3A_357] : memref<129x64xf32, #tpu.memory_space<vmem>> -> memref<128x64xf32, #tpu.memory_space<vmem>>
    %dma_start3A_359 = arith.constant 0 : i32
    %dma_start3A_360 = tpu.memref_slice %arg2[%add3A_350, %dma_start3A_359] : memref<32768x64xf32, #tpu.memory_space<hbm>> -> memref<128x64xf32, #tpu.memory_space<hbm>>
    tpu.enqueue_dma source(%dma_start3A_360 : memref<128x64xf32, #tpu.memory_space<hbm>>) target(%dma_start3A_358 : memref<128x64xf32, #tpu.memory_space<vmem>>) target_semaphore(%arg21 : memref<!tpu.dma_semaphore, #tpu.memory_space<semaphore_mem>>)
    %dma_wait3A = arith.constant 0 : i32
    %dma_wait3A_361 = arith.constant 0 : i32
    %dma_wait3A_362 = tpu.memref_slice %arg16[%dma_wait3A, %dma_wait3A_361] : memref<129x64xf32, #tpu.memory_space<vmem>> -> memref<128x64xf32, #tpu.memory_space<vmem>>
    %dma_wait3A_363 = arith.constant 0 : i32
    %dma_wait3A_364 = tpu.memref_slice %arg2[%add3A_339, %dma_wait3A_363] : memref<32768x64xf32, #tpu.memory_space<hbm>> -> memref<128x64xf32, #tpu.memory_space<hbm>>
    %dma_wait3A_365 = arith.constant 0 : i32
    %dma_wait3A_366 = arith.constant 0 : i32
    %dma_wait3A_367 = tpu.memref_slice %arg16[%dma_wait3A_365, %dma_wait3A_366] : memref<129x64xf32, #tpu.memory_space<vmem>> -> memref<128x64xf32, #tpu.memory_space<vmem>>
    %dma_wait3A_368 = arith.constant 0 : i32
    %dma_wait3A_369 = tpu.memref_slice %arg2[%add3A_339, %dma_wait3A_368] : memref<32768x64xf32, #tpu.memory_space<hbm>> -> memref<128x64xf32, #tpu.memory_space<hbm>>
    tpu.wait_dma2 semaphore(%arg20 : memref<!tpu.dma_semaphore, #tpu.memory_space<semaphore_mem>>) src(%dma_wait3A_369 : memref<128x64xf32, #tpu.memory_space<hbm>>) dst(%dma_wait3A_367 : memref<128x64xf32, #tpu.memory_space<vmem>>)
    %scan3A = arith.constant 0 : i32
    %scan3A_370 = arith.constant 0 : i32
    %scan3A_371 = arith.constant 16 : i32
    %scan3A_372 = arith.addi %scan3A_370, %scan3A_371 : i32
    %scan3A_373 = arith.constant 1 : i32
    %scan3A_374 = scf.for %scan3A_647 = %scan3A_370 to %scan3A_372 step %scan3A_373 iter_args(%scan3A_648 = %scan3A) -> (i32)  : i32 {
      %mul3A_649 = arith.constant 16 : i32
      %mul3A_650 = arith.muli %scan3A_647, %mul3A_649 : i32
      %get3A_651 = arith.index_cast %mul3A_650 : i32 to index
      %get3A_652 = tpu.vector_load %arg12[%get3A_651] {strides = array<i32>} : memref<256xi32, #tpu.memory_space<vmem>>, vector<16xi32>,
      %get3A_653 = arith.index_cast %mul3A_650 : i32 to index
      %get3A_654 = tpu.vector_load %arg13[%get3A_653] {strides = array<i32>} : memref<256xf32, #tpu.memory_space<vmem>>, vector<16xf32>,
      %get3A_655 = arith.index_cast %mul3A_650 : i32 to index
      %get3A_656 = tpu.vector_load %arg14[%get3A_655] {strides = array<i32>} : memref<256xf32, #tpu.memory_space<vmem>>, vector<16xf32>,
      %get3A_657 = arith.index_cast %mul3A_650 : i32 to index
      %get3A_658 = tpu.vector_load %arg15[%get3A_657] {strides = array<i32>} : memref<256xf32, #tpu.memory_space<vmem>>, vector<16xf32>,
      %add3A_659 = arith.constant 1 : i32
      %add3A_660 = vector.broadcast %add3A_659 : i32 to vector<16xi32>
      %add3A_661 = arith.addi %get3A_652, %add3A_660 : vector<16xi32>
      %parallel_loop3A = arith.constant 0 : i32
      %parallel_loop3A_662 = arith.constant 128 : i32
      %parallel_loop3A_663 = arith.constant 1 : i32
      scf.for %parallel_loop3A_665 = %parallel_loop3A to %parallel_loop3A_662 step %parallel_loop3A_663  : i32 {
        %parallel_loop3A_666 = vector.broadcast %parallel_loop3A_665 : i32 to vector<16xi32>
        %parallel_loop3A_667 = tpu.vector_load_idx %arg16[%parallel_loop3A_666, %get3A_652] : memref<129x64xf32, #tpu.memory_space<vmem>>[vector<16xi32>, vector<16xi32>], vector<16xf32>,
        %parallel_loop3A_668 = tpu.vector_load_idx %arg16[%parallel_loop3A_666, %add3A_661] : memref<129x64xf32, #tpu.memory_space<vmem>>[vector<16xi32>, vector<16xi32>], vector<16xf32>,
        %parallel_loop3A_669 = arith.mulf %get3A_654, %parallel_loop3A_667 : vector<16xf32>
        %parallel_loop3A_670 = arith.addf %get3A_658, %parallel_loop3A_669 : vector<16xf32>
        %parallel_loop3A_671 = arith.mulf %get3A_656, %parallel_loop3A_668 : vector<16xf32>
        %parallel_loop3A_672 = arith.addf %parallel_loop3A_670, %parallel_loop3A_671 : vector<16xf32>
        %parallel_loop3A_673 = arith.index_cast %parallel_loop3A_665 : i32 to index
        %parallel_loop3A_674 = arith.index_cast %mul3A_650 : i32 to index
        %parallel_loop3A_675 = tpu.vector_load %arg18[%parallel_loop3A_673, %parallel_loop3A_674] {strides = array<i32>} : memref<128x256xf32, #tpu.memory_space<vmem>>, vector<16xf32>,
        tpu.vector_store %arg18[%parallel_loop3A_673, %parallel_loop3A_674], %parallel_loop3A_672 {strides = array<i32>} : memref<128x256xf32, #tpu.memory_space<vmem>>, vector<16xf32>,
      } {sc.loop_unroll_factor = 8 : i64, sc.parallel_access}
      %scan3A_664 = arith.constant 0 : i32
      scf.yield %scan3A_664 : i32
    }
    %scan3A_375 = arith.constant 16 : i32
    %add3A_376 = arith.constant 0 : i32
    %add3A_377 = arith.addi %mul3A_2, %add3A_376 : i32
    %dma_start3A_378 = arith.constant 0 : i32
    %dma_start3A_379 = tpu.memref_slice %arg7[%add3A_377, %dma_start3A_378] : memref<32768x256xf32, #tpu.memory_space<hbm>> -> memref<128x256xf32, #tpu.memory_space<hbm>>
    %dma_start3A_380 = arith.constant 0 : i32
    %dma_start3A_381 = tpu.memref_slice %arg7[%add3A_377, %dma_start3A_380] : memref<32768x256xf32, #tpu.memory_space<hbm>> -> memref<128x256xf32, #tpu.memory_space<hbm>>
    tpu.enqueue_dma source(%arg18 : memref<128x256xf32, #tpu.memory_space<vmem>>) target(%dma_start3A_381 : memref<128x256xf32, #tpu.memory_space<hbm>>) target_semaphore(%arg22 : memref<!tpu.dma_semaphore, #tpu.memory_space<semaphore_mem>>)
    %add3A_382 = arith.constant 256 : i32
    %add3A_383 = arith.addi %mul3A_2, %add3A_382 : i32
    %dma_start3A_384 = arith.constant 0 : i32
    %dma_start3A_385 = arith.constant 0 : i32
    %dma_start3A_386 = tpu.memref_slice %arg16[%dma_start3A_384, %dma_start3A_385] : memref<129x64xf32, #tpu.memory_space<vmem>> -> memref<128x64xf32, #tpu.memory_space<vmem>>
    %dma_start3A_387 = arith.constant 0 : i32
    %dma_start3A_388 = tpu.memref_slice %arg2[%add3A_383, %dma_start3A_387] : memref<32768x64xf32, #tpu.memory_space<hbm>> -> memref<128x64xf32, #tpu.memory_space<hbm>>
    %dma_start3A_389 = arith.constant 0 : i32
    %dma_start3A_390 = arith.constant 0 : i32
    %dma_start3A_391 = tpu.memref_slice %arg16[%dma_start3A_389, %dma_start3A_390] : memref<129x64xf32, #tpu.memory_space<vmem>> -> memref<128x64xf32, #tpu.memory_space<vmem>>
    %dma_start3A_392 = arith.constant 0 : i32
    %dma_start3A_393 = tpu.memref_slice %arg2[%add3A_383, %dma_start3A_392] : memref<32768x64xf32, #tpu.memory_space<hbm>> -> memref<128x64xf32, #tpu.memory_space<hbm>>
    tpu.enqueue_dma source(%dma_start3A_393 : memref<128x64xf32, #tpu.memory_space<hbm>>) target(%dma_start3A_391 : memref<128x64xf32, #tpu.memory_space<vmem>>) target_semaphore(%arg20 : memref<!tpu.dma_semaphore, #tpu.memory_space<semaphore_mem>>)
    %dma_wait3A_394 = arith.constant 0 : i32
    %dma_wait3A_395 = arith.constant 0 : i32
    %dma_wait3A_396 = tpu.memref_slice %arg17[%dma_wait3A_394, %dma_wait3A_395] : memref<129x64xf32, #tpu.memory_space<vmem>> -> memref<128x64xf32, #tpu.memory_space<vmem>>
    %dma_wait3A_397 = arith.constant 0 : i32
    %dma_wait3A_398 = tpu.memref_slice %arg2[%add3A_350, %dma_wait3A_397] : memref<32768x64xf32, #tpu.memory_space<hbm>> -> memref<128x64xf32, #tpu.memory_space<hbm>>
    %dma_wait3A_399 = arith.constant 0 : i32
    %dma_wait3A_400 = arith.constant 0 : i32
    %dma_wait3A_401 = tpu.memref_slice %arg17[%dma_wait3A_399, %dma_wait3A_400] : memref<129x64xf32, #tpu.memory_space<vmem>> -> memref<128x64xf32, #tpu.memory_space<vmem>>
    %dma_wait3A_402 = arith.constant 0 : i32
    %dma_wait3A_403 = tpu.memref_slice %arg2[%add3A_350, %dma_wait3A_402] : memref<32768x64xf32, #tpu.memory_space<hbm>> -> memref<128x64xf32, #tpu.memory_space<hbm>>
    tpu.wait_dma2 semaphore(%arg21 : memref<!tpu.dma_semaphore, #tpu.memory_space<semaphore_mem>>) src(%dma_wait3A_403 : memref<128x64xf32, #tpu.memory_space<hbm>>) dst(%dma_wait3A_401 : memref<128x64xf32, #tpu.memory_space<vmem>>)
    %scan3A_404 = arith.constant 0 : i32
    %scan3A_405 = arith.constant 0 : i32
    %scan3A_406 = arith.constant 16 : i32
    %scan3A_407 = arith.addi %scan3A_405, %scan3A_406 : i32
    %scan3A_408 = arith.constant 1 : i32
    %scan3A_409 = scf.for %scan3A_647 = %scan3A_405 to %scan3A_407 step %scan3A_408 iter_args(%scan3A_648 = %scan3A_404) -> (i32)  : i32 {
      %mul3A_649 = arith.constant 16 : i32
      %mul3A_650 = arith.muli %scan3A_647, %mul3A_649 : i32
      %get3A_651 = arith.index_cast %mul3A_650 : i32 to index
      %get3A_652 = tpu.vector_load %arg12[%get3A_651] {strides = array<i32>} : memref<256xi32, #tpu.memory_space<vmem>>, vector<16xi32>,
      %get3A_653 = arith.index_cast %mul3A_650 : i32 to index
      %get3A_654 = tpu.vector_load %arg13[%get3A_653] {strides = array<i32>} : memref<256xf32, #tpu.memory_space<vmem>>, vector<16xf32>,
      %get3A_655 = arith.index_cast %mul3A_650 : i32 to index
      %get3A_656 = tpu.vector_load %arg14[%get3A_655] {strides = array<i32>} : memref<256xf32, #tpu.memory_space<vmem>>, vector<16xf32>,
      %get3A_657 = arith.index_cast %mul3A_650 : i32 to index
      %get3A_658 = tpu.vector_load %arg15[%get3A_657] {strides = array<i32>} : memref<256xf32, #tpu.memory_space<vmem>>, vector<16xf32>,
      %add3A_659 = arith.constant 1 : i32
      %add3A_660 = vector.broadcast %add3A_659 : i32 to vector<16xi32>
      %add3A_661 = arith.addi %get3A_652, %add3A_660 : vector<16xi32>
      %parallel_loop3A = arith.constant 0 : i32
      %parallel_loop3A_662 = arith.constant 128 : i32
      %parallel_loop3A_663 = arith.constant 1 : i32
      scf.for %parallel_loop3A_665 = %parallel_loop3A to %parallel_loop3A_662 step %parallel_loop3A_663  : i32 {
        %parallel_loop3A_666 = vector.broadcast %parallel_loop3A_665 : i32 to vector<16xi32>
        %parallel_loop3A_667 = tpu.vector_load_idx %arg17[%parallel_loop3A_666, %get3A_652] : memref<129x64xf32, #tpu.memory_space<vmem>>[vector<16xi32>, vector<16xi32>], vector<16xf32>,
        %parallel_loop3A_668 = tpu.vector_load_idx %arg17[%parallel_loop3A_666, %add3A_661] : memref<129x64xf32, #tpu.memory_space<vmem>>[vector<16xi32>, vector<16xi32>], vector<16xf32>,
        %parallel_loop3A_669 = arith.mulf %get3A_654, %parallel_loop3A_667 : vector<16xf32>
        %parallel_loop3A_670 = arith.addf %get3A_658, %parallel_loop3A_669 : vector<16xf32>
        %parallel_loop3A_671 = arith.mulf %get3A_656, %parallel_loop3A_668 : vector<16xf32>
        %parallel_loop3A_672 = arith.addf %parallel_loop3A_670, %parallel_loop3A_671 : vector<16xf32>
        %parallel_loop3A_673 = arith.index_cast %parallel_loop3A_665 : i32 to index
        %parallel_loop3A_674 = arith.index_cast %mul3A_650 : i32 to index
        %parallel_loop3A_675 = tpu.vector_load %arg19[%parallel_loop3A_673, %parallel_loop3A_674] {strides = array<i32>} : memref<128x256xf32, #tpu.memory_space<vmem>>, vector<16xf32>,
        tpu.vector_store %arg19[%parallel_loop3A_673, %parallel_loop3A_674], %parallel_loop3A_672 {strides = array<i32>} : memref<128x256xf32, #tpu.memory_space<vmem>>, vector<16xf32>,
      } {sc.loop_unroll_factor = 8 : i64, sc.parallel_access}
      %scan3A_664 = arith.constant 0 : i32
      scf.yield %scan3A_664 : i32
    }
    %scan3A_410 = arith.constant 16 : i32
    %add3A_411 = arith.constant 128 : i32
    %add3A_412 = arith.addi %mul3A_2, %add3A_411 : i32
    %dma_start3A_413 = arith.constant 0 : i32
    %dma_start3A_414 = tpu.memref_slice %arg7[%add3A_412, %dma_start3A_413] : memref<32768x256xf32, #tpu.memory_space<hbm>> -> memref<128x256xf32, #tpu.memory_space<hbm>>
    %dma_start3A_415 = arith.constant 0 : i32
    %dma_start3A_416 = tpu.memref_slice %arg7[%add3A_412, %dma_start3A_415] : memref<32768x256xf32, #tpu.memory_space<hbm>> -> memref<128x256xf32, #tpu.memory_space<hbm>>
    tpu.enqueue_dma source(%arg19 : memref<128x256xf32, #tpu.memory_space<vmem>>) target(%dma_start3A_416 : memref<128x256xf32, #tpu.memory_space<hbm>>) target_semaphore(%arg23 : memref<!tpu.dma_semaphore, #tpu.memory_space<semaphore_mem>>)
    %add3A_417 = arith.constant 384 : i32
    %add3A_418 = arith.addi %mul3A_2, %add3A_417 : i32
    %dma_start3A_419 = arith.constant 0 : i32
    %dma_start3A_420 = arith.constant 0 : i32
    %dma_start3A_421 = tpu.memref_slice %arg17[%dma_start3A_419, %dma_start3A_420] : memref<129x64xf32, #tpu.memory_space<vmem>> -> memref<128x64xf32, #tpu.memory_space<vmem>>
    %dma_start3A_422 = arith.constant 0 : i32
    %dma_start3A_423 = tpu.memref_slice %arg2[%add3A_418, %dma_start3A_422] : memref<32768x64xf32, #tpu.memory_space<hbm>> -> memref<128x64xf32, #tpu.memory_space<hbm>>
    %dma_start3A_424 = arith.constant 0 : i32
    %dma_start3A_425 = arith.constant 0 : i32
    %dma_start3A_426 = tpu.memref_slice %arg17[%dma_start3A_424, %dma_start3A_425] : memref<129x64xf32, #tpu.memory_space<vmem>> -> memref<128x64xf32, #tpu.memory_space<vmem>>
    %dma_start3A_427 = arith.constant 0 : i32
    %dma_start3A_428 = tpu.memref_slice %arg2[%add3A_418, %dma_start3A_427] : memref<32768x64xf32, #tpu.memory_space<hbm>> -> memref<128x64xf32, #tpu.memory_space<hbm>>
    tpu.enqueue_dma source(%dma_start3A_428 : memref<128x64xf32, #tpu.memory_space<hbm>>) target(%dma_start3A_426 : memref<128x64xf32, #tpu.memory_space<vmem>>) target_semaphore(%arg21 : memref<!tpu.dma_semaphore, #tpu.memory_space<semaphore_mem>>)
    %dma_wait3A_429 = arith.constant 0 : i32
    %dma_wait3A_430 = arith.constant 0 : i32
    %dma_wait3A_431 = tpu.memref_slice %arg16[%dma_wait3A_429, %dma_wait3A_430] : memref<129x64xf32, #tpu.memory_space<vmem>> -> memref<128x64xf32, #tpu.memory_space<vmem>>
    %dma_wait3A_432 = arith.constant 0 : i32
    %dma_wait3A_433 = tpu.memref_slice %arg2[%add3A_383, %dma_wait3A_432] : memref<32768x64xf32, #tpu.memory_space<hbm>> -> memref<128x64xf32, #tpu.memory_space<hbm>>
    %dma_wait3A_434 = arith.constant 0 : i32
    %dma_wait3A_435 = arith.constant 0 : i32
    %dma_wait3A_436 = tpu.memref_slice %arg16[%dma_wait3A_434, %dma_wait3A_435] : memref<129x64xf32, #tpu.memory_space<vmem>> -> memref<128x64xf32, #tpu.memory_space<vmem>>
    %dma_wait3A_437 = arith.constant 0 : i32
    %dma_wait3A_438 = tpu.memref_slice %arg2[%add3A_383, %dma_wait3A_437] : memref<32768x64xf32, #tpu.memory_space<hbm>> -> memref<128x64xf32, #tpu.memory_space<hbm>>
    tpu.wait_dma2 semaphore(%arg20 : memref<!tpu.dma_semaphore, #tpu.memory_space<semaphore_mem>>) src(%dma_wait3A_438 : memref<128x64xf32, #tpu.memory_space<hbm>>) dst(%dma_wait3A_436 : memref<128x64xf32, #tpu.memory_space<vmem>>)
    %dma_wait3A_439 = arith.constant 0 : i32
    %dma_wait3A_440 = tpu.memref_slice %arg7[%add3A_377, %dma_wait3A_439] : memref<32768x256xf32, #tpu.memory_space<hbm>> -> memref<128x256xf32, #tpu.memory_space<hbm>>
    %dma_wait3A_441 = arith.constant 0 : i32
    %dma_wait3A_442 = tpu.memref_slice %arg7[%add3A_377, %dma_wait3A_441] : memref<32768x256xf32, #tpu.memory_space<hbm>> -> memref<128x256xf32, #tpu.memory_space<hbm>>
    tpu.wait_dma2 semaphore(%arg22 : memref<!tpu.dma_semaphore, #tpu.memory_space<semaphore_mem>>) src(%arg18 : memref<128x256xf32, #tpu.memory_space<vmem>>) dst(%dma_wait3A_442 : memref<128x256xf32, #tpu.memory_space<hbm>>)
    %scan3A_443 = arith.constant 0 : i32
    %scan3A_444 = arith.constant 0 : i32
    %scan3A_445 = arith.constant 16 : i32
    %scan3A_446 = arith.addi %scan3A_444, %scan3A_445 : i32
    %scan3A_447 = arith.constant 1 : i32
    %scan3A_448 = scf.for %scan3A_647 = %scan3A_444 to %scan3A_446 step %scan3A_447 iter_args(%scan3A_648 = %scan3A_443) -> (i32)  : i32 {
      %mul3A_649 = arith.constant 16 : i32
      %mul3A_650 = arith.muli %scan3A_647, %mul3A_649 : i32
      %get3A_651 = arith.index_cast %mul3A_650 : i32 to index
      %get3A_652 = tpu.vector_load %arg12[%get3A_651] {strides = array<i32>} : memref<256xi32, #tpu.memory_space<vmem>>, vector<16xi32>,
      %get3A_653 = arith.index_cast %mul3A_650 : i32 to index
      %get3A_654 = tpu.vector_load %arg13[%get3A_653] {strides = array<i32>} : memref<256xf32, #tpu.memory_space<vmem>>, vector<16xf32>,
      %get3A_655 = arith.index_cast %mul3A_650 : i32 to index
      %get3A_656 = tpu.vector_load %arg14[%get3A_655] {strides = array<i32>} : memref<256xf32, #tpu.memory_space<vmem>>, vector<16xf32>,
      %get3A_657 = arith.index_cast %mul3A_650 : i32 to index
      %get3A_658 = tpu.vector_load %arg15[%get3A_657] {strides = array<i32>} : memref<256xf32, #tpu.memory_space<vmem>>, vector<16xf32>,
      %add3A_659 = arith.constant 1 : i32
      %add3A_660 = vector.broadcast %add3A_659 : i32 to vector<16xi32>
      %add3A_661 = arith.addi %get3A_652, %add3A_660 : vector<16xi32>
      %parallel_loop3A = arith.constant 0 : i32
      %parallel_loop3A_662 = arith.constant 128 : i32
      %parallel_loop3A_663 = arith.constant 1 : i32
      scf.for %parallel_loop3A_665 = %parallel_loop3A to %parallel_loop3A_662 step %parallel_loop3A_663  : i32 {
        %parallel_loop3A_666 = vector.broadcast %parallel_loop3A_665 : i32 to vector<16xi32>
        %parallel_loop3A_667 = tpu.vector_load_idx %arg16[%parallel_loop3A_666, %get3A_652] : memref<129x64xf32, #tpu.memory_space<vmem>>[vector<16xi32>, vector<16xi32>], vector<16xf32>,
        %parallel_loop3A_668 = tpu.vector_load_idx %arg16[%parallel_loop3A_666, %add3A_661] : memref<129x64xf32, #tpu.memory_space<vmem>>[vector<16xi32>, vector<16xi32>], vector<16xf32>,
        %parallel_loop3A_669 = arith.mulf %get3A_654, %parallel_loop3A_667 : vector<16xf32>
        %parallel_loop3A_670 = arith.addf %get3A_658, %parallel_loop3A_669 : vector<16xf32>
        %parallel_loop3A_671 = arith.mulf %get3A_656, %parallel_loop3A_668 : vector<16xf32>
        %parallel_loop3A_672 = arith.addf %parallel_loop3A_670, %parallel_loop3A_671 : vector<16xf32>
        %parallel_loop3A_673 = arith.index_cast %parallel_loop3A_665 : i32 to index
        %parallel_loop3A_674 = arith.index_cast %mul3A_650 : i32 to index
        %parallel_loop3A_675 = tpu.vector_load %arg18[%parallel_loop3A_673, %parallel_loop3A_674] {strides = array<i32>} : memref<128x256xf32, #tpu.memory_space<vmem>>, vector<16xf32>,
        tpu.vector_store %arg18[%parallel_loop3A_673, %parallel_loop3A_674], %parallel_loop3A_672 {strides = array<i32>} : memref<128x256xf32, #tpu.memory_space<vmem>>, vector<16xf32>,
      } {sc.loop_unroll_factor = 8 : i64, sc.parallel_access}
      %scan3A_664 = arith.constant 0 : i32
      scf.yield %scan3A_664 : i32
    }
    %scan3A_449 = arith.constant 16 : i32
    %add3A_450 = arith.constant 256 : i32
    %add3A_451 = arith.addi %mul3A_2, %add3A_450 : i32
    %dma_start3A_452 = arith.constant 0 : i32
    %dma_start3A_453 = tpu.memref_slice %arg7[%add3A_451, %dma_start3A_452] : memref<32768x256xf32, #tpu.memory_space<hbm>> -> memref<128x256xf32, #tpu.memory_space<hbm>>
    %dma_start3A_454 = arith.constant 0 : i32
    %dma_start3A_455 = tpu.memref_slice %arg7[%add3A_451, %dma_start3A_454] : memref<32768x256xf32, #tpu.memory_space<hbm>> -> memref<128x256xf32, #tpu.memory_space<hbm>>
    tpu.enqueue_dma source(%arg18 : memref<128x256xf32, #tpu.memory_space<vmem>>) target(%dma_start3A_455 : memref<128x256xf32, #tpu.memory_space<hbm>>) target_semaphore(%arg22 : memref<!tpu.dma_semaphore, #tpu.memory_space<semaphore_mem>>)
    %add3A_456 = arith.constant 512 : i32
    %add3A_457 = arith.addi %mul3A_2, %add3A_456 : i32
    %dma_start3A_458 = arith.constant 0 : i32
    %dma_start3A_459 = arith.constant 0 : i32
    %dma_start3A_460 = tpu.memref_slice %arg16[%dma_start3A_458, %dma_start3A_459] : memref<129x64xf32, #tpu.memory_space<vmem>> -> memref<128x64xf32, #tpu.memory_space<vmem>>
    %dma_start3A_461 = arith.constant 0 : i32
    %dma_start3A_462 = tpu.memref_slice %arg2[%add3A_457, %dma_start3A_461] : memref<32768x64xf32, #tpu.memory_space<hbm>> -> memref<128x64xf32, #tpu.memory_space<hbm>>
    %dma_start3A_463 = arith.constant 0 : i32
    %dma_start3A_464 = arith.constant 0 : i32
    %dma_start3A_465 = tpu.memref_slice %arg16[%dma_start3A_463, %dma_start3A_464] : memref<129x64xf32, #tpu.memory_space<vmem>> -> memref<128x64xf32, #tpu.memory_space<vmem>>
    %dma_start3A_466 = arith.constant 0 : i32
    %dma_start3A_467 = tpu.memref_slice %arg2[%add3A_457, %dma_start3A_466] : memref<32768x64xf32, #tpu.memory_space<hbm>> -> memref<128x64xf32, #tpu.memory_space<hbm>>
    tpu.enqueue_dma source(%dma_start3A_467 : memref<128x64xf32, #tpu.memory_space<hbm>>) target(%dma_start3A_465 : memref<128x64xf32, #tpu.memory_space<vmem>>) target_semaphore(%arg20 : memref<!tpu.dma_semaphore, #tpu.memory_space<semaphore_mem>>)
    %dma_wait3A_468 = arith.constant 0 : i32
    %dma_wait3A_469 = arith.constant 0 : i32
    %dma_wait3A_470 = tpu.memref_slice %arg17[%dma_wait3A_468, %dma_wait3A_469] : memref<129x64xf32, #tpu.memory_space<vmem>> -> memref<128x64xf32, #tpu.memory_space<vmem>>
    %dma_wait3A_471 = arith.constant 0 : i32
    %dma_wait3A_472 = tpu.memref_slice %arg2[%add3A_418, %dma_wait3A_471] : memref<32768x64xf32, #tpu.memory_space<hbm>> -> memref<128x64xf32, #tpu.memory_space<hbm>>
    %dma_wait3A_473 = arith.constant 0 : i32
    %dma_wait3A_474 = arith.constant 0 : i32
    %dma_wait3A_475 = tpu.memref_slice %arg17[%dma_wait3A_473, %dma_wait3A_474] : memref<129x64xf32, #tpu.memory_space<vmem>> -> memref<128x64xf32, #tpu.memory_space<vmem>>
    %dma_wait3A_476 = arith.constant 0 : i32
    %dma_wait3A_477 = tpu.memref_slice %arg2[%add3A_418, %dma_wait3A_476] : memref<32768x64xf32, #tpu.memory_space<hbm>> -> memref<128x64xf32, #tpu.memory_space<hbm>>
    tpu.wait_dma2 semaphore(%arg21 : memref<!tpu.dma_semaphore, #tpu.memory_space<semaphore_mem>>) src(%dma_wait3A_477 : memref<128x64xf32, #tpu.memory_space<hbm>>) dst(%dma_wait3A_475 : memref<128x64xf32, #tpu.memory_space<vmem>>)
    %dma_wait3A_478 = arith.constant 0 : i32
    %dma_wait3A_479 = tpu.memref_slice %arg7[%add3A_412, %dma_wait3A_478] : memref<32768x256xf32, #tpu.memory_space<hbm>> -> memref<128x256xf32, #tpu.memory_space<hbm>>
    %dma_wait3A_480 = arith.constant 0 : i32
    %dma_wait3A_481 = tpu.memref_slice %arg7[%add3A_412, %dma_wait3A_480] : memref<32768x256xf32, #tpu.memory_space<hbm>> -> memref<128x256xf32, #tpu.memory_space<hbm>>
    tpu.wait_dma2 semaphore(%arg23 : memref<!tpu.dma_semaphore, #tpu.memory_space<semaphore_mem>>) src(%arg19 : memref<128x256xf32, #tpu.memory_space<vmem>>) dst(%dma_wait3A_481 : memref<128x256xf32, #tpu.memory_space<hbm>>)
    %scan3A_482 = arith.constant 0 : i32
    %scan3A_483 = arith.constant 0 : i32
    %scan3A_484 = arith.constant 16 : i32
    %scan3A_485 = arith.addi %scan3A_483, %scan3A_484 : i32
    %scan3A_486 = arith.constant 1 : i32
    %scan3A_487 = scf.for %scan3A_647 = %scan3A_483 to %scan3A_485 step %scan3A_486 iter_args(%scan3A_648 = %scan3A_482) -> (i32)  : i32 {
      %mul3A_649 = arith.constant 16 : i32
      %mul3A_650 = arith.muli %scan3A_647, %mul3A_649 : i32
      %get3A_651 = arith.index_cast %mul3A_650 : i32 to index
      %get3A_652 = tpu.vector_load %arg12[%get3A_651] {strides = array<i32>} : memref<256xi32, #tpu.memory_space<vmem>>, vector<16xi32>,
      %get3A_653 = arith.index_cast %mul3A_650 : i32 to index
      %get3A_654 = tpu.vector_load %arg13[%get3A_653] {strides = array<i32>} : memref<256xf32, #tpu.memory_space<vmem>>, vector<16xf32>,
      %get3A_655 = arith.index_cast %mul3A_650 : i32 to index
      %get3A_656 = tpu.vector_load %arg14[%get3A_655] {strides = array<i32>} : memref<256xf32, #tpu.memory_space<vmem>>, vector<16xf32>,
      %get3A_657 = arith.index_cast %mul3A_650 : i32 to index
      %get3A_658 = tpu.vector_load %arg15[%get3A_657] {strides = array<i32>} : memref<256xf32, #tpu.memory_space<vmem>>, vector<16xf32>,
      %add3A_659 = arith.constant 1 : i32
      %add3A_660 = vector.broadcast %add3A_659 : i32 to vector<16xi32>
      %add3A_661 = arith.addi %get3A_652, %add3A_660 : vector<16xi32>
      %parallel_loop3A = arith.constant 0 : i32
      %parallel_loop3A_662 = arith.constant 128 : i32
      %parallel_loop3A_663 = arith.constant 1 : i32
      scf.for %parallel_loop3A_665 = %parallel_loop3A to %parallel_loop3A_662 step %parallel_loop3A_663  : i32 {
        %parallel_loop3A_666 = vector.broadcast %parallel_loop3A_665 : i32 to vector<16xi32>
        %parallel_loop3A_667 = tpu.vector_load_idx %arg17[%parallel_loop3A_666, %get3A_652] : memref<129x64xf32, #tpu.memory_space<vmem>>[vector<16xi32>, vector<16xi32>], vector<16xf32>,
        %parallel_loop3A_668 = tpu.vector_load_idx %arg17[%parallel_loop3A_666, %add3A_661] : memref<129x64xf32, #tpu.memory_space<vmem>>[vector<16xi32>, vector<16xi32>], vector<16xf32>,
        %parallel_loop3A_669 = arith.mulf %get3A_654, %parallel_loop3A_667 : vector<16xf32>
        %parallel_loop3A_670 = arith.addf %get3A_658, %parallel_loop3A_669 : vector<16xf32>
        %parallel_loop3A_671 = arith.mulf %get3A_656, %parallel_loop3A_668 : vector<16xf32>
        %parallel_loop3A_672 = arith.addf %parallel_loop3A_670, %parallel_loop3A_671 : vector<16xf32>
        %parallel_loop3A_673 = arith.index_cast %parallel_loop3A_665 : i32 to index
        %parallel_loop3A_674 = arith.index_cast %mul3A_650 : i32 to index
        %parallel_loop3A_675 = tpu.vector_load %arg19[%parallel_loop3A_673, %parallel_loop3A_674] {strides = array<i32>} : memref<128x256xf32, #tpu.memory_space<vmem>>, vector<16xf32>,
        tpu.vector_store %arg19[%parallel_loop3A_673, %parallel_loop3A_674], %parallel_loop3A_672 {strides = array<i32>} : memref<128x256xf32, #tpu.memory_space<vmem>>, vector<16xf32>,
      } {sc.loop_unroll_factor = 8 : i64, sc.parallel_access}
      %scan3A_664 = arith.constant 0 : i32
      scf.yield %scan3A_664 : i32
    }
    %scan3A_488 = arith.constant 16 : i32
    %add3A_489 = arith.constant 384 : i32
    %add3A_490 = arith.addi %mul3A_2, %add3A_489 : i32
    %dma_start3A_491 = arith.constant 0 : i32
    %dma_start3A_492 = tpu.memref_slice %arg7[%add3A_490, %dma_start3A_491] : memref<32768x256xf32, #tpu.memory_space<hbm>> -> memref<128x256xf32, #tpu.memory_space<hbm>>
    %dma_start3A_493 = arith.constant 0 : i32
    %dma_start3A_494 = tpu.memref_slice %arg7[%add3A_490, %dma_start3A_493] : memref<32768x256xf32, #tpu.memory_space<hbm>> -> memref<128x256xf32, #tpu.memory_space<hbm>>
    tpu.enqueue_dma source(%arg19 : memref<128x256xf32, #tpu.memory_space<vmem>>) target(%dma_start3A_494 : memref<128x256xf32, #tpu.memory_space<hbm>>) target_semaphore(%arg23 : memref<!tpu.dma_semaphore, #tpu.memory_space<semaphore_mem>>)
    %add3A_495 = arith.constant 640 : i32
    %add3A_496 = arith.addi %mul3A_2, %add3A_495 : i32
    %dma_start3A_497 = arith.constant 0 : i32
    %dma_start3A_498 = arith.constant 0 : i32
    %dma_start3A_499 = tpu.memref_slice %arg17[%dma_start3A_497, %dma_start3A_498] : memref<129x64xf32, #tpu.memory_space<vmem>> -> memref<128x64xf32, #tpu.memory_space<vmem>>
    %dma_start3A_500 = arith.constant 0 : i32
    %dma_start3A_501 = tpu.memref_slice %arg2[%add3A_496, %dma_start3A_500] : memref<32768x64xf32, #tpu.memory_space<hbm>> -> memref<128x64xf32, #tpu.memory_space<hbm>>
    %dma_start3A_502 = arith.constant 0 : i32
    %dma_start3A_503 = arith.constant 0 : i32
    %dma_start3A_504 = tpu.memref_slice %arg17[%dma_start3A_502, %dma_start3A_503] : memref<129x64xf32, #tpu.memory_space<vmem>> -> memref<128x64xf32, #tpu.memory_space<vmem>>
    %dma_start3A_505 = arith.constant 0 : i32
    %dma_start3A_506 = tpu.memref_slice %arg2[%add3A_496, %dma_start3A_505] : memref<32768x64xf32, #tpu.memory_space<hbm>> -> memref<128x64xf32, #tpu.memory_space<hbm>>
    tpu.enqueue_dma source(%dma_start3A_506 : memref<128x64xf32, #tpu.memory_space<hbm>>) target(%dma_start3A_504 : memref<128x64xf32, #tpu.memory_space<vmem>>) target_semaphore(%arg21 : memref<!tpu.dma_semaphore, #tpu.memory_space<semaphore_mem>>)
    %dma_wait3A_507 = arith.constant 0 : i32
    %dma_wait3A_508 = arith.constant 0 : i32
    %dma_wait3A_509 = tpu.memref_slice %arg16[%dma_wait3A_507, %dma_wait3A_508] : memref<129x64xf32, #tpu.memory_space<vmem>> -> memref<128x64xf32, #tpu.memory_space<vmem>>
    %dma_wait3A_510 = arith.constant 0 : i32
    %dma_wait3A_511 = tpu.memref_slice %arg2[%add3A_457, %dma_wait3A_510] : memref<32768x64xf32, #tpu.memory_space<hbm>> -> memref<128x64xf32, #tpu.memory_space<hbm>>
    %dma_wait3A_512 = arith.constant 0 : i32
    %dma_wait3A_513 = arith.constant 0 : i32
    %dma_wait3A_514 = tpu.memref_slice %arg16[%dma_wait3A_512, %dma_wait3A_513] : memref<129x64xf32, #tpu.memory_space<vmem>> -> memref<128x64xf32, #tpu.memory_space<vmem>>
    %dma_wait3A_515 = arith.constant 0 : i32
    %dma_wait3A_516 = tpu.memref_slice %arg2[%add3A_457, %dma_wait3A_515] : memref<32768x64xf32, #tpu.memory_space<hbm>> -> memref<128x64xf32, #tpu.memory_space<hbm>>
    tpu.wait_dma2 semaphore(%arg20 : memref<!tpu.dma_semaphore, #tpu.memory_space<semaphore_mem>>) src(%dma_wait3A_516 : memref<128x64xf32, #tpu.memory_space<hbm>>) dst(%dma_wait3A_514 : memref<128x64xf32, #tpu.memory_space<vmem>>)
    %dma_wait3A_517 = arith.constant 0 : i32
    %dma_wait3A_518 = tpu.memref_slice %arg7[%add3A_451, %dma_wait3A_517] : memref<32768x256xf32, #tpu.memory_space<hbm>> -> memref<128x256xf32, #tpu.memory_space<hbm>>
    %dma_wait3A_519 = arith.constant 0 : i32
    %dma_wait3A_520 = tpu.memref_slice %arg7[%add3A_451, %dma_wait3A_519] : memref<32768x256xf32, #tpu.memory_space<hbm>> -> memref<128x256xf32, #tpu.memory_space<hbm>>
    tpu.wait_dma2 semaphore(%arg22 : memref<!tpu.dma_semaphore, #tpu.memory_space<semaphore_mem>>) src(%arg18 : memref<128x256xf32, #tpu.memory_space<vmem>>) dst(%dma_wait3A_520 : memref<128x256xf32, #tpu.memory_space<hbm>>)
    %scan3A_521 = arith.constant 0 : i32
    %scan3A_522 = arith.constant 0 : i32
    %scan3A_523 = arith.constant 16 : i32
    %scan3A_524 = arith.addi %scan3A_522, %scan3A_523 : i32
    %scan3A_525 = arith.constant 1 : i32
    %scan3A_526 = scf.for %scan3A_647 = %scan3A_522 to %scan3A_524 step %scan3A_525 iter_args(%scan3A_648 = %scan3A_521) -> (i32)  : i32 {
      %mul3A_649 = arith.constant 16 : i32
      %mul3A_650 = arith.muli %scan3A_647, %mul3A_649 : i32
      %get3A_651 = arith.index_cast %mul3A_650 : i32 to index
      %get3A_652 = tpu.vector_load %arg12[%get3A_651] {strides = array<i32>} : memref<256xi32, #tpu.memory_space<vmem>>, vector<16xi32>,
      %get3A_653 = arith.index_cast %mul3A_650 : i32 to index
      %get3A_654 = tpu.vector_load %arg13[%get3A_653] {strides = array<i32>} : memref<256xf32, #tpu.memory_space<vmem>>, vector<16xf32>,
      %get3A_655 = arith.index_cast %mul3A_650 : i32 to index
      %get3A_656 = tpu.vector_load %arg14[%get3A_655] {strides = array<i32>} : memref<256xf32, #tpu.memory_space<vmem>>, vector<16xf32>,
      %get3A_657 = arith.index_cast %mul3A_650 : i32 to index
      %get3A_658 = tpu.vector_load %arg15[%get3A_657] {strides = array<i32>} : memref<256xf32, #tpu.memory_space<vmem>>, vector<16xf32>,
      %add3A_659 = arith.constant 1 : i32
      %add3A_660 = vector.broadcast %add3A_659 : i32 to vector<16xi32>
      %add3A_661 = arith.addi %get3A_652, %add3A_660 : vector<16xi32>
      %parallel_loop3A = arith.constant 0 : i32
      %parallel_loop3A_662 = arith.constant 128 : i32
      %parallel_loop3A_663 = arith.constant 1 : i32
      scf.for %parallel_loop3A_665 = %parallel_loop3A to %parallel_loop3A_662 step %parallel_loop3A_663  : i32 {
        %parallel_loop3A_666 = vector.broadcast %parallel_loop3A_665 : i32 to vector<16xi32>
        %parallel_loop3A_667 = tpu.vector_load_idx %arg16[%parallel_loop3A_666, %get3A_652] : memref<129x64xf32, #tpu.memory_space<vmem>>[vector<16xi32>, vector<16xi32>], vector<16xf32>,
        %parallel_loop3A_668 = tpu.vector_load_idx %arg16[%parallel_loop3A_666, %add3A_661] : memref<129x64xf32, #tpu.memory_space<vmem>>[vector<16xi32>, vector<16xi32>], vector<16xf32>,
        %parallel_loop3A_669 = arith.mulf %get3A_654, %parallel_loop3A_667 : vector<16xf32>
        %parallel_loop3A_670 = arith.addf %get3A_658, %parallel_loop3A_669 : vector<16xf32>
        %parallel_loop3A_671 = arith.mulf %get3A_656, %parallel_loop3A_668 : vector<16xf32>
        %parallel_loop3A_672 = arith.addf %parallel_loop3A_670, %parallel_loop3A_671 : vector<16xf32>
        %parallel_loop3A_673 = arith.index_cast %parallel_loop3A_665 : i32 to index
        %parallel_loop3A_674 = arith.index_cast %mul3A_650 : i32 to index
        %parallel_loop3A_675 = tpu.vector_load %arg18[%parallel_loop3A_673, %parallel_loop3A_674] {strides = array<i32>} : memref<128x256xf32, #tpu.memory_space<vmem>>, vector<16xf32>,
        tpu.vector_store %arg18[%parallel_loop3A_673, %parallel_loop3A_674], %parallel_loop3A_672 {strides = array<i32>} : memref<128x256xf32, #tpu.memory_space<vmem>>, vector<16xf32>,
      } {sc.loop_unroll_factor = 8 : i64, sc.parallel_access}
      %scan3A_664 = arith.constant 0 : i32
      scf.yield %scan3A_664 : i32
    }
    %scan3A_527 = arith.constant 16 : i32
    %add3A_528 = arith.constant 512 : i32
    %add3A_529 = arith.addi %mul3A_2, %add3A_528 : i32
    %dma_start3A_530 = arith.constant 0 : i32
    %dma_start3A_531 = tpu.memref_slice %arg7[%add3A_529, %dma_start3A_530] : memref<32768x256xf32, #tpu.memory_space<hbm>> -> memref<128x256xf32, #tpu.memory_space<hbm>>
    %dma_start3A_532 = arith.constant 0 : i32
    %dma_start3A_533 = tpu.memref_slice %arg7[%add3A_529, %dma_start3A_532] : memref<32768x256xf32, #tpu.memory_space<hbm>> -> memref<128x256xf32, #tpu.memory_space<hbm>>
    tpu.enqueue_dma source(%arg18 : memref<128x256xf32, #tpu.memory_space<vmem>>) target(%dma_start3A_533 : memref<128x256xf32, #tpu.memory_space<hbm>>) target_semaphore(%arg22 : memref<!tpu.dma_semaphore, #tpu.memory_space<semaphore_mem>>)
    %add3A_534 = arith.constant 768 : i32
    %add3A_535 = arith.addi %mul3A_2, %add3A_534 : i32
    %dma_start3A_536 = arith.constant 0 : i32
    %dma_start3A_537 = arith.constant 0 : i32
    %dma_start3A_538 = tpu.memref_slice %arg16[%dma_start3A_536, %dma_start3A_537] : memref<129x64xf32, #tpu.memory_space<vmem>> -> memref<128x64xf32, #tpu.memory_space<vmem>>
    %dma_start3A_539 = arith.constant 0 : i32
    %dma_start3A_540 = tpu.memref_slice %arg2[%add3A_535, %dma_start3A_539] : memref<32768x64xf32, #tpu.memory_space<hbm>> -> memref<128x64xf32, #tpu.memory_space<hbm>>
    %dma_start3A_541 = arith.constant 0 : i32
    %dma_start3A_542 = arith.constant 0 : i32
    %dma_start3A_543 = tpu.memref_slice %arg16[%dma_start3A_541, %dma_start3A_542] : memref<129x64xf32, #tpu.memory_space<vmem>> -> memref<128x64xf32, #tpu.memory_space<vmem>>
    %dma_start3A_544 = arith.constant 0 : i32
    %dma_start3A_545 = tpu.memref_slice %arg2[%add3A_535, %dma_start3A_544] : memref<32768x64xf32, #tpu.memory_space<hbm>> -> memref<128x64xf32, #tpu.memory_space<hbm>>
    tpu.enqueue_dma source(%dma_start3A_545 : memref<128x64xf32, #tpu.memory_space<hbm>>) target(%dma_start3A_543 : memref<128x64xf32, #tpu.memory_space<vmem>>) target_semaphore(%arg20 : memref<!tpu.dma_semaphore, #tpu.memory_space<semaphore_mem>>)
    %dma_wait3A_546 = arith.constant 0 : i32
    %dma_wait3A_547 = arith.constant 0 : i32
    %dma_wait3A_548 = tpu.memref_slice %arg17[%dma_wait3A_546, %dma_wait3A_547] : memref<129x64xf32, #tpu.memory_space<vmem>> -> memref<128x64xf32, #tpu.memory_space<vmem>>
    %dma_wait3A_549 = arith.constant 0 : i32
    %dma_wait3A_550 = tpu.memref_slice %arg2[%add3A_496, %dma_wait3A_549] : memref<32768x64xf32, #tpu.memory_space<hbm>> -> memref<128x64xf32, #tpu.memory_space<hbm>>
    %dma_wait3A_551 = arith.constant 0 : i32
    %dma_wait3A_552 = arith.constant 0 : i32
    %dma_wait3A_553 = tpu.memref_slice %arg17[%dma_wait3A_551, %dma_wait3A_552] : memref<129x64xf32, #tpu.memory_space<vmem>> -> memref<128x64xf32, #tpu.memory_space<vmem>>
    %dma_wait3A_554 = arith.constant 0 : i32
    %dma_wait3A_555 = tpu.memref_slice %arg2[%add3A_496, %dma_wait3A_554] : memref<32768x64xf32, #tpu.memory_space<hbm>> -> memref<128x64xf32, #tpu.memory_space<hbm>>
    tpu.wait_dma2 semaphore(%arg21 : memref<!tpu.dma_semaphore, #tpu.memory_space<semaphore_mem>>) src(%dma_wait3A_555 : memref<128x64xf32, #tpu.memory_space<hbm>>) dst(%dma_wait3A_553 : memref<128x64xf32, #tpu.memory_space<vmem>>)
    %dma_wait3A_556 = arith.constant 0 : i32
    %dma_wait3A_557 = tpu.memref_slice %arg7[%add3A_490, %dma_wait3A_556] : memref<32768x256xf32, #tpu.memory_space<hbm>> -> memref<128x256xf32, #tpu.memory_space<hbm>>
    %dma_wait3A_558 = arith.constant 0 : i32
    %dma_wait3A_559 = tpu.memref_slice %arg7[%add3A_490, %dma_wait3A_558] : memref<32768x256xf32, #tpu.memory_space<hbm>> -> memref<128x256xf32, #tpu.memory_space<hbm>>
    tpu.wait_dma2 semaphore(%arg23 : memref<!tpu.dma_semaphore, #tpu.memory_space<semaphore_mem>>) src(%arg19 : memref<128x256xf32, #tpu.memory_space<vmem>>) dst(%dma_wait3A_559 : memref<128x256xf32, #tpu.memory_space<hbm>>)
    %scan3A_560 = arith.constant 0 : i32
    %scan3A_561 = arith.constant 0 : i32
    %scan3A_562 = arith.constant 16 : i32
    %scan3A_563 = arith.addi %scan3A_561, %scan3A_562 : i32
    %scan3A_564 = arith.constant 1 : i32
    %scan3A_565 = scf.for %scan3A_647 = %scan3A_561 to %scan3A_563 step %scan3A_564 iter_args(%scan3A_648 = %scan3A_560) -> (i32)  : i32 {
      %mul3A_649 = arith.constant 16 : i32
      %mul3A_650 = arith.muli %scan3A_647, %mul3A_649 : i32
      %get3A_651 = arith.index_cast %mul3A_650 : i32 to index
      %get3A_652 = tpu.vector_load %arg12[%get3A_651] {strides = array<i32>} : memref<256xi32, #tpu.memory_space<vmem>>, vector<16xi32>,
      %get3A_653 = arith.index_cast %mul3A_650 : i32 to index
      %get3A_654 = tpu.vector_load %arg13[%get3A_653] {strides = array<i32>} : memref<256xf32, #tpu.memory_space<vmem>>, vector<16xf32>,
      %get3A_655 = arith.index_cast %mul3A_650 : i32 to index
      %get3A_656 = tpu.vector_load %arg14[%get3A_655] {strides = array<i32>} : memref<256xf32, #tpu.memory_space<vmem>>, vector<16xf32>,
      %get3A_657 = arith.index_cast %mul3A_650 : i32 to index
      %get3A_658 = tpu.vector_load %arg15[%get3A_657] {strides = array<i32>} : memref<256xf32, #tpu.memory_space<vmem>>, vector<16xf32>,
      %add3A_659 = arith.constant 1 : i32
      %add3A_660 = vector.broadcast %add3A_659 : i32 to vector<16xi32>
      %add3A_661 = arith.addi %get3A_652, %add3A_660 : vector<16xi32>
      %parallel_loop3A = arith.constant 0 : i32
      %parallel_loop3A_662 = arith.constant 128 : i32
      %parallel_loop3A_663 = arith.constant 1 : i32
      scf.for %parallel_loop3A_665 = %parallel_loop3A to %parallel_loop3A_662 step %parallel_loop3A_663  : i32 {
        %parallel_loop3A_666 = vector.broadcast %parallel_loop3A_665 : i32 to vector<16xi32>
        %parallel_loop3A_667 = tpu.vector_load_idx %arg17[%parallel_loop3A_666, %get3A_652] : memref<129x64xf32, #tpu.memory_space<vmem>>[vector<16xi32>, vector<16xi32>], vector<16xf32>,
        %parallel_loop3A_668 = tpu.vector_load_idx %arg17[%parallel_loop3A_666, %add3A_661] : memref<129x64xf32, #tpu.memory_space<vmem>>[vector<16xi32>, vector<16xi32>], vector<16xf32>,
        %parallel_loop3A_669 = arith.mulf %get3A_654, %parallel_loop3A_667 : vector<16xf32>
        %parallel_loop3A_670 = arith.addf %get3A_658, %parallel_loop3A_669 : vector<16xf32>
        %parallel_loop3A_671 = arith.mulf %get3A_656, %parallel_loop3A_668 : vector<16xf32>
        %parallel_loop3A_672 = arith.addf %parallel_loop3A_670, %parallel_loop3A_671 : vector<16xf32>
        %parallel_loop3A_673 = arith.index_cast %parallel_loop3A_665 : i32 to index
        %parallel_loop3A_674 = arith.index_cast %mul3A_650 : i32 to index
        %parallel_loop3A_675 = tpu.vector_load %arg19[%parallel_loop3A_673, %parallel_loop3A_674] {strides = array<i32>} : memref<128x256xf32, #tpu.memory_space<vmem>>, vector<16xf32>,
        tpu.vector_store %arg19[%parallel_loop3A_673, %parallel_loop3A_674], %parallel_loop3A_672 {strides = array<i32>} : memref<128x256xf32, #tpu.memory_space<vmem>>, vector<16xf32>,
      } {sc.loop_unroll_factor = 8 : i64, sc.parallel_access}
      %scan3A_664 = arith.constant 0 : i32
      scf.yield %scan3A_664 : i32
    }
    %scan3A_566 = arith.constant 16 : i32
    %add3A_567 = arith.constant 640 : i32
    %add3A_568 = arith.addi %mul3A_2, %add3A_567 : i32
    %dma_start3A_569 = arith.constant 0 : i32
    %dma_start3A_570 = tpu.memref_slice %arg7[%add3A_568, %dma_start3A_569] : memref<32768x256xf32, #tpu.memory_space<hbm>> -> memref<128x256xf32, #tpu.memory_space<hbm>>
    %dma_start3A_571 = arith.constant 0 : i32
    %dma_start3A_572 = tpu.memref_slice %arg7[%add3A_568, %dma_start3A_571] : memref<32768x256xf32, #tpu.memory_space<hbm>> -> memref<128x256xf32, #tpu.memory_space<hbm>>
    tpu.enqueue_dma source(%arg19 : memref<128x256xf32, #tpu.memory_space<vmem>>) target(%dma_start3A_572 : memref<128x256xf32, #tpu.memory_space<hbm>>) target_semaphore(%arg23 : memref<!tpu.dma_semaphore, #tpu.memory_space<semaphore_mem>>)
    %add3A_573 = arith.constant 896 : i32
    %add3A_574 = arith.addi %mul3A_2, %add3A_573 : i32
    %dma_start3A_575 = arith.constant 0 : i32
    %dma_start3A_576 = arith.constant 0 : i32
    %dma_start3A_577 = tpu.memref_slice %arg17[%dma_start3A_575, %dma_start3A_576] : memref<129x64xf32, #tpu.memory_space<vmem>> -> memref<128x64xf32, #tpu.memory_space<vmem>>
    %dma_start3A_578 = arith.constant 0 : i32
    %dma_start3A_579 = tpu.memref_slice %arg2[%add3A_574, %dma_start3A_578] : memref<32768x64xf32, #tpu.memory_space<hbm>> -> memref<128x64xf32, #tpu.memory_space<hbm>>
    %dma_start3A_580 = arith.constant 0 : i32
    %dma_start3A_581 = arith.constant 0 : i32
    %dma_start3A_582 = tpu.memref_slice %arg17[%dma_start3A_580, %dma_start3A_581] : memref<129x64xf32, #tpu.memory_space<vmem>> -> memref<128x64xf32, #tpu.memory_space<vmem>>
    %dma_start3A_583 = arith.constant 0 : i32
    %dma_start3A_584 = tpu.memref_slice %arg2[%add3A_574, %dma_start3A_583] : memref<32768x64xf32, #tpu.memory_space<hbm>> -> memref<128x64xf32, #tpu.memory_space<hbm>>
    tpu.enqueue_dma source(%dma_start3A_584 : memref<128x64xf32, #tpu.memory_space<hbm>>) target(%dma_start3A_582 : memref<128x64xf32, #tpu.memory_space<vmem>>) target_semaphore(%arg21 : memref<!tpu.dma_semaphore, #tpu.memory_space<semaphore_mem>>)
    %dma_wait3A_585 = arith.constant 0 : i32
    %dma_wait3A_586 = arith.constant 0 : i32
    %dma_wait3A_587 = tpu.memref_slice %arg16[%dma_wait3A_585, %dma_wait3A_586] : memref<129x64xf32, #tpu.memory_space<vmem>> -> memref<128x64xf32, #tpu.memory_space<vmem>>
    %dma_wait3A_588 = arith.constant 0 : i32
    %dma_wait3A_589 = tpu.memref_slice %arg2[%add3A_535, %dma_wait3A_588] : memref<32768x64xf32, #tpu.memory_space<hbm>> -> memref<128x64xf32, #tpu.memory_space<hbm>>
    %dma_wait3A_590 = arith.constant 0 : i32
    %dma_wait3A_591 = arith.constant 0 : i32
    %dma_wait3A_592 = tpu.memref_slice %arg16[%dma_wait3A_590, %dma_wait3A_591] : memref<129x64xf32, #tpu.memory_space<vmem>> -> memref<128x64xf32, #tpu.memory_space<vmem>>
    %dma_wait3A_593 = arith.constant 0 : i32
    %dma_wait3A_594 = tpu.memref_slice %arg2[%add3A_535, %dma_wait3A_593] : memref<32768x64xf32, #tpu.memory_space<hbm>> -> memref<128x64xf32, #tpu.memory_space<hbm>>
    tpu.wait_dma2 semaphore(%arg20 : memref<!tpu.dma_semaphore, #tpu.memory_space<semaphore_mem>>) src(%dma_wait3A_594 : memref<128x64xf32, #tpu.memory_space<hbm>>) dst(%dma_wait3A_592 : memref<128x64xf32, #tpu.memory_space<vmem>>)
    %dma_wait3A_595 = arith.constant 0 : i32
    %dma_wait3A_596 = tpu.memref_slice %arg7[%add3A_529, %dma_wait3A_595] : memref<32768x256xf32, #tpu.memory_space<hbm>> -> memref<128x256xf32, #tpu.memory_space<hbm>>
    %dma_wait3A_597 = arith.constant 0 : i32
    %dma_wait3A_598 = tpu.memref_slice %arg7[%add3A_529, %dma_wait3A_597] : memref<32768x256xf32, #tpu.memory_space<hbm>> -> memref<128x256xf32, #tpu.memory_space<hbm>>
    tpu.wait_dma2 semaphore(%arg22 : memref<!tpu.dma_semaphore, #tpu.memory_space<semaphore_mem>>) src(%arg18 : memref<128x256xf32, #tpu.memory_space<vmem>>) dst(%dma_wait3A_598 : memref<128x256xf32, #tpu.memory_space<hbm>>)
    %scan3A_599 = arith.constant 0 : i32
    %scan3A_600 = arith.constant 0 : i32
    %scan3A_601 = arith.constant 16 : i32
    %scan3A_602 = arith.addi %scan3A_600, %scan3A_601 : i32
    %scan3A_603 = arith.constant 1 : i32
    %scan3A_604 = scf.for %scan3A_647 = %scan3A_600 to %scan3A_602 step %scan3A_603 iter_args(%scan3A_648 = %scan3A_599) -> (i32)  : i32 {
      %mul3A_649 = arith.constant 16 : i32
      %mul3A_650 = arith.muli %scan3A_647, %mul3A_649 : i32
      %get3A_651 = arith.index_cast %mul3A_650 : i32 to index
      %get3A_652 = tpu.vector_load %arg12[%get3A_651] {strides = array<i32>} : memref<256xi32, #tpu.memory_space<vmem>>, vector<16xi32>,
      %get3A_653 = arith.index_cast %mul3A_650 : i32 to index
      %get3A_654 = tpu.vector_load %arg13[%get3A_653] {strides = array<i32>} : memref<256xf32, #tpu.memory_space<vmem>>, vector<16xf32>,
      %get3A_655 = arith.index_cast %mul3A_650 : i32 to index
      %get3A_656 = tpu.vector_load %arg14[%get3A_655] {strides = array<i32>} : memref<256xf32, #tpu.memory_space<vmem>>, vector<16xf32>,
      %get3A_657 = arith.index_cast %mul3A_650 : i32 to index
      %get3A_658 = tpu.vector_load %arg15[%get3A_657] {strides = array<i32>} : memref<256xf32, #tpu.memory_space<vmem>>, vector<16xf32>,
      %add3A_659 = arith.constant 1 : i32
      %add3A_660 = vector.broadcast %add3A_659 : i32 to vector<16xi32>
      %add3A_661 = arith.addi %get3A_652, %add3A_660 : vector<16xi32>
      %parallel_loop3A = arith.constant 0 : i32
      %parallel_loop3A_662 = arith.constant 128 : i32
      %parallel_loop3A_663 = arith.constant 1 : i32
      scf.for %parallel_loop3A_665 = %parallel_loop3A to %parallel_loop3A_662 step %parallel_loop3A_663  : i32 {
        %parallel_loop3A_666 = vector.broadcast %parallel_loop3A_665 : i32 to vector<16xi32>
        %parallel_loop3A_667 = tpu.vector_load_idx %arg16[%parallel_loop3A_666, %get3A_652] : memref<129x64xf32, #tpu.memory_space<vmem>>[vector<16xi32>, vector<16xi32>], vector<16xf32>,
        %parallel_loop3A_668 = tpu.vector_load_idx %arg16[%parallel_loop3A_666, %add3A_661] : memref<129x64xf32, #tpu.memory_space<vmem>>[vector<16xi32>, vector<16xi32>], vector<16xf32>,
        %parallel_loop3A_669 = arith.mulf %get3A_654, %parallel_loop3A_667 : vector<16xf32>
        %parallel_loop3A_670 = arith.addf %get3A_658, %parallel_loop3A_669 : vector<16xf32>
        %parallel_loop3A_671 = arith.mulf %get3A_656, %parallel_loop3A_668 : vector<16xf32>
        %parallel_loop3A_672 = arith.addf %parallel_loop3A_670, %parallel_loop3A_671 : vector<16xf32>
        %parallel_loop3A_673 = arith.index_cast %parallel_loop3A_665 : i32 to index
        %parallel_loop3A_674 = arith.index_cast %mul3A_650 : i32 to index
        %parallel_loop3A_675 = tpu.vector_load %arg18[%parallel_loop3A_673, %parallel_loop3A_674] {strides = array<i32>} : memref<128x256xf32, #tpu.memory_space<vmem>>, vector<16xf32>,
        tpu.vector_store %arg18[%parallel_loop3A_673, %parallel_loop3A_674], %parallel_loop3A_672 {strides = array<i32>} : memref<128x256xf32, #tpu.memory_space<vmem>>, vector<16xf32>,
      } {sc.loop_unroll_factor = 8 : i64, sc.parallel_access}
      %scan3A_664 = arith.constant 0 : i32
      scf.yield %scan3A_664 : i32
    }
    %scan3A_605 = arith.constant 16 : i32
    %add3A_606 = arith.constant 768 : i32
    %add3A_607 = arith.addi %mul3A_2, %add3A_606 : i32
    %dma_start3A_608 = arith.constant 0 : i32
    %dma_start3A_609 = tpu.memref_slice %arg7[%add3A_607, %dma_start3A_608] : memref<32768x256xf32, #tpu.memory_space<hbm>> -> memref<128x256xf32, #tpu.memory_space<hbm>>
    %dma_start3A_610 = arith.constant 0 : i32
    %dma_start3A_611 = tpu.memref_slice %arg7[%add3A_607, %dma_start3A_610] : memref<32768x256xf32, #tpu.memory_space<hbm>> -> memref<128x256xf32, #tpu.memory_space<hbm>>
    tpu.enqueue_dma source(%arg18 : memref<128x256xf32, #tpu.memory_space<vmem>>) target(%dma_start3A_611 : memref<128x256xf32, #tpu.memory_space<hbm>>) target_semaphore(%arg22 : memref<!tpu.dma_semaphore, #tpu.memory_space<semaphore_mem>>)
    %dma_wait3A_612 = arith.constant 0 : i32
    %dma_wait3A_613 = arith.constant 0 : i32
    %dma_wait3A_614 = tpu.memref_slice %arg17[%dma_wait3A_612, %dma_wait3A_613] : memref<129x64xf32, #tpu.memory_space<vmem>> -> memref<128x64xf32, #tpu.memory_space<vmem>>
    %dma_wait3A_615 = arith.constant 0 : i32
    %dma_wait3A_616 = tpu.memref_slice %arg2[%add3A_574, %dma_wait3A_615] : memref<32768x64xf32, #tpu.memory_space<hbm>> -> memref<128x64xf32, #tpu.memory_space<hbm>>
    %dma_wait3A_617 = arith.constant 0 : i32
    %dma_wait3A_618 = arith.constant 0 : i32
    %dma_wait3A_619 = tpu.memref_slice %arg17[%dma_wait3A_617, %dma_wait3A_618] : memref<129x64xf32, #tpu.memory_space<vmem>> -> memref<128x64xf32, #tpu.memory_space<vmem>>
    %dma_wait3A_620 = arith.constant 0 : i32
    %dma_wait3A_621 = tpu.memref_slice %arg2[%add3A_574, %dma_wait3A_620] : memref<32768x64xf32, #tpu.memory_space<hbm>> -> memref<128x64xf32, #tpu.memory_space<hbm>>
    tpu.wait_dma2 semaphore(%arg21 : memref<!tpu.dma_semaphore, #tpu.memory_space<semaphore_mem>>) src(%dma_wait3A_621 : memref<128x64xf32, #tpu.memory_space<hbm>>) dst(%dma_wait3A_619 : memref<128x64xf32, #tpu.memory_space<vmem>>)
    %dma_wait3A_622 = arith.constant 0 : i32
    %dma_wait3A_623 = tpu.memref_slice %arg7[%add3A_568, %dma_wait3A_622] : memref<32768x256xf32, #tpu.memory_space<hbm>> -> memref<128x256xf32, #tpu.memory_space<hbm>>
    %dma_wait3A_624 = arith.constant 0 : i32
    %dma_wait3A_625 = tpu.memref_slice %arg7[%add3A_568, %dma_wait3A_624] : memref<32768x256xf32, #tpu.memory_space<hbm>> -> memref<128x256xf32, #tpu.memory_space<hbm>>
    tpu.wait_dma2 semaphore(%arg23 : memref<!tpu.dma_semaphore, #tpu.memory_space<semaphore_mem>>) src(%arg19 : memref<128x256xf32, #tpu.memory_space<vmem>>) dst(%dma_wait3A_625 : memref<128x256xf32, #tpu.memory_space<hbm>>)
    %scan3A_626 = arith.constant 0 : i32
    %scan3A_627 = arith.constant 0 : i32
    %scan3A_628 = arith.constant 16 : i32
    %scan3A_629 = arith.addi %scan3A_627, %scan3A_628 : i32
    %scan3A_630 = arith.constant 1 : i32
    %scan3A_631 = scf.for %scan3A_647 = %scan3A_627 to %scan3A_629 step %scan3A_630 iter_args(%scan3A_648 = %scan3A_626) -> (i32)  : i32 {
      %mul3A_649 = arith.constant 16 : i32
      %mul3A_650 = arith.muli %scan3A_647, %mul3A_649 : i32
      %get3A_651 = arith.index_cast %mul3A_650 : i32 to index
      %get3A_652 = tpu.vector_load %arg12[%get3A_651] {strides = array<i32>} : memref<256xi32, #tpu.memory_space<vmem>>, vector<16xi32>,
      %get3A_653 = arith.index_cast %mul3A_650 : i32 to index
      %get3A_654 = tpu.vector_load %arg13[%get3A_653] {strides = array<i32>} : memref<256xf32, #tpu.memory_space<vmem>>, vector<16xf32>,
      %get3A_655 = arith.index_cast %mul3A_650 : i32 to index
      %get3A_656 = tpu.vector_load %arg14[%get3A_655] {strides = array<i32>} : memref<256xf32, #tpu.memory_space<vmem>>, vector<16xf32>,
      %get3A_657 = arith.index_cast %mul3A_650 : i32 to index
      %get3A_658 = tpu.vector_load %arg15[%get3A_657] {strides = array<i32>} : memref<256xf32, #tpu.memory_space<vmem>>, vector<16xf32>,
      %add3A_659 = arith.constant 1 : i32
      %add3A_660 = vector.broadcast %add3A_659 : i32 to vector<16xi32>
      %add3A_661 = arith.addi %get3A_652, %add3A_660 : vector<16xi32>
      %parallel_loop3A = arith.constant 0 : i32
      %parallel_loop3A_662 = arith.constant 128 : i32
      %parallel_loop3A_663 = arith.constant 1 : i32
      scf.for %parallel_loop3A_665 = %parallel_loop3A to %parallel_loop3A_662 step %parallel_loop3A_663  : i32 {
        %parallel_loop3A_666 = vector.broadcast %parallel_loop3A_665 : i32 to vector<16xi32>
        %parallel_loop3A_667 = tpu.vector_load_idx %arg17[%parallel_loop3A_666, %get3A_652] : memref<129x64xf32, #tpu.memory_space<vmem>>[vector<16xi32>, vector<16xi32>], vector<16xf32>,
        %parallel_loop3A_668 = tpu.vector_load_idx %arg17[%parallel_loop3A_666, %add3A_661] : memref<129x64xf32, #tpu.memory_space<vmem>>[vector<16xi32>, vector<16xi32>], vector<16xf32>,
        %parallel_loop3A_669 = arith.mulf %get3A_654, %parallel_loop3A_667 : vector<16xf32>
        %parallel_loop3A_670 = arith.addf %get3A_658, %parallel_loop3A_669 : vector<16xf32>
        %parallel_loop3A_671 = arith.mulf %get3A_656, %parallel_loop3A_668 : vector<16xf32>
        %parallel_loop3A_672 = arith.addf %parallel_loop3A_670, %parallel_loop3A_671 : vector<16xf32>
        %parallel_loop3A_673 = arith.index_cast %parallel_loop3A_665 : i32 to index
        %parallel_loop3A_674 = arith.index_cast %mul3A_650 : i32 to index
        %parallel_loop3A_675 = tpu.vector_load %arg19[%parallel_loop3A_673, %parallel_loop3A_674] {strides = array<i32>} : memref<128x256xf32, #tpu.memory_space<vmem>>, vector<16xf32>,
        tpu.vector_store %arg19[%parallel_loop3A_673, %parallel_loop3A_674], %parallel_loop3A_672 {strides = array<i32>} : memref<128x256xf32, #tpu.memory_space<vmem>>, vector<16xf32>,
      } {sc.loop_unroll_factor = 8 : i64, sc.parallel_access}
      %scan3A_664 = arith.constant 0 : i32
      scf.yield %scan3A_664 : i32
    }
    %scan3A_632 = arith.constant 16 : i32
    %add3A_633 = arith.constant 896 : i32
    %add3A_634 = arith.addi %mul3A_2, %add3A_633 : i32
    %dma_start3A_635 = arith.constant 0 : i32
    %dma_start3A_636 = tpu.memref_slice %arg7[%add3A_634, %dma_start3A_635] : memref<32768x256xf32, #tpu.memory_space<hbm>> -> memref<128x256xf32, #tpu.memory_space<hbm>>
    %dma_start3A_637 = arith.constant 0 : i32
    %dma_start3A_638 = tpu.memref_slice %arg7[%add3A_634, %dma_start3A_637] : memref<32768x256xf32, #tpu.memory_space<hbm>> -> memref<128x256xf32, #tpu.memory_space<hbm>>
    tpu.enqueue_dma source(%arg19 : memref<128x256xf32, #tpu.memory_space<vmem>>) target(%dma_start3A_638 : memref<128x256xf32, #tpu.memory_space<hbm>>) target_semaphore(%arg23 : memref<!tpu.dma_semaphore, #tpu.memory_space<semaphore_mem>>)
    %dma_wait3A_639 = arith.constant 0 : i32
    %dma_wait3A_640 = tpu.memref_slice %arg7[%add3A_607, %dma_wait3A_639] : memref<32768x256xf32, #tpu.memory_space<hbm>> -> memref<128x256xf32, #tpu.memory_space<hbm>>
    %dma_wait3A_641 = arith.constant 0 : i32
    %dma_wait3A_642 = tpu.memref_slice %arg7[%add3A_607, %dma_wait3A_641] : memref<32768x256xf32, #tpu.memory_space<hbm>> -> memref<128x256xf32, #tpu.memory_space<hbm>>
    tpu.wait_dma2 semaphore(%arg22 : memref<!tpu.dma_semaphore, #tpu.memory_space<semaphore_mem>>) src(%arg18 : memref<128x256xf32, #tpu.memory_space<vmem>>) dst(%dma_wait3A_642 : memref<128x256xf32, #tpu.memory_space<hbm>>)
    %dma_wait3A_643 = arith.constant 0 : i32
    %dma_wait3A_644 = tpu.memref_slice %arg7[%add3A_634, %dma_wait3A_643] : memref<32768x256xf32, #tpu.memory_space<hbm>> -> memref<128x256xf32, #tpu.memory_space<hbm>>
    %dma_wait3A_645 = arith.constant 0 : i32
    %dma_wait3A_646 = tpu.memref_slice %arg7[%add3A_634, %dma_wait3A_645] : memref<32768x256xf32, #tpu.memory_space<hbm>> -> memref<128x256xf32, #tpu.memory_space<hbm>>
    tpu.wait_dma2 semaphore(%arg23 : memref<!tpu.dma_semaphore, #tpu.memory_space<semaphore_mem>>) src(%arg19 : memref<128x256xf32, #tpu.memory_space<vmem>>) dst(%dma_wait3A_646 : memref<128x256xf32, #tpu.memory_space<hbm>>)
    return
  }
}

</mosaic_0001>

<sc_bundles>
// kernel: kernel.3.cloned.1.call-start
scs
__scs_entry_jumppad:
0x0: {  	(pc) =	sbr.rel $0x88, $3  }
0x1: {  	(tag) =	ssettag $0x0;
	lr =	simm.s32 $0x1  }
0x2: {  	[smem:$0x3F9C] =	sst lr;
	_ =	strace $0xD0000000  }
0x3: {  	_ = 	snop  }
0x4: {  	_ = 	snop  }
0x5: {  	_ = 	snop  }
0x6: {  	_ = 	snop  }
0x7: {  	_ = 	snop  }
__scs_overlays_trampoline_lowered:
0x8: {  	[smem:$0x3FAB] =	sst s0  }
0x9: {  	[smem:$0x3FAC] =	sst s1  }
0xa: {  	[smem:$0x3FAD] =	sst s2  }
0xb: {  	[smem:$0x3FAE] =	sst s3  }
0xc: {  	[smem:$0x3FAF] =	sst s4  }
0xd: {  	[smem:$0x3FB0] =	sst s5  }
0xe: {  	[smem:$0x3FB1] =	sst s6  }
0xf: {  	[smem:$0x3FB2] =	sst s7  }
0x10: {  	[smem:$0x3FB3] =	sst s8  }
0x11: {  	[smem:$0x3FB4] =	sst s9;
	s0 =	simm.s32 @!p0 $0x0  }
0x12: {  	s1 =	sld [smem:$0x3F9A];
	s0 =	simm.s32 @p0 $0x1  }
0x13: {  	[smem:$0x3FB5] =	sst s0;
	s0 =	simm.s32 @!p1 $0x0  }
0x14: {  	s2 =	sld [smem:$0x3F99];
	s0 =	simm.s32 @p1 $0x1  }
0x15: {  	[smem:$0x3FB6] =	sst s0;
	s0 =	simm.s32 @!p2 $0x0  }
0x16: {  	s3 =	sld [smem:$0x3FDB];
	s0 =	simm.s32 @p2 $0x1  }
0x17: {  	s4 =	simm.s32 $0x1BF5;
	[smem:$0x3FB8] =	sst s0  }
0x18: {  	s0 =	sld [smem:$0x3F9B];
	_ =	swait.ge [sflag:s4], $0x0  }
0x19: {  	s7 =	sld [smem:$0x3F9C]  }
0x1a: {  	s8 =	sadd.s32 $0xFFFFE003, lr  }
0x1b: {  	s9 =	sadd.s32 $0xFFFFFEF7, lr;
	s5 =	simm.s32 $0xFFFFFFFF;
	p2 =	slt.u32 s8, $0xFFFFF086  }
0x1c: {  	p1 =	slt.u32 s9, $0xF7A;
	s5 =	simm.s32 @!p2 $0x0  }
0x1d: {  	s5 =	simm.s32 @p1 $0x1;
	p0 =	seq.s32 s7, s2  }
0x1e: {  	s7 =	smul.u32 @!p0 $0xF7A, s2;
	p2 =	seq.s32 @!p0 s5, $0x0  }
0x1f: {  	s9 =	smul.u32 $0xF7A, s1;
	s8 =	simm.s32 @!p0 $0x1BF5;
	p2 =	por !p2, p0  }
0x20: {  	[sflag:s8] =	ssyncset.s32 @!p0 $0xFFFFF086;
	s6 =	sadd.s32 @!p0 s3, s7;
	s7 =	simm.s32 @!p0 $0x108  }
0x21: {  	s3 =	sadd.s32 s3, s9;
	s6 =	sadd.s32 @!p0 $0x88, s6;
	s7 =	simm.s32 @p2 $0x1082  }
0x22: {  	[simem:s7], [sflag:s8] =	dma.local @!p0 [hbm:s6], $0xF7A  }
0x23: {  	s9 =	sor.u32 $0xD0000000, s2;
	s6 =	simm.s32 $0x108;
	_ =	swait.ge @!p0 [sflag:s8], $0x0  }
0x24: {  	s3 =	sadd.s32 $0x88, s3;
	s6 =	simm.s32 @!p1 $0x1082;
	[sflag:s4] =	ssyncset.s32 $0xFFFFF086  }
0x25: {  	[simem:s6], [sflag:s4] =	dma.local [hbm:s3], $0xF7A  }
0x26: {  	[smem:$0x3F9C] =	sst s1;
	(tag) =	ssettag s2;
	_ =	strace s9  }
0x27: {  	s1 =	sld [smem:$0x3FAC]  }
0x28: {  	s2 =	sld [smem:$0x3FAD]  }
0x29: {  	s4 =	sld [smem:$0x3FAF]  }
0x2a: {  	p0 =	seq.s32 s5, $0x0;
	s5 =	sld [smem:$0x3FB0]  }
0x2b: {  	s6 =	sld [smem:$0x3FB1]  }
0x2c: {  	s7 =	sld [smem:$0x3FB2]  }
0x2d: {  	s3 =	simm.s32 $0x108;
	s8 =	sld [smem:$0x3FB3]  }
0x2e: {  	s3 =	simm.s32 @!p0 $0x1082;
	s9 =	sld [smem:$0x3FB4]  }
0x2f: {  	lr =	sadd.s32 s0, s3;
	s0 =	sld [smem:$0x3FAB]  }
0x30: {  	s3 =	sld [smem:$0x3FAE]  }
0x31: {  	[smem:$0x3FB7] =	sst s10  }
0x32: {  	s10 =	sld [smem:$0x3FB5];
	_ =	sdelay $0x3  }
0x33: {  	p0 =	seq.s32 s10, $0x1;
	s10 =	sld [smem:$0x3FB7];
	_ =	sdelay $0x3  }
0x34: {  	[smem:$0x3FB7] =	sst s10  }
0x35: {  	s10 =	sld [smem:$0x3FB6];
	_ =	sdelay $0x3  }
0x36: {  	p1 =	seq.s32 s10, $0x1;
	s10 =	sld [smem:$0x3FB7];
	_ =	sdelay $0x3  }
0x37: {  	[smem:$0x3FB7] =	sst s10  }
0x38: {  	s10 =	sld [smem:$0x3FB8]  }
0x39: {  	_ = 	snop;
	(pc) =	sbr.ind lr, $3  }
0x3a: {  	_ = 	snop  }
0x3b: {  	_ = 	snop  }
0x3c: {  	p2 =	seq.s32 s10, $0x1;
	s10 =	sld [smem:$0x3FB7]  }
0x3d: {  	_ =	shalt  }
0x3e: {  	_ =	shalt  }
0x3f: {  	_ =	shalt  }
0x40: {  	_ =	shalt  }
0x41: {  	_ =	shalt  }
0x42: {  	_ =	shalt  }
0x43: {  	_ =	shalt  }
0x44: {  	_ =	shalt  }
0x45: {  	_ =	shalt  }
0x46: {  	_ =	shalt  }
0x47: {  	_ =	shalt  }
0x48: {  	_ =	shalt  }
0x49: {  	_ =	shalt  }
0x4a: {  	_ =	shalt  }
0x4b: {  	_ =	shalt  }
0x4c: {  	_ =	shalt  }
0x4d: {  	_ =	shalt  }
0x4e: {  	_ =	shalt  }
0x4f: {  	_ =	shalt  }
0x50: {  	_ =	shalt  }
0x51: {  	_ =	shalt  }
0x52: {  	_ =	shalt  }
0x53: {  	_ =	shalt  }
0x54: {  	_ =	shalt  }
0x55: {  	_ =	shalt  }
0x56: {  	_ =	shalt  }
0x57: {  	_ =	shalt  }
0x58: {  	_ =	shalt  }
0x59: {  	_ =	shalt  }
0x5a: {  	_ =	shalt  }
0x5b: {  	_ =	shalt  }
0x5c: {  	_ =	shalt  }
0x5d: {  	_ =	shalt  }
0x5e: {  	_ =	shalt  }
0x5f: {  	_ =	shalt  }
0x60: {  	_ =	shalt  }
0x61: {  	_ =	shalt  }
0x62: {  	_ =	shalt  }
0x63: {  	_ =	shalt  }
0x64: {  	_ =	shalt  }
0x65: {  	_ =	shalt  }
0x66: {  	_ =	shalt  }
0x67: {  	_ =	shalt  }
0x68: {  	_ =	shalt  }
0x69: {  	_ =	shalt  }
0x6a: {  	_ =	shalt  }
0x6b: {  	_ =	shalt  }
0x6c: {  	_ =	shalt  }
0x6d: {  	_ =	shalt  }
0x6e: {  	_ =	shalt  }
0x6f: {  	_ =	shalt  }
0x70: {  	_ =	shalt  }
0x71: {  	_ =	shalt  }
0x72: {  	_ =	shalt  }
0x73: {  	_ =	shalt  }
0x74: {  	_ =	shalt  }
0x75: {  	_ =	shalt  }
0x76: {  	_ =	shalt  }
0x77: {  	_ =	shalt  }
0x78: {  	_ =	shalt  }
0x79: {  	_ =	shalt  }
0x7a: {  	_ =	shalt  }
0x7b: {  	_ =	shalt  }
0x7c: {  	_ =	shalt  }
0x7d: {  	_ =	shalt  }
0x7e: {  	_ =	shalt  }
0x7f: {  	_ =	shalt  }
0x80: {  	_ =	shalt  }
0x81: {  	_ =	shalt  }
0x82: {  	_ =	shalt  }
0x83: {  	_ =	shalt  }
0x84: {  	_ =	shalt  }
0x85: {  	_ =	shalt  }
0x86: {  	_ =	shalt  }
0x87: {  	_ =	shalt  }
.Lfunc_end0:
.L_simem_size_0:
called_computation_lowered:
.L_overlay_start_0:
0x88: {  	s2 =	sld [smem:$0x3FD9]  }
0x89: {  	s3 =	sld [smem:$0x3FFE];
	_ =	sdelay $0x1  }
0x8a: {  	s1 =	srdreg.scid  }
0x8b: {  	s0 =	sand.u32 $0x1, s1  }
0x8c: {  	s17 =	sshll.u32 s0, $0xA;
	s2 =	sadd.s32 s3, s2  }
0x8d: {  	s2 =	sadd.s32 s2, s17  }
0x8e: {  	[smem:$0x3FC3] =	sst s2  }
0x8f: {  	_ = 	snop  }
0x90: {  	s2 =	sld [smem:$0x3FC8]  }
0x91: {  	s18 =	sld [smem:$0x3FC7]  }
0x92: {  	s4 =	sld [smem:$0x3FC6]  }
0x93: {  	s5 =	sld [smem:$0x3FD0];
	(tm) =	ssettm $0x1  }
0x94: {  	s6 =	sld [smem:$0x3FFB];
	_ =	sdelay $0x3  }
0x95: {  	_ =	strace s6  }
0x96: {  	s6 =	sld [smem:$0x3FFC];
	_ =	sdelay $0x3  }
0x97: {  	_ =	strace s6  }
0x98: {  	s6 =	sld [smem:$0x3FFD];
	_ =	sdelay $0x3  }
0x99: {  	_ =	strace s6  }
0x9a: {  	_ =	strace $0x8FFFFFFF  }
0x9b: {  	s19 =	sld [smem:$0x3FDB];
	_ =	sdelay $0x1  }
0x9c: {  	s7 =	simm.s32 $_scs_section_size  }
0x9d: {  	s8 =	simm.s32 $_size__tile_overlayer_lowered;
	s9 =	simm.s32 $_tile_overlayer_lowered  }
0x9e: {  	s22 =	simm.s32 $0x1BFF;
	s21 =	sshll.u32 s9, $0x1;
	s6 =	sadd.s32 s7, s19  }
0x9f: {  	s10 =	simm.s32 $0x0;
	s20 =	sshll.u32 s8, $0x1;
	s8 =	sadd.s32 s21, s6  }
0xa0: {  	[timem:s10], [sflag:s22] =	dma.local [hbm:s8], s20  }
0xa1: {  	_ =	swait.ge [sflag:s22], s20  }
0xa2: {  	s7 =	ssub.s32 $0x0, s20;
	[sflag:s22] =	ssyncset.done $0x0  }
0xa3: {  	[sflag:s22] =	ssyncadd.s32 s7;
	_ =	sdelay $0x1  }
0xa4: {  	s23 =	simm.s32 $0x1B8B  }
0xa5: {  	_ =	swait.ge [sflag:s23], $0x1  }
0xa6: {  	[sflag:s23] =	ssyncset.done $0x0  }
0xa7: {  	s25 =	simm.s32 $0x1B8E;
	s24 =	sld [smem:$0x3FFE];
	[sflag:s23] =	ssyncadd.s32 $0xFFFFFFFF  }
0xa8: {  	s26 =	simm.s32 $execute0_lowered;
	[smem:$0x3FD2] =	sst s25  }
0xa9: {  	s8 =	sshll.u32 s26, $0x1;
	_ =	strace $0x80000046;
	[dreg:$0x1] =	wrdreg $0xFFFFFFFF  }
0xaa: {  	s28 =	simm.s32 $_size_execute0_lowered;
	s6 =	sadd.s32 s6, s8;
	[dreg:$0x0] =	wrdreg $0x0  }
0xab: {  	s8 =	sshll.u32 s28, $0x1;
	[dreg:$0x2] =	wrdreg s6  }
0xac: {  	[dreg:$0x3] =	wrdreg s8  }
0xad: {  	[dreg:$0x4] =	wrdreg $0xC0  }
0xae: {  	_ =	task [dreg:s10], $0x5FFFF  }
0xaf: {  	[dreg:$0x1] =	wrdreg $0xFFFFFFFF  }
0xb0: {  	[dreg:$0x0] =	wrdreg $0x60  }
0xb1: {  	[dreg:$0x2] =	wrdreg s24  }
0xb2: {  	[dreg:$0x3] =	wrdreg s2  }
0xb3: {  	[dreg:$0x4] =	wrdreg s18  }
0xb4: {  	[dreg:$0x5] =	wrdreg s4  }
0xb5: {  	[dreg:$0x6] =	wrdreg s5  }
0xb6: {  	[dreg:$0x7] =	wrdreg $0x9  }
0xb7: {  	_ =	task.clear_ibuf [dreg:s10], $0x8FFFF;
	_ =	strace $0x90000046  }
0xb8: {  	s29 =	simm.s32 $0x9;
	_ =	strace $0x80000048  }
0xb9: {  	_ =	swait.ge [sflag:s29], $0x1  }
0xba: {  	[sflag:s29] =	ssyncadd.s32 $0xFFFFFFFF  }
0xbb: {  	_ =	strace $0x90000048  }
0xbc: {  	_ =	sfence  }
0xbd: {  	s30 =	sld [smem:$0x0];
	_ =	sdelay $0x2  }
0xbe: {  	s31 =	sshll.u32 s1, $0xD;
	s1 =	sshrl.u32 s1, $0x2  }
0xbf: {  	s3 =	sand.u32 $0x4000, s31;
	s1 =	sadd.s32 s1, s30  }
0xc0: {  	s0 =	sor.u32 s3, s0;
	s1 =	sshll.u32 s1, $0x11  }
0xc1: {  	s0 =	sor.u32 s1, s0  }
0xc2: {  	s0 =	sadd.s32 $0x8F2B, s0  }
0xc3: {  	[sflag:s0] =	ssyncadd.remote.s32 $0x1  }
0xc4: {  	_ =	sfence.sel $0xFFFF  }
0xc5: {  	[dreg:$0x0] =	wrdreg $0xFFFFFFFF;
	(pc) =	sbr.abs _section_cstart, $3  }
0xc6: {  	[dreg:$0x1] =	wrdreg $0xFFFFFFFF  }
0xc7: {  	_ =	task.clear_ibuf [dreg:s10], $0x2FFFF;
	_ =	strace $0x9FFFFFFF  }
0xc8: {  	(tm) =	ssettm $0x7FFFFFFF  }
0xc9: {  	_ =	shalt  }
tec
execute0_lowered:
.L_overlay_start_1:
0x0: {  	(tag) =	ssettag $0x1  }
0x1: {  	s0 =	rddreg [dreg:$0x0]  }
0x2: {  	s1 =	rddreg [dreg:$0x4]  }
0x3: {  	s5 =	simm.s32 $0x0;
	s2 =	srdreg.scid;
	s3 =	stileid.u32  }
0x4: {  	s29 =	simm.s32 $0x780;
	s30 =	simm.s32 $0x4B80;
	s31 =	simm.s32 $0x1  }
0x5: {  	[smem:$0x7FF] =	sst s5;
	s2 =	sand.u32 $0x1, s2;
	s3 =	sshll.u32 s3, $0xB  }
0x6: {  	s6 =	sadd.s32 $0x400, s0;
	s0 =	sadd.s32 $0x80400, s0;
	s4 =	sshll.u32 s2, $0xA  }
0x7: {  	_ =	strace $0x80000047;
	s2 =	ssub.s32 $0x2, s2;
	s3 =	sor.u32 s4, s3  }
0x8: {  	[dreg:$0x6] =	wrdreg s0;
	s8 =	sshrl.u32 s2, $0x1;
	s4 =	sshrl.u32 s3, $0x3  }
0x9: {  	s0 =	ssub.s32 s2, s8;
	s9 =	sshll.u32 s3, $0x4;
	s3 =	sshll.u32 s3, $0x5  }
0xa: {  	s7 =	sor.u32 $0x10, s4;
	s2 =	sadd.s32 s6, s9;
	s11 =	sadd.s32 s1, s3  }
0xb: {  	s12 =	sor.u32 $0x20, s4;
	s8 =	sor.u32 $0x30, s4;
	s16 =	sor.u32 $0x40, s4  }
0xc: {  	s20 =	sor.u32 $0x50, s4;
	s22 =	sor.u32 $0x60, s4;
	s24 =	sor.u32 $0x70, s4  }
0xd: {  	s4 =	simm.s32 $0x2;
	[dreg:$0x7] =	wrdreg s2;
	s10 =	sshll.u32 s7, $0x7  }
0xe: {  	[dreg:$0x9] =	wrdreg s11;
	s13 =	sshll.u32 s12, $0x7;
	s7 =	sshll.u32 s7, $0x8  }
0xf: {  	s15 =	sshll.u32 s8, $0x7;
	s17 =	sshll.u32 s16, $0x7;
	s18 =	sshll.u32 s8, $0x8  }
0x10: {  	s21 =	sshll.u32 s20, $0x7;
	s23 =	sshll.u32 s22, $0x7;
	s2 =	sadd.s32 s6, s10  }
0x11: {  	s25 =	sshll.u32 s24, $0x7;
	s3 =	sadd.s32 s6, s13;
	[dreg:$0x8] =	wrdreg s2  }
0x12: {  	s26 =	sshll.u32 s22, $0x8;
	s14 =	sadd.s32 s1, s7;
	[dreg:$0xa] =	wrdreg s3  }
0x13: {  	s28 =	sshll.u32 s24, $0x8;
	s19 =	sadd.s32 s1, s18;
	[dreg:$0xb] =	wrdreg s14  }
0x14: {  	s24 =	simm.s32 $0x5;
	s7 =	sadd.s32 s6, s21;
	[dreg:$0xf] =	wrdreg s19  }
0x15: {  	s3 =	sadd.s32 s6, s15;
	s2 =	sshll.u32 s12, $0x8;
	[dreg:$0x10] =	wrdreg s7  }
0x16: {  	s21 =	sadd.s32 s1, s26;
	[dreg:$0xc] =	wrdreg s3;
	s2 =	sadd.s32 s1, s2  }
0x17: {  	s3 =	sshll.u32 s16, $0x8;
	[dreg:$0xd] =	wrdreg s2;
	s2 =	sadd.s32 s6, s17  }
0x18: {  	s22 =	sadd.s32 s1, s28;
	s3 =	sadd.s32 s1, s3;
	[dreg:$0xe] =	wrdreg s2  }
0x19: {  	[dreg:$0x11] =	wrdreg s3;
	s3 =	sadd.s32 s6, s23;
	s2 =	sshll.u32 s20, $0x8  }
0x1a: {  	s20 =	sadd.s32 s6, s25;
	s23 =	smax.u32 s0, $0x1;
	s0 =	simm.s32 $0x8F80  }
0x1b: {  	s25 =	simm.s32 $0x0;
	[dreg:$0x12] =	wrdreg s3;
	s19 =	sadd.s32 s1, s2  }
0x1c: {  	s1 =	simm.s32 $0x10F80;
	s2 =	simm.s32 $0x3;
	s3 =	simm.s32 $0x4  }
.LBB2_1:
0x1d: {  	s6 =	rddreg [dreg:$0x1]  }
0x1e: {  	[tilespmem:s5], [sflag:$0x5] =	stream.linear.gather [hbm4b:s6+s5], $0x100, $0x38;
	[tilespmem:$0x18F80] =	vst v63  }
0x1f: {  	_ =	swait.ge [sflag:s24], $0x100  }
0x20: {  	[sflag:s24] =	ssyncset.done $0x0  }
0x21: {  	[sflag:s24] =	ssyncadd.s32 $0xFFFFFF00  }
0x22: {  	s7 =	simm.s32 $0x100;
	s13 =	rddreg [dreg:$0x2]  }
0x23: {  	[tilespmem:s7], [sflag:$0x5] =	stream.linear.gather [hbm4b:s13+s5], $0x100, $0x38;
	[tilespmem:$0x18F80] =	vst v63  }
0x24: {  	_ =	swait.ge [sflag:s24], $0x100  }
0x25: {  	[sflag:s24] =	ssyncset.done $0x0  }
0x26: {  	[sflag:s24] =	ssyncadd.s32 $0xFFFFFF00  }
0x27: {  	s15 =	simm.s32 $0x200;
	s14 =	rddreg [dreg:$0x3]  }
0x28: {  	[tilespmem:s15], [sflag:$0x5] =	stream.linear.gather [hbm4b:s14+s5], $0x100, $0x38;
	[tilespmem:$0x18F80] =	vst v63  }
0x29: {  	_ =	swait.ge [sflag:s24], $0x100  }
0x2a: {  	[sflag:s24] =	ssyncset.done $0x0  }
0x2b: {  	s17 =	simm.s32 $0x300;
	s16 =	rddreg [dreg:$0x6];
	[sflag:s24] =	ssyncadd.s32 $0xFFFFFF00  }
0x2c: {  	[tilespmem:s17], [sflag:$0x5] =	stream.linear.gather [hbm4b:s16+s5], $0x80, $0x38;
	[tilespmem:$0x18F80] =	vst v63  }
0x2d: {  	_ =	swait.ge [sflag:s24], $0x80  }
0x2e: {  	[sflag:s24] =	ssyncset.done $0x0  }
0x2f: {  	[sflag:s24] =	ssyncadd.s32 $0xFFFFFF80  }
0x30: {  	v1 =	vld [tilespmem:$0x100]  }
0x31: {  	v2 =	vld [tilespmem:$0x200]  }
0x32: {  	v3 =	vld [tilespmem:$0x0]  }
0x33: {  	v4 =	vld [tilespmem:$0x110]  }
0x34: {  	v5 =	vld [tilespmem:$0x210]  }
0x35: {  	v6 =	vld [tilespmem:$0x10]  }
0x36: {  	v8 =	vld [tilespmem:$0x120]  }
0x37: {  	v31 =	vld [tilespmem:$0x220]  }
0x38: {  	v35 =	vld [tilespmem:$0x130]  }
0x39: {  	v36 =	vld [tilespmem:$0x230]  }
0x3a: {  	v38 =	vld [tilespmem:$0x30]  }
0x3b: {  	v40 =	vld [tilespmem:$0x140]  }
0x3c: {  	v41 =	vld [tilespmem:$0x240]  }
0x3d: {  	v43 =	vld [tilespmem:$0x40]  }
0x3e: {  	v46 =	vld [tilespmem:$0x150]  }
0x3f: {  	v49 =	vld [tilespmem:$0x50]  }
0x40: {  	v55 =	vld [tilespmem:$0x60];
	v3 =	vadd.s32 $0xFFFFFFFF, v3  }
0x41: {  	v61 =	vld [tilespmem:$0x70];
	v33 =	vadd.s32 $0xFFFFFFFF, v6;
	[tilespmem:$0x380] =	vst v3  }
0x42: {  	v15 =	vld [tilespmem:$0x80];
	v44 =	vadd.s32 $0xFFFFFFFF, v38;
	[tilespmem:$0x390] =	vst v33  }
0x43: {  	v21 =	vld [tilespmem:$0x90];
	v50 =	vadd.s32 $0xFFFFFFFF, v43;
	[tilespmem:$0x3B0] =	vst v44  }
0x44: {  	v47 =	vld [tilespmem:$0x250];
	v56 =	vadd.s32 $0xFFFFFFFF, v49;
	[tilespmem:$0x3C0] =	vst v50  }
0x45: {  	v52 =	vld [tilespmem:$0x160];
	v62 =	vadd.s32 $0xFFFFFFFF, v55;
	[tilespmem:$0x3D0] =	vst v56  }
0x46: {  	v53 =	vld [tilespmem:$0x260];
	v16 =	vadd.s32 $0xFFFFFFFF, v61;
	[tilespmem:$0x3E0] =	vst v62  }
0x47: {  	v58 =	vld [tilespmem:$0x170];
	v22 =	vadd.s32 $0xFFFFFFFF, v15;
	[tilespmem:$0x3F0] =	vst v16  }
0x48: {  	v59 =	vld [tilespmem:$0x270];
	v1 =	vmul.f32 v2, v1;
	v28 =	vadd.s32 $0xFFFFFFFF, v21;
	[tilespmem:$0x400] =	vst v22  }
0x49: {  	v12 =	vld [tilespmem:$0x180];
	v4 =	vmul.f32 v5, v4;
	[tilespmem:$0x410] =	vst v28  }
0x4a: {  	v13 =	vld [tilespmem:$0x280];
	v37 =	vmul.f32 v31, v8;
	[tilespmem:$0x580] =	vst v1  }
0x4b: {  	v18 =	vld [tilespmem:$0x190];
	v42 =	vmul.f32 v36, v35;
	[tilespmem:$0x590] =	vst v4  }
0x4c: {  	v19 =	vld [tilespmem:$0x290];
	v48 =	vmul.f32 v41, v40;
	[tilespmem:$0x5A0] =	vst v37  }
0x4d: {  	v54 =	vmul.f32 v47, v46;
	[tilespmem:$0x5B0] =	vst v42  }
0x4e: {  	v32 =	vld [tilespmem:$0x20];
	v60 =	vmul.f32 v53, v52;
	[tilespmem:$0x5C0] =	vst v48  }
0x4f: {  	v14 =	vmul.f32 v59, v58;
	[tilespmem:$0x5D0] =	vst v54  }
0x50: {  	v20 =	vmul.f32 v13, v12;
	[tilespmem:$0x5E0] =	vst v60  }
0x51: {  	v26 =	vmul.f32 v19, v18;
	[tilespmem:$0x5F0] =	vst v14  }
0x52: {  	[tilespmem:$0x600] =	vst v20  }
0x53: {  	v7 =	vsub.f32 v2, v1;
	v1 =	vadd.s32 $0xFFFFFFFF, v32;
	[tilespmem:$0x610] =	vst v26  }
0x54: {  	v34 =	vsub.f32 v5, v4;
	[tilespmem:$0x3A0] =	vst v1  }
0x55: {  	v39 =	vsub.f32 v31, v37;
	[tilespmem:$0x480] =	vst v7  }
0x56: {  	v0 =	vld [tilespmem:$0x300];
	v45 =	vsub.f32 v36, v42;
	[tilespmem:$0x490] =	vst v34  }
0x57: {  	v24 =	vld [tilespmem:$0x1A0];
	v51 =	vsub.f32 v41, v48;
	[tilespmem:$0x4A0] =	vst v39  }
0x58: {  	v25 =	vld [tilespmem:$0x2A0];
	v57 =	vsub.f32 v47, v54;
	[tilespmem:$0x4B0] =	vst v45  }
0x59: {  	v63 =	vsub.f32 v53, v60;
	[tilespmem:$0x4C0] =	vst v51  }
0x5a: {  	v17 =	vsub.f32 v59, v14;
	[tilespmem:$0x4D0] =	vst v57  }
0x5b: {  	v27 =	vld [tilespmem:$0xA0];
	v23 =	vsub.f32 v13, v20;
	[tilespmem:$0x4E0] =	vst v63  }
0x5c: {  	v30 =	vld [tilespmem:$0x1B0];
	v3 =	vmul.f32 v31, v0;
	v29 =	vsub.f32 v19, v26;
	[tilespmem:$0x4F0] =	vst v17  }
0x5d: {  	v43 =	vld [tilespmem:$0x2D0];
	v32 =	vmul.f32 v25, v24;
	[tilespmem:$0x500] =	vst v23  }
0x5e: {  	v49 =	vld [tilespmem:$0x2E0];
	v2 =	vmul.f32 v2, v0;
	v3 =	vsub.f32 v0, v3;
	[tilespmem:$0x510] =	vst v29  }
0x5f: {  	v55 =	vld [tilespmem:$0x2F0];
	v5 =	vmul.f32 v5, v0;
	[tilespmem:$0x620] =	vst v32  }
0x60: {  	v33 =	vld [tilespmem:$0xB0];
	v2 =	vsub.f32 v0, v2;
	v34 =	vadd.s32 $0xFFFFFFFF, v27;
	[tilespmem:$0x6A0] =	vst v3  }
0x61: {  	v31 =	vld [tilespmem:$0x2B0];
	v1 =	vmul.f32 v41, v0;
	v5 =	vsub.f32 v0, v5;
	[tilespmem:$0x420] =	vst v34  }
0x62: {  	v42 =	vld [tilespmem:$0x1D0];
	v35 =	vsub.f32 v25, v32;
	[tilespmem:$0x680] =	vst v2  }
0x63: {  	v48 =	vld [tilespmem:$0x1E0];
	v1 =	vsub.f32 v0, v1;
	v3 =	vmul.f32 v47, v0;
	[tilespmem:$0x690] =	vst v5  }
0x64: {  	v54 =	vld [tilespmem:$0x1F0];
	[tilespmem:$0x520] =	vst v35  }
0x65: {  	v40 =	vadd.s32 $0xFFFFFFFF, v33;
	[tilespmem:$0x6C0] =	vst v1;
	v3 =	vsub.f32 v0, v3  }
0x66: {  	v38 =	vmul.f32 v31, v30;
	[tilespmem:$0x430] =	vst v40  }
0x67: {  	v39 =	vld [tilespmem:$0xC0];
	v50 =	vmul.f32 v43, v42;
	[tilespmem:$0x6D0] =	vst v3  }
0x68: {  	v45 =	vld [tilespmem:$0xD0];
	v2 =	vmul.f32 v36, v0;
	v56 =	vmul.f32 v49, v48;
	[tilespmem:$0x630] =	vst v38  }
0x69: {  	v51 =	vld [tilespmem:$0xE0];
	v61 =	vmul.f32 v55, v54;
	[tilespmem:$0x650] =	vst v50  }
0x6a: {  	v57 =	vld [tilespmem:$0xF0];
	v2 =	vsub.f32 v0, v2;
	[tilespmem:$0x660] =	vst v56  }
0x6b: {  	[tilespmem:$0x670] =	vst v61  }
0x6c: {  	v46 =	vadd.s32 $0xFFFFFFFF, v39;
	[tilespmem:$0x6B0] =	vst v2  }
0x6d: {  	v1 =	vmul.f32 v59, v0;
	v52 =	vadd.s32 $0xFFFFFFFF, v45;
	[tilespmem:$0x440] =	vst v46  }
0x6e: {  	v58 =	vadd.s32 $0xFFFFFFFF, v51;
	[tilespmem:$0x450] =	vst v52  }
0x6f: {  	v1 =	vsub.f32 v0, v1;
	v62 =	vadd.s32 $0xFFFFFFFF, v57;
	[tilespmem:$0x460] =	vst v58  }
0x70: {  	v41 =	vsub.f32 v31, v38;
	v2 =	vmul.f32 v53, v0;
	[tilespmem:$0x470] =	vst v62  }
0x71: {  	v37 =	vld [tilespmem:$0x2C0];
	v59 =	vsub.f32 v49, v56;
	[tilespmem:$0x6F0] =	vst v1  }
0x72: {  	v36 =	vld [tilespmem:$0x1C0];
	[tilespmem:$0x530] =	vst v41;
	v2 =	vsub.f32 v0, v2  }
0x73: {  	v3 =	vmul.f32 v13, v0;
	v63 =	vsub.f32 v55, v61;
	[tilespmem:$0x560] =	vst v59  }
0x74: {  	v53 =	vsub.f32 v43, v50;
	[tilespmem:$0x6E0] =	vst v2;
	v2 =	vmul.f32 v19, v0  }
0x75: {  	v3 =	vsub.f32 v0, v3;
	[tilespmem:$0x570] =	vst v63  }
0x76: {  	v1 =	vmul.f32 v25, v0;
	[tilespmem:$0x550] =	vst v53;
	v2 =	vsub.f32 v0, v2  }
0x77: {  	v44 =	vmul.f32 v37, v36;
	[tilespmem:$0x700] =	vst v3;
	v3 =	vmul.f32 v31, v0  }
0x78: {  	v1 =	vsub.f32 v0, v1;
	[tilespmem:$0x710] =	vst v2;
	v2 =	vmul.f32 v37, v0  }
0x79: {  	[tilespmem:$0x640] =	vst v44;
	v3 =	vsub.f32 v0, v3  }
0x7a: {  	[tilespmem:$0x720] =	vst v1;
	v1 =	vmul.f32 v43, v0;
	v2 =	vsub.f32 v0, v2  }
0x7b: {  	v47 =	vsub.f32 v37, v44;
	[tilespmem:$0x730] =	vst v3;
	v3 =	vmul.f32 v49, v0  }
0x7c: {  	v1 =	vsub.f32 v0, v1;
	[tilespmem:$0x740] =	vst v2;
	v2 =	vmul.f32 v55, v0  }
0x7d: {  	[tilespmem:$0x540] =	vst v47;
	v60 =	vsub.f32 v0, v3  }
0x7e: {  	[tilespmem:$0x750] =	vst v1;
	v0 =	vsub.f32 v0, v2  }
0x7f: {  	[tilespmem:$0x760] =	vst v60  }
0x80: {  	s18 =	rddreg [dreg:$0x7];
	[tilespmem:$0x770] =	vst v0  }
0x81: {  	[tilespmem:s29], [sflag:$0x1] =	stream.linear.gather [hbm4b:s18+s5], $0x4000, $0x38;
	[tilespmem:$0x18F80] =	vst v63  }
0x82: {  	s26 =	rddreg [dreg:$0x8]  }
0x83: {  	[tilespmem:s30], [sflag:$0x2] =	stream.linear.gather [hbm4b:s26+s5], $0x4000, $0x38;
	[tilespmem:$0x18F80] =	vst v63  }
0x84: {  	_ =	swait.ge [sflag:s31], $0x4000  }
0x85: {  	s28 =	simm.s32 $0x0;
	[sflag:s31] =	ssyncset.done $0x0  }
0x86: {  	s6 =	simm.s32 $0x0;
	s26 =	simm.s32 $0x0;
	[sflag:s31] =	ssyncadd.s32 $0xFFFFC000  }
.LBB2_2:
0x87: {  	s7 =	sshll.u32 s6, $0x4  }
0x88: {  	v3 =	vld [tilespmem:s7+$0x380];
	_ =	sdelay $0x3  }
0x89: {  	s8 =	simm.s32 $0x100  }
0x8a: {  	s9 =	simm.s32 $0x280;
	v5 =	vadd.s32 s8, v3  }
0x8b: {  	s10 =	simm.s32 $0x180;
	v6 =	vadd.s32 s9, v3  }
0x8c: {  	s11 =	simm.s32 $0x380;
	v2 =	vld [tilespmem:s7+$0x480];
	v7 =	vadd.s32 s10, v3  }
0x8d: {  	s12 =	simm.s32 $0x200;
	v0 =	vld [tilespmem:s7+$0x580];
	v8 =	vadd.s32 s11, v3  }
0x8e: {  	s16 =	simm.s32 $0x580;
	v1 =	vld [tilespmem:s7+$0x680];
	v9 =	vadd.s32 s12, v3  }
0x8f: {  	v4 =	vadd.s32 $0x1, v3;
	v26 =	vadd.s32 s16, v3;
	v5 =	vld.idx.msk [tilespmem:v5+s29+$0x0], $0xffff  }
0x90: {  	v10 =	vadd.s32 s10, v4;
	v11 =	vld.idx.msk [tilespmem:v6+s29+$0x0], $0xffff  }
0x91: {  	s18 =	simm.s32 $0x0;
	v12 =	vadd.s32 s9, v4;
	v7 =	vld.idx.msk [tilespmem:v7+s29+$0x0], $0xffff  }
0x92: {  	s10 =	simm.s32 $0x80;
	v18 =	vadd.s32 s18, v4;
	v8 =	vld.idx.msk [tilespmem:v8+s29+$0x0], $0xffff  }
0x93: {  	v16 =	vadd.s32 s10, v3;
	v20 =	vadd.s32 s10, v4;
	s10 =	simm.s32 $0x500;
	v9 =	vld.idx.msk [tilespmem:v9+s29+$0x0], $0xffff  }
0x94: {  	s17 =	simm.s32 $0x300;
	v23 =	vadd.s32 s10, v3;
	v35 =	vld.idx.msk [tilespmem:v26+s29+$0x0], $0xffff  }
0x95: {  	v6 =	vadd.s32 s17, v3;
	v10 =	vld.idx.msk [tilespmem:v10+s29+$0x0], $0xffff  }
0x96: {  	v13 =	vadd.s32 s12, v4;
	v12 =	vld.idx.msk [tilespmem:v12+s29+$0x0], $0xffff  }
0x97: {  	v18 =	vld.idx.msk [tilespmem:v18+s29+$0x0], $0xffff  }
0x98: {  	s13 =	simm.s32 $0x780;
	v14 =	vadd.s32 s17, v4;
	v19 =	vadd.s32 s11, v4;
	s11 =	simm.s32 $0x600;
	v16 =	vld.idx.msk [tilespmem:v16+s29+$0x0], $0xffff  }
0x99: {  	v15 =	vadd.s32 s18, v3;
	v27 =	vadd.s32 s13, v3;
	s12 =	simm.s32 $0x680;
	s18 =	simm.s32 $0x700;
	v25 =	vadd.s32 s11, v3;
	v32 =	vld.idx.msk [tilespmem:v23+s29+$0x0], $0xffff  }
0x9a: {  	v29 =	vadd.s32 s12, v4;
	v33 =	vadd.s32 s18, v3;
	v36 =	vadd.s32 s11, v4;
	v17 =	vld.idx.msk [tilespmem:v6+s29+$0x0], $0xffff  }
0x9b: {  	v23 =	vadd.s32 s16, v4;
	v6 =	vmul.f32 v7, v2;
	v7 =	vld.idx.msk [tilespmem:v13+s29+$0x0], $0xffff;
	v21 =	vmul.f32 v5, v2  }
0x9c: {  	s9 =	simm.s32 $0x400;
	v28 =	vld.idx.msk [tilespmem:v20+s29+$0x0], $0xffff;
	v13 =	vadd.s32 s8, v4;
	v22 =	vmul.f32 v8, v2;
	v9 =	vmul.f32 v9, v2  }
0x9d: {  	v14 =	vld.idx.msk [tilespmem:v14+s29+$0x0], $0xffff;
	v5 =	vadd.s32 s9, v3;
	v11 =	vmul.f32 v11, v2;
	v24 =	vmul.f32 v10, v0  }
0x9e: {  	s8 =	simm.s32 $0x480;
	v8 =	vld.idx.msk [tilespmem:v15+s29+$0x0], $0xffff;
	v10 =	vadd.s32 s12, v3;
	v12 =	vmul.f32 v12, v0;
	v26 =	vmul.f32 v18, v0  }
0x9f: {  	s14 =	sshll.u32 s28, $0x2;
	s15 =	sand.u32 $0x7, s26;
	v31 =	vld.idx.msk [tilespmem:v19+s29+$0x0], $0xffff;
	v15 =	vadd.f32 v6, v1;
	v6 =	vadd.s32 s8, v3;
	v9 =	vadd.f32 v9, v1  }
0xa0: {  	s14 =	sand.u32 $0xFFFFF000, s14;
	s15 =	sshll.u32 s15, $0x6;
	v11 =	vadd.f32 v11, v1;
	v34 =	vmul.f32 v16, v2;
	v16 =	vld.idx.msk [tilespmem:v25+s29+$0x0], $0xffff;
	v7 =	vmul.f32 v7, v0  }
0xa1: {  	s17 =	sor.u32 s15, s14;
	v25 =	vmul.f32 v28, v0;
	v21 =	vadd.f32 v21, v1;
	v22 =	vadd.f32 v22, v1;
	v13 =	vld.idx.msk [tilespmem:v13+s29+$0x0], $0xffff  }
0xa2: {  	s7 =	sshrl.u32 s17, $0x2;
	v11 =	vadd.f32 v12, v11;
	v17 =	vmul.f32 v17, v2;
	v7 =	vadd.f32 v7, v9  }
0xa3: {  	v19 =	vld.idx.msk [tilespmem:v27+s29+$0x0], $0xffff;
	s7 =	sadd.s32 $0x9180, s7;
	v12 =	vadd.s32 s9, v4;
	v63 =	vadd.f32 v34, v1;
	v20 =	vmul.f32 v8, v2  }
0xa4: {  	v18 =	vld.idx.msk [tilespmem:v36+s29+$0x0], $0xffff;
	v8 =	vadd.s32 s13, v4;
	v30 =	vadd.f32 v17, v1;
	[tilespmem:s7+$0x0] =	vst v7;
	v7 =	vmul.f32 v14, v0  }
0xa5: {  	[tilespmem:s7+$0x80] =	vst v11;
	v11 =	vadd.f32 v24, v15;
	v15 =	vld.idx.msk [tilespmem:v23+s29+$0x0], $0xffff;
	v23 =	vmul.f32 v31, v0;
	v17 =	vadd.s32 s18, v4  }
0xa6: {  	v24 =	vmul.f32 v35, v2;
	v9 =	vld.idx.msk [tilespmem:v10+s29+$0x0], $0xffff;
	v13 =	vmul.f32 v13, v0;
	v27 =	vadd.f32 v7, v30  }
0xa7: {  	v25 =	vadd.f32 v25, v63;
	v10 =	vadd.s32 s10, v4;
	v20 =	vadd.f32 v20, v1;
	[tilespmem:s7+$0xFFFFFF80] =	vst v11;
	v11 =	vld.idx.msk [tilespmem:v29+s29+$0x0], $0xffff  }
0xa8: {  	s9 =	simm.s32 $0x10;
	v14 =	vld.idx.msk [tilespmem:v33+s29+$0x0], $0xffff;
	v7 =	vmul.f32 v32, v2;
	v13 =	vadd.f32 v13, v21;
	v21 =	vadd.s32 s8, v4;
	s8 =	smov.u32 s7;
	[tilespmem:s7+$0x100] =	vst v27  }
.LBB2_3:
0xa9: {  	s11 =	sshll.u32 s9, $0x7  }
0xaa: {  	v27 =	vld.idx.msk [tilespmem:v17+s29+$0x0], $0xffff;
	v28 =	vmul.f32 v19, v2;
	v17 =	vadd.f32 v26, v20;
	v19 =	vadd.f32 v23, v22;
	s7 =	sadd.s32 $0x800, s7;
	s10 =	smov.u32 s9;
	s12 =	sadd.s32 $0x8, s9  }
0xab: {  	v16 =	vmul.f32 v16, v2;
	s10 =	sadd.s32 $0x80, s11;
	s13 =	sadd.s32 $0x100, s11;
	s14 =	sadd.s32 $0x180, s11;
	v20 =	vld.idx.msk [tilespmem:v5+s29+$0x0], $0xffff;
	v5 =	vadd.s32 s11, v3;
	v22 =	vadd.f32 v24, v1;
	[tilespmem:s8+$0xFFFFFE80] =	vst v25  }
0xac: {  	s15 =	sadd.s32 $0x200, s11;
	s16 =	sadd.s32 $0x280, s11;
	s17 =	sadd.s32 $0x300, s11;
	v15 =	vmul.f32 v15, v0;
	v23 =	vadd.s32 s13, v3;
	v24 =	vld.idx.msk [tilespmem:v6+s29+$0x0], $0xffff;
	v6 =	vadd.s32 s10, v3;
	[tilespmem:s8+$0x180] =	vst v19  }
0xad: {  	p0 =	slt.u32 s9, $0x78;
	s18 =	sadd.s32 $0x380, s11;
	v25 =	vadd.s32 s15, v3;
	v19 =	vadd.s32 s16, v3;
	v26 =	vld.idx.msk [tilespmem:v12+s29+$0x0], $0xffff;
	v12 =	vmul.f32 v14, v2;
	[tilespmem:s8+$0xFFFFFE00] =	vst v17  }
0xae: {  	v9 =	vmul.f32 v9, v2;
	v29 =	vadd.s32 s18, v3;
	v14 =	vadd.s32 s14, v3;
	v21 =	vld.idx.msk [tilespmem:v21+s29+$0x0], $0xffff;
	[tilespmem:s8+$0xFFFFFF00] =	vst v13;
	s8 =	smov.u32 s7  }
0xaf: {  	v13 =	vadd.s32 s16, v4;
	v30 =	vld.idx.msk [tilespmem:v10+s29+$0x0], $0xffff;
	v10 =	vadd.f32 v16, v1;
	v16 =	vmul.f32 v18, v0  }
0xb0: {  	v17 =	vadd.f32 v9, v1;
	v11 =	vmul.f32 v11, v0;
	v12 =	vadd.f32 v12, v1;
	v18 =	vld.idx.msk [tilespmem:v8+s29+$0x0], $0xffff  }
0xb1: {  	v20 =	vmul.f32 v20, v2;
	v31 =	vld.idx.msk [tilespmem:v23+s29+$0x0], $0xffff;
	v23 =	vadd.s32 s14, v4;
	v10 =	vadd.f32 v16, v10  }
0xb2: {  	v32 =	vadd.s32 s17, v3;
	v11 =	vadd.f32 v11, v17;
	v24 =	vmul.f32 v24, v2;
	v9 =	vld.idx.msk [tilespmem:v19+s29+$0x0], $0xffff  }
0xb3: {  	v17 =	vadd.s32 s17, v4;
	v8 =	vadd.s32 s18, v4;
	v33 =	vld.idx.msk [tilespmem:v14+s29+$0x0], $0xffff;
	[tilespmem:s7+$0x0] =	vst v10;
	v14 =	vmul.f32 v27, v0  }
0xb4: {  	v20 =	vadd.f32 v20, v1;
	v10 =	vadd.s32 s13, v4;
	v27 =	vadd.s32 s15, v4;
	v19 =	vld.idx.msk [tilespmem:v29+s29+$0x0], $0xffff;
	[tilespmem:s7+$0x80] =	vst v11  }
.Ltmp0:
0xb5: {  	v11 =	vadd.f32 v15, v22;
	v16 =	vld.idx.msk [tilespmem:v25+s29+$0x0], $0xffff;
	v25 =	vmul.f32 v30, v0;
	v29 =	vadd.f32 v14, v12;
	(pc) =	sbr.rel @p0 .LBB2_3-.Ltmp0, $4  }
0xb6: {  	v22 =	vadd.f32 v28, v1;
	v30 =	vmul.f32 v21, v0;
	v21 =	vadd.f32 v7, v1;
	v15 =	vld.idx.msk [tilespmem:v23+s29+$0x0], $0xffff  }
0xb7: {  	v28 =	vadd.f32 v24, v1;
	v12 =	vadd.s32 s11, v4;
	v23 =	vmul.f32 v18, v0;
	v14 =	vld.idx.msk [tilespmem:v32+s29+$0x0], $0xffff;
	[tilespmem:s7+$0xFFFFFF80] =	vst v11  }
0xb8: {  	v26 =	vmul.f32 v26, v0;
	v7 =	vmul.f32 v31, v2;
	v11 =	vld.idx.msk [tilespmem:v13+s29+$0x0], $0xffff;
	v13 =	vadd.f32 v25, v21  }
0xb9: {  	s9 =	smov.u32 s12;
	v21 =	vadd.s32 s10, v4;
	v24 =	vmul.f32 v33, v2;
	v25 =	vadd.f32 v30, v28;
	v18 =	vld.idx.msk [tilespmem:v27+s29+$0x0], $0xffff;
	[tilespmem:s7+$0x100] =	vst v29  }
0xba: {  	_ =	sdelay $0x3  }
0xbb: {  	v3 =	vld.idx.msk [tilespmem:v17+s29+$0x0], $0xffff  }
0xbc: {  	v6 =	vld.idx.msk [tilespmem:v6+s29+$0x0], $0xffff  }
0xbd: {  	v5 =	vld.idx.msk [tilespmem:v5+s29+$0x0], $0xffff  }
0xbe: {  	v54 =	vld.idx.msk [tilespmem:v21+s29+$0x0], $0xffff  }
0xbf: {  	v8 =	vld.idx.msk [tilespmem:v8+s29+$0x0], $0xffff  }
0xc0: {  	v4 =	vmul.f32 v19, v2;
	v51 =	vadd.f32 v26, v20;
	v52 =	vadd.f32 v23, v22;
	v12 =	vld.idx.msk [tilespmem:v12+s29+$0x0], $0xffff  }
0xc1: {  	v16 =	vmul.f32 v16, v2;
	v9 =	vmul.f32 v9, v2;
	v10 =	vld.idx.msk [tilespmem:v10+s29+$0x0], $0xffff;
	v62 =	vadd.f32 v7, v1  }
0xc2: {  	[tilespmem:s8+$0xFFFFFF00] =	vst v13;
	v53 =	vadd.f32 v24, v1;
	v15 =	vmul.f32 v15, v0;
	v14 =	vmul.f32 v14, v2  }
0xc3: {  	[tilespmem:s8+$0xFFFFFE80] =	vst v25;
	v16 =	vadd.f32 v16, v1;
	v9 =	vadd.f32 v9, v1;
	v11 =	vmul.f32 v11, v0  }
0xc4: {  	[tilespmem:s8+$0x180] =	vst v52;
	v4 =	vadd.f32 v4, v1;
	v57 =	vadd.f32 v15, v53;
	v18 =	vmul.f32 v18, v0  }
0xc5: {  	s7 =	sadd.s32 $0x800, s7;
	[tilespmem:s8+$0xFFFFFE00] =	vst v51;
	v14 =	vadd.f32 v14, v1;
	v56 =	vadd.f32 v11, v9;
	v3 =	vmul.f32 v3, v0  }
0xc6: {  	v6 =	vmul.f32 v6, v2;
	v59 =	vmul.f32 v8, v0;
	[tilespmem:s7+$0xFFFFFF80] =	vst v57;
	v16 =	vadd.f32 v18, v16  }
0xc7: {  	s6 =	sadd.s32 $0x1, s6;
	v55 =	vmul.f32 v5, v2;
	v61 =	vmul.f32 v10, v0;
	[tilespmem:s7+$0x80] =	vst v56;
	v3 =	vadd.f32 v3, v14  }
0xc8: {  	p0 =	sne.s32 s6, $0x10;
	v58 =	vmul.f32 v54, v0;
	v6 =	vadd.f32 v6, v1;
	v63 =	vadd.f32 v59, v4;
	[tilespmem:s7+$0x0] =	vst v16  }
.Ltmp1:
0xc9: {  	v60 =	vmul.f32 v12, v0;
	v2 =	vadd.f32 v55, v1;
	v0 =	vadd.f32 v61, v62;
	[tilespmem:s7+$0x100] =	vst v3;
	(pc) =	sbr.rel @p0 .LBB2_2-.Ltmp1, $4  }
0xca: {  	v6 =	vadd.f32 v58, v6;
	[tilespmem:s7+$0x180] =	vst v63  }
0xcb: {  	v2 =	vadd.f32 v60, v2;
	[tilespmem:s7+$0xFFFFFF00] =	vst v0  }
0xcc: {  	[tilespmem:s7+$0xFFFFFE80] =	vst v6  }
0xcd: {  	s28 =	sadd.s32 $0x80, s28;
	s26 =	sadd.s32 $0x1, s26;
	[tilespmem:s7+$0xFFFFFE00] =	vst v2  }
0xce: {  	s26 =	simm.s32 $0x0;
	s6 =	rddreg [dreg:$0x9]  }
0xcf: {  	[hbm4b:s6+s26] =	stream.linear.scatter [tilespmem:s0], [sflag:$0x3], $0x8000, $0x38;
	[tilespmem:$0x18F80] =	vst v63  }
0xd0: {  	s18 =	rddreg [dreg:$0xa]  }
0xd1: {  	[tilespmem:s29], [sflag:$0x1] =	stream.linear.gather [hbm4b:s18+s26], $0x4000, $0x38;
	[tilespmem:$0x18F80] =	vst v63  }
0xd2: {  	_ =	swait.ge [sflag:s4], $0x4000  }
0xd3: {  	[sflag:s4] =	ssyncset.done $0x0  }
0xd4: {  	s28 =	simm.s32 $0x0;
	s6 =	simm.s32 $0x0;
	[sflag:s4] =	ssyncadd.s32 $0xFFFFC000  }
.LBB2_6:
0xd5: {  	s7 =	sshll.u32 s6, $0x4  }
0xd6: {  	v3 =	vld [tilespmem:s7+$0x380];
	_ =	sdelay $0x3  }
0xd7: {  	s8 =	simm.s32 $0x100  }
0xd8: {  	s9 =	simm.s32 $0x280;
	v5 =	vadd.s32 s8, v3  }
0xd9: {  	s10 =	simm.s32 $0x180;
	v6 =	vadd.s32 s9, v3  }
0xda: {  	s11 =	simm.s32 $0x380;
	v2 =	vld [tilespmem:s7+$0x480];
	v7 =	vadd.s32 s10, v3  }
0xdb: {  	s12 =	simm.s32 $0x200;
	v0 =	vld [tilespmem:s7+$0x580];
	v8 =	vadd.s32 s11, v3  }
0xdc: {  	s16 =	simm.s32 $0x580;
	v1 =	vld [tilespmem:s7+$0x680];
	v9 =	vadd.s32 s12, v3  }
0xdd: {  	v4 =	vadd.s32 $0x1, v3;
	v26 =	vadd.s32 s16, v3;
	v5 =	vld.idx.msk [tilespmem:v5+s30+$0x0], $0xffff  }
0xde: {  	v10 =	vadd.s32 s10, v4;
	v11 =	vld.idx.msk [tilespmem:v6+s30+$0x0], $0xffff  }
0xdf: {  	s18 =	simm.s32 $0x0;
	v12 =	vadd.s32 s9, v4;
	v7 =	vld.idx.msk [tilespmem:v7+s30+$0x0], $0xffff  }
0xe0: {  	s10 =	simm.s32 $0x80;
	v18 =	vadd.s32 s18, v4;
	v8 =	vld.idx.msk [tilespmem:v8+s30+$0x0], $0xffff  }
0xe1: {  	v16 =	vadd.s32 s10, v3;
	v20 =	vadd.s32 s10, v4;
	s10 =	simm.s32 $0x500;
	v9 =	vld.idx.msk [tilespmem:v9+s30+$0x0], $0xffff  }
0xe2: {  	s17 =	simm.s32 $0x300;
	v23 =	vadd.s32 s10, v3;
	v35 =	vld.idx.msk [tilespmem:v26+s30+$0x0], $0xffff  }
0xe3: {  	v6 =	vadd.s32 s17, v3;
	v10 =	vld.idx.msk [tilespmem:v10+s30+$0x0], $0xffff  }
0xe4: {  	v13 =	vadd.s32 s12, v4;
	v12 =	vld.idx.msk [tilespmem:v12+s30+$0x0], $0xffff  }
0xe5: {  	v18 =	vld.idx.msk [tilespmem:v18+s30+$0x0], $0xffff  }
0xe6: {  	s13 =	simm.s32 $0x780;
	v14 =	vadd.s32 s17, v4;
	v19 =	vadd.s32 s11, v4;
	s11 =	simm.s32 $0x600;
	v16 =	vld.idx.msk [tilespmem:v16+s30+$0x0], $0xffff  }
0xe7: {  	v15 =	vadd.s32 s18, v3;
	v27 =	vadd.s32 s13, v3;
	s12 =	simm.s32 $0x680;
	s18 =	simm.s32 $0x700;
	v25 =	vadd.s32 s11, v3;
	v32 =	vld.idx.msk [tilespmem:v23+s30+$0x0], $0xffff  }
0xe8: {  	v29 =	vadd.s32 s12, v4;
	v33 =	vadd.s32 s18, v3;
	v36 =	vadd.s32 s11, v4;
	v17 =	vld.idx.msk [tilespmem:v6+s30+$0x0], $0xffff  }
0xe9: {  	v23 =	vadd.s32 s16, v4;
	v6 =	vmul.f32 v7, v2;
	v7 =	vld.idx.msk [tilespmem:v13+s30+$0x0], $0xffff;
	v21 =	vmul.f32 v5, v2  }
0xea: {  	s9 =	simm.s32 $0x400;
	v28 =	vld.idx.msk [tilespmem:v20+s30+$0x0], $0xffff;
	v13 =	vadd.s32 s8, v4;
	v22 =	vmul.f32 v8, v2;
	v9 =	vmul.f32 v9, v2  }
0xeb: {  	v14 =	vld.idx.msk [tilespmem:v14+s30+$0x0], $0xffff;
	v5 =	vadd.s32 s9, v3;
	v11 =	vmul.f32 v11, v2;
	v24 =	vmul.f32 v10, v0  }
0xec: {  	s8 =	simm.s32 $0x480;
	v8 =	vld.idx.msk [tilespmem:v15+s30+$0x0], $0xffff;
	v10 =	vadd.s32 s12, v3;
	v12 =	vmul.f32 v12, v0;
	v26 =	vmul.f32 v18, v0  }
0xed: {  	s14 =	sshll.u32 s28, $0x2;
	s15 =	sand.u32 $0x7, s26;
	v31 =	vld.idx.msk [tilespmem:v19+s30+$0x0], $0xffff;
	v15 =	vadd.f32 v6, v1;
	v6 =	vadd.s32 s8, v3;
	v9 =	vadd.f32 v9, v1  }
0xee: {  	s14 =	sand.u32 $0xFFFFF000, s14;
	s15 =	sshll.u32 s15, $0x6;
	v11 =	vadd.f32 v11, v1;
	v34 =	vmul.f32 v16, v2;
	v16 =	vld.idx.msk [tilespmem:v25+s30+$0x0], $0xffff;
	v7 =	vmul.f32 v7, v0  }
0xef: {  	s17 =	sor.u32 s15, s14;
	v25 =	vmul.f32 v28, v0;
	v21 =	vadd.f32 v21, v1;
	v22 =	vadd.f32 v22, v1;
	v13 =	vld.idx.msk [tilespmem:v13+s30+$0x0], $0xffff  }
0xf0: {  	s7 =	sshrl.u32 s17, $0x2;
	v11 =	vadd.f32 v12, v11;
	v17 =	vmul.f32 v17, v2;
	v7 =	vadd.f32 v7, v9  }
0xf1: {  	v19 =	vld.idx.msk [tilespmem:v27+s30+$0x0], $0xffff;
	s7 =	sadd.s32 $0x11180, s7;
	v12 =	vadd.s32 s9, v4;
	v63 =	vadd.f32 v34, v1;
	v20 =	vmul.f32 v8, v2  }
0xf2: {  	v18 =	vld.idx.msk [tilespmem:v36+s30+$0x0], $0xffff;
	v8 =	vadd.s32 s13, v4;
	v30 =	vadd.f32 v17, v1;
	[tilespmem:s7+$0x0] =	vst v7;
	v7 =	vmul.f32 v14, v0  }
0xf3: {  	[tilespmem:s7+$0x80] =	vst v11;
	v11 =	vadd.f32 v24, v15;
	v15 =	vld.idx.msk [tilespmem:v23+s30+$0x0], $0xffff;
	v23 =	vmul.f32 v31, v0;
	v17 =	vadd.s32 s18, v4  }
0xf4: {  	v24 =	vmul.f32 v35, v2;
	v9 =	vld.idx.msk [tilespmem:v10+s30+$0x0], $0xffff;
	v13 =	vmul.f32 v13, v0;
	v27 =	vadd.f32 v7, v30  }
0xf5: {  	v25 =	vadd.f32 v25, v63;
	v10 =	vadd.s32 s10, v4;
	v20 =	vadd.f32 v20, v1;
	[tilespmem:s7+$0xFFFFFF80] =	vst v11;
	v11 =	vld.idx.msk [tilespmem:v29+s30+$0x0], $0xffff  }
0xf6: {  	s12 =	simm.s32 $0x10;
	v14 =	vld.idx.msk [tilespmem:v33+s30+$0x0], $0xffff;
	v7 =	vmul.f32 v32, v2;
	v13 =	vadd.f32 v13, v21;
	v21 =	vadd.s32 s8, v4;
	s8 =	smov.u32 s7;
	[tilespmem:s7+$0x100] =	vst v27  }
.LBB2_7:
0xf7: {  	s9 =	smov.u32 s12  }
0xf8: {  	s11 =	sshll.u32 s12, $0x7;
	v27 =	vld.idx.msk [tilespmem:v17+s30+$0x0], $0xffff;
	v28 =	vmul.f32 v19, v2;
	v17 =	vadd.f32 v26, v20;
	v19 =	vadd.f32 v23, v22;
	s7 =	sadd.s32 $0x800, s7;
	s9 =	sadd.s32 $0x8, s12  }
0xf9: {  	v16 =	vmul.f32 v16, v2;
	s10 =	sadd.s32 $0x80, s11;
	s13 =	sadd.s32 $0x100, s11;
	s14 =	sadd.s32 $0x180, s11;
	v22 =	vadd.f32 v24, v1;
	v20 =	vld.idx.msk [tilespmem:v5+s30+$0x0], $0xffff;
	v5 =	vadd.s32 s11, v3;
	[tilespmem:s8+$0xFFFFFE80] =	vst v25  }
0xfa: {  	s15 =	sadd.s32 $0x200, s11;
	s16 =	sadd.s32 $0x280, s11;
	s17 =	sadd.s32 $0x300, s11;
	v15 =	vmul.f32 v15, v0;
	v23 =	vadd.s32 s13, v3;
	v24 =	vld.idx.msk [tilespmem:v6+s30+$0x0], $0xffff;
	v6 =	vadd.s32 s10, v3;
	[tilespmem:s8+$0x180] =	vst v19  }
0xfb: {  	p0 =	slt.u32 s12, $0x78;
	s18 =	sadd.s32 $0x380, s11;
	v25 =	vadd.s32 s15, v3;
	v19 =	vadd.s32 s16, v3;
	v26 =	vld.idx.msk [tilespmem:v12+s30+$0x0], $0xffff;
	v12 =	vmul.f32 v14, v2;
	[tilespmem:s8+$0xFFFFFE00] =	vst v17  }
0xfc: {  	v9 =	vmul.f32 v9, v2;
	v29 =	vadd.s32 s18, v3;
	v14 =	vadd.s32 s14, v3;
	v21 =	vld.idx.msk [tilespmem:v21+s30+$0x0], $0xffff;
	[tilespmem:s8+$0xFFFFFF00] =	vst v13;
	s8 =	smov.u32 s7  }
0xfd: {  	v13 =	vadd.s32 s16, v4;
	v30 =	vld.idx.msk [tilespmem:v10+s30+$0x0], $0xffff;
	v10 =	vadd.f32 v16, v1;
	v16 =	vmul.f32 v18, v0  }
0xfe: {  	v11 =	vmul.f32 v11, v0;
	v17 =	vadd.f32 v9, v1;
	v12 =	vadd.f32 v12, v1;
	v18 =	vld.idx.msk [tilespmem:v8+s30+$0x0], $0xffff  }
0xff: {  	v20 =	vmul.f32 v20, v2;
	v31 =	vld.idx.msk [tilespmem:v23+s30+$0x0], $0xffff;
	v23 =	vadd.s32 s14, v4;
	v10 =	vadd.f32 v16, v10  }
0x100: {  	v32 =	vadd.s32 s17, v3;
	v11 =	vadd.f32 v11, v17;
	v24 =	vmul.f32 v24, v2;
	v9 =	vld.idx.msk [tilespmem:v19+s30+$0x0], $0xffff  }
0x101: {  	v17 =	vadd.s32 s17, v4;
	v8 =	vadd.s32 s18, v4;
	v33 =	vld.idx.msk [tilespmem:v14+s30+$0x0], $0xffff;
	[tilespmem:s7+$0x0] =	vst v10;
	v14 =	vmul.f32 v27, v0  }
0x102: {  	v20 =	vadd.f32 v20, v1;
	v10 =	vadd.s32 s13, v4;
	v27 =	vadd.s32 s15, v4;
	v19 =	vld.idx.msk [tilespmem:v29+s30+$0x0], $0xffff;
	[tilespmem:s7+$0x80] =	vst v11  }
.Ltmp2:
0x103: {  	v11 =	vadd.f32 v15, v22;
	v16 =	vld.idx.msk [tilespmem:v25+s30+$0x0], $0xffff;
	v25 =	vmul.f32 v30, v0;
	v29 =	vadd.f32 v14, v12;
	(pc) =	sbr.rel @p0 .LBB2_7-.Ltmp2, $4  }
0x104: {  	v22 =	vadd.f32 v28, v1;
	v30 =	vmul.f32 v21, v0;
	v21 =	vadd.f32 v7, v1;
	v15 =	vld.idx.msk [tilespmem:v23+s30+$0x0], $0xffff  }
0x105: {  	v28 =	vadd.f32 v24, v1;
	v12 =	vadd.s32 s11, v4;
	v23 =	vmul.f32 v18, v0;
	v14 =	vld.idx.msk [tilespmem:v32+s30+$0x0], $0xffff;
	[tilespmem:s7+$0xFFFFFF80] =	vst v11  }
0x106: {  	v26 =	vmul.f32 v26, v0;
	v7 =	vmul.f32 v31, v2;
	v11 =	vld.idx.msk [tilespmem:v13+s30+$0x0], $0xffff;
	v13 =	vadd.f32 v25, v21  }
0x107: {  	s12 =	smov.u32 s9;
	v21 =	vadd.s32 s10, v4;
	v24 =	vmul.f32 v33, v2;
	v25 =	vadd.f32 v30, v28;
	v18 =	vld.idx.msk [tilespmem:v27+s30+$0x0], $0xffff;
	[tilespmem:s7+$0x100] =	vst v29  }
0x108: {  	_ =	sdelay $0x3  }
0x109: {  	v3 =	vld.idx.msk [tilespmem:v17+s30+$0x0], $0xffff  }
0x10a: {  	v6 =	vld.idx.msk [tilespmem:v6+s30+$0x0], $0xffff  }
0x10b: {  	v5 =	vld.idx.msk [tilespmem:v5+s30+$0x0], $0xffff  }
0x10c: {  	v54 =	vld.idx.msk [tilespmem:v21+s30+$0x0], $0xffff  }
0x10d: {  	v8 =	vld.idx.msk [tilespmem:v8+s30+$0x0], $0xffff  }
0x10e: {  	v4 =	vmul.f32 v19, v2;
	v51 =	vadd.f32 v26, v20;
	v52 =	vadd.f32 v23, v22;
	v12 =	vld.idx.msk [tilespmem:v12+s30+$0x0], $0xffff  }
0x10f: {  	v16 =	vmul.f32 v16, v2;
	v9 =	vmul.f32 v9, v2;
	v10 =	vld.idx.msk [tilespmem:v10+s30+$0x0], $0xffff;
	v62 =	vadd.f32 v7, v1  }
0x110: {  	[tilespmem:s8+$0xFFFFFF00] =	vst v13;
	v53 =	vadd.f32 v24, v1;
	v15 =	vmul.f32 v15, v0;
	v14 =	vmul.f32 v14, v2  }
0x111: {  	[tilespmem:s8+$0xFFFFFE80] =	vst v25;
	v16 =	vadd.f32 v16, v1;
	v9 =	vadd.f32 v9, v1;
	v11 =	vmul.f32 v11, v0  }
0x112: {  	[tilespmem:s8+$0x180] =	vst v52;
	v4 =	vadd.f32 v4, v1;
	v57 =	vadd.f32 v15, v53;
	v18 =	vmul.f32 v18, v0  }
0x113: {  	s7 =	sadd.s32 $0x800, s7;
	[tilespmem:s8+$0xFFFFFE00] =	vst v51;
	v14 =	vadd.f32 v14, v1;
	v56 =	vadd.f32 v11, v9;
	v3 =	vmul.f32 v3, v0  }
0x114: {  	v6 =	vmul.f32 v6, v2;
	v59 =	vmul.f32 v8, v0;
	[tilespmem:s7+$0xFFFFFF80] =	vst v57;
	v16 =	vadd.f32 v18, v16  }
0x115: {  	s6 =	sadd.s32 $0x1, s6;
	v55 =	vmul.f32 v5, v2;
	v61 =	vmul.f32 v10, v0;
	[tilespmem:s7+$0x80] =	vst v56;
	v3 =	vadd.f32 v3, v14  }
0x116: {  	p0 =	sne.s32 s6, $0x10;
	v58 =	vmul.f32 v54, v0;
	v6 =	vadd.f32 v6, v1;
	v63 =	vadd.f32 v59, v4;
	[tilespmem:s7+$0x0] =	vst v16  }
.Ltmp3:
0x117: {  	v60 =	vmul.f32 v12, v0;
	v2 =	vadd.f32 v55, v1;
	v0 =	vadd.f32 v61, v62;
	[tilespmem:s7+$0x100] =	vst v3;
	(pc) =	sbr.rel @p0 .LBB2_6-.Ltmp3, $4  }
0x118: {  	v6 =	vadd.f32 v58, v6;
	[tilespmem:s7+$0x180] =	vst v63  }
0x119: {  	v2 =	vadd.f32 v60, v2;
	[tilespmem:s7+$0xFFFFFF00] =	vst v0  }
0x11a: {  	[tilespmem:s7+$0xFFFFFE80] =	vst v6  }
0x11b: {  	s28 =	sadd.s32 $0x80, s28;
	s26 =	sadd.s32 $0x1, s26;
	[tilespmem:s7+$0xFFFFFE00] =	vst v2  }
0x11c: {  	s26 =	simm.s32 $0x0;
	s6 =	rddreg [dreg:$0xb]  }
0x11d: {  	[hbm4b:s6+s26] =	stream.linear.scatter [tilespmem:s1], [sflag:$0x4], $0x8000, $0x38;
	[tilespmem:$0x18F80] =	vst v63  }
0x11e: {  	s18 =	rddreg [dreg:$0xc]  }
0x11f: {  	[tilespmem:s30], [sflag:$0x2] =	stream.linear.gather [hbm4b:s18+s26], $0x4000, $0x38;
	[tilespmem:$0x18F80] =	vst v63  }
0x120: {  	_ =	swait.ge [sflag:s31], $0x4000  }
0x121: {  	[sflag:s31] =	ssyncset.done $0x0  }
0x122: {  	[sflag:s31] =	ssyncadd.s32 $0xFFFFC000  }
0x123: {  	_ =	swait.ge [sflag:s2], $0x8000  }
0x124: {  	[sflag:s2] =	ssyncset.done $0x0  }
0x125: {  	s28 =	simm.s32 $0x0;
	s6 =	simm.s32 $0x0;
	[sflag:s2] =	ssyncadd.s32 $0xFFFF8000  }
.LBB2_10:
0x126: {  	s7 =	sshll.u32 s6, $0x4  }
0x127: {  	v3 =	vld [tilespmem:s7+$0x380];
	_ =	sdelay $0x3  }
0x128: {  	s8 =	simm.s32 $0x100  }
0x129: {  	s9 =	simm.s32 $0x280;
	v5 =	vadd.s32 s8, v3  }
0x12a: {  	s10 =	simm.s32 $0x180;
	v6 =	vadd.s32 s9, v3  }
0x12b: {  	s11 =	simm.s32 $0x380;
	v2 =	vld [tilespmem:s7+$0x480];
	v7 =	vadd.s32 s10, v3  }
0x12c: {  	s12 =	simm.s32 $0x200;
	v0 =	vld [tilespmem:s7+$0x580];
	v8 =	vadd.s32 s11, v3  }
0x12d: {  	s16 =	simm.s32 $0x580;
	v1 =	vld [tilespmem:s7+$0x680];
	v9 =	vadd.s32 s12, v3  }
0x12e: {  	v4 =	vadd.s32 $0x1, v3;
	v26 =	vadd.s32 s16, v3;
	v5 =	vld.idx.msk [tilespmem:v5+s29+$0x0], $0xffff  }
0x12f: {  	v10 =	vadd.s32 s10, v4;
	v11 =	vld.idx.msk [tilespmem:v6+s29+$0x0], $0xffff  }
0x130: {  	s18 =	simm.s32 $0x0;
	v12 =	vadd.s32 s9, v4;
	v7 =	vld.idx.msk [tilespmem:v7+s29+$0x0], $0xffff  }
0x131: {  	s10 =	simm.s32 $0x80;
	v18 =	vadd.s32 s18, v4;
	v8 =	vld.idx.msk [tilespmem:v8+s29+$0x0], $0xffff  }
0x132: {  	v16 =	vadd.s32 s10, v3;
	v20 =	vadd.s32 s10, v4;
	s10 =	simm.s32 $0x500;
	v9 =	vld.idx.msk [tilespmem:v9+s29+$0x0], $0xffff  }
0x133: {  	s17 =	simm.s32 $0x300;
	v23 =	vadd.s32 s10, v3;
	v35 =	vld.idx.msk [tilespmem:v26+s29+$0x0], $0xffff  }
0x134: {  	v6 =	vadd.s32 s17, v3;
	v10 =	vld.idx.msk [tilespmem:v10+s29+$0x0], $0xffff  }
0x135: {  	v13 =	vadd.s32 s12, v4;
	v12 =	vld.idx.msk [tilespmem:v12+s29+$0x0], $0xffff  }
0x136: {  	v18 =	vld.idx.msk [tilespmem:v18+s29+$0x0], $0xffff  }
0x137: {  	s13 =	simm.s32 $0x780;
	v14 =	vadd.s32 s17, v4;
	v19 =	vadd.s32 s11, v4;
	s11 =	simm.s32 $0x600;
	v16 =	vld.idx.msk [tilespmem:v16+s29+$0x0], $0xffff  }
0x138: {  	v15 =	vadd.s32 s18, v3;
	v27 =	vadd.s32 s13, v3;
	s12 =	simm.s32 $0x680;
	s18 =	simm.s32 $0x700;
	v25 =	vadd.s32 s11, v3;
	v32 =	vld.idx.msk [tilespmem:v23+s29+$0x0], $0xffff  }
0x139: {  	v29 =	vadd.s32 s12, v4;
	v33 =	vadd.s32 s18, v3;
	v36 =	vadd.s32 s11, v4;
	v17 =	vld.idx.msk [tilespmem:v6+s29+$0x0], $0xffff  }
0x13a: {  	v23 =	vadd.s32 s16, v4;
	v6 =	vmul.f32 v7, v2;
	v7 =	vld.idx.msk [tilespmem:v13+s29+$0x0], $0xffff;
	v21 =	vmul.f32 v5, v2  }
0x13b: {  	s9 =	simm.s32 $0x400;
	v28 =	vld.idx.msk [tilespmem:v20+s29+$0x0], $0xffff;
	v13 =	vadd.s32 s8, v4;
	v22 =	vmul.f32 v8, v2;
	v9 =	vmul.f32 v9, v2  }
0x13c: {  	v14 =	vld.idx.msk [tilespmem:v14+s29+$0x0], $0xffff;
	v5 =	vadd.s32 s9, v3;
	v11 =	vmul.f32 v11, v2;
	v24 =	vmul.f32 v10, v0  }
0x13d: {  	s8 =	simm.s32 $0x480;
	v8 =	vld.idx.msk [tilespmem:v15+s29+$0x0], $0xffff;
	v10 =	vadd.s32 s12, v3;
	v12 =	vmul.f32 v12, v0;
	v26 =	vmul.f32 v18, v0  }
0x13e: {  	s14 =	sshll.u32 s28, $0x2;
	s15 =	sand.u32 $0x7, s26;
	v31 =	vld.idx.msk [tilespmem:v19+s29+$0x0], $0xffff;
	v15 =	vadd.f32 v6, v1;
	v6 =	vadd.s32 s8, v3;
	v9 =	vadd.f32 v9, v1  }
0x13f: {  	s14 =	sand.u32 $0xFFFFF000, s14;
	s15 =	sshll.u32 s15, $0x6;
	v11 =	vadd.f32 v11, v1;
	v34 =	vmul.f32 v16, v2;
	v16 =	vld.idx.msk [tilespmem:v25+s29+$0x0], $0xffff;
	v7 =	vmul.f32 v7, v0  }
0x140: {  	s17 =	sor.u32 s15, s14;
	v25 =	vmul.f32 v28, v0;
	v21 =	vadd.f32 v21, v1;
	v22 =	vadd.f32 v22, v1;
	v13 =	vld.idx.msk [tilespmem:v13+s29+$0x0], $0xffff  }
0x141: {  	s7 =	sshrl.u32 s17, $0x2;
	v11 =	vadd.f32 v12, v11;
	v17 =	vmul.f32 v17, v2;
	v7 =	vadd.f32 v7, v9  }
0x142: {  	v19 =	vld.idx.msk [tilespmem:v27+s29+$0x0], $0xffff;
	s7 =	sadd.s32 $0x9180, s7;
	v12 =	vadd.s32 s9, v4;
	v63 =	vadd.f32 v34, v1;
	v20 =	vmul.f32 v8, v2  }
0x143: {  	v18 =	vld.idx.msk [tilespmem:v36+s29+$0x0], $0xffff;
	v8 =	vadd.s32 s13, v4;
	v30 =	vadd.f32 v17, v1;
	[tilespmem:s7+$0x0] =	vst v7;
	v7 =	vmul.f32 v14, v0  }
0x144: {  	[tilespmem:s7+$0x80] =	vst v11;
	v11 =	vadd.f32 v24, v15;
	v15 =	vld.idx.msk [tilespmem:v23+s29+$0x0], $0xffff;
	v23 =	vmul.f32 v31, v0;
	v17 =	vadd.s32 s18, v4  }
0x145: {  	v24 =	vmul.f32 v35, v2;
	v9 =	vld.idx.msk [tilespmem:v10+s29+$0x0], $0xffff;
	v13 =	vmul.f32 v13, v0;
	v27 =	vadd.f32 v7, v30  }
0x146: {  	v25 =	vadd.f32 v25, v63;
	v10 =	vadd.s32 s10, v4;
	v20 =	vadd.f32 v20, v1;
	[tilespmem:s7+$0xFFFFFF80] =	vst v11;
	v11 =	vld.idx.msk [tilespmem:v29+s29+$0x0], $0xffff  }
0x147: {  	s12 =	simm.s32 $0x10;
	v14 =	vld.idx.msk [tilespmem:v33+s29+$0x0], $0xffff;
	v7 =	vmul.f32 v32, v2;
	v13 =	vadd.f32 v13, v21;
	v21 =	vadd.s32 s8, v4;
	s8 =	smov.u32 s7;
	[tilespmem:s7+$0x100] =	vst v27  }
.LBB2_11:
0x148: {  	s9 =	smov.u32 s12  }
0x149: {  	s11 =	sshll.u32 s12, $0x7;
	v27 =	vld.idx.msk [tilespmem:v17+s29+$0x0], $0xffff;
	v28 =	vmul.f32 v19, v2;
	v17 =	vadd.f32 v26, v20;
	v19 =	vadd.f32 v23, v22;
	s7 =	sadd.s32 $0x800, s7;
	s9 =	sadd.s32 $0x8, s12  }
0x14a: {  	v16 =	vmul.f32 v16, v2;
	s10 =	sadd.s32 $0x80, s11;
	s13 =	sadd.s32 $0x100, s11;
	s14 =	sadd.s32 $0x180, s11;
	v22 =	vadd.f32 v24, v1;
	v20 =	vld.idx.msk [tilespmem:v5+s29+$0x0], $0xffff;
	v5 =	vadd.s32 s11, v3;
	[tilespmem:s8+$0xFFFFFE80] =	vst v25  }
0x14b: {  	s15 =	sadd.s32 $0x200, s11;
	s16 =	sadd.s32 $0x280, s11;
	s17 =	sadd.s32 $0x300, s11;
	v15 =	vmul.f32 v15, v0;
	v23 =	vadd.s32 s13, v3;
	v24 =	vld.idx.msk [tilespmem:v6+s29+$0x0], $0xffff;
	v6 =	vadd.s32 s10, v3;
	[tilespmem:s8+$0x180] =	vst v19  }
0x14c: {  	p0 =	slt.u32 s12, $0x78;
	s18 =	sadd.s32 $0x380, s11;
	v25 =	vadd.s32 s15, v3;
	v19 =	vadd.s32 s16, v3;
	v26 =	vld.idx.msk [tilespmem:v12+s29+$0x0], $0xffff;
	v12 =	vmul.f32 v14, v2;
	[tilespmem:s8+$0xFFFFFE00] =	vst v17  }
0x14d: {  	v9 =	vmul.f32 v9, v2;
	v29 =	vadd.s32 s18, v3;
	v14 =	vadd.s32 s14, v3;
	v21 =	vld.idx.msk [tilespmem:v21+s29+$0x0], $0xffff;
	[tilespmem:s8+$0xFFFFFF00] =	vst v13;
	s8 =	smov.u32 s7  }
0x14e: {  	v13 =	vadd.s32 s16, v4;
	v30 =	vld.idx.msk [tilespmem:v10+s29+$0x0], $0xffff;
	v10 =	vadd.f32 v16, v1;
	v16 =	vmul.f32 v18, v0  }
0x14f: {  	v11 =	vmul.f32 v11, v0;
	v17 =	vadd.f32 v9, v1;
	v12 =	vadd.f32 v12, v1;
	v18 =	vld.idx.msk [tilespmem:v8+s29+$0x0], $0xffff  }
0x150: {  	v20 =	vmul.f32 v20, v2;
	v31 =	vld.idx.msk [tilespmem:v23+s29+$0x0], $0xffff;
	v23 =	vadd.s32 s14, v4;
	v10 =	vadd.f32 v16, v10  }
0x151: {  	v32 =	vadd.s32 s17, v3;
	v11 =	vadd.f32 v11, v17;
	v24 =	vmul.f32 v24, v2;
	v9 =	vld.idx.msk [tilespmem:v19+s29+$0x0], $0xffff  }
0x152: {  	v17 =	vadd.s32 s17, v4;
	v8 =	vadd.s32 s18, v4;
	v33 =	vld.idx.msk [tilespmem:v14+s29+$0x0], $0xffff;
	[tilespmem:s7+$0x0] =	vst v10;
	v14 =	vmul.f32 v27, v0  }
0x153: {  	v20 =	vadd.f32 v20, v1;
	v10 =	vadd.s32 s13, v4;
	v27 =	vadd.s32 s15, v4;
	v19 =	vld.idx.msk [tilespmem:v29+s29+$0x0], $0xffff;
	[tilespmem:s7+$0x80] =	vst v11  }
.Ltmp4:
0x154: {  	v11 =	vadd.f32 v15, v22;
	v16 =	vld.idx.msk [tilespmem:v25+s29+$0x0], $0xffff;
	v25 =	vmul.f32 v30, v0;
	v29 =	vadd.f32 v14, v12;
	(pc) =	sbr.rel @p0 .LBB2_11-.Ltmp4, $4  }
0x155: {  	v22 =	vadd.f32 v28, v1;
	v30 =	vmul.f32 v21, v0;
	v21 =	vadd.f32 v7, v1;
	v15 =	vld.idx.msk [tilespmem:v23+s29+$0x0], $0xffff  }
0x156: {  	v28 =	vadd.f32 v24, v1;
	v12 =	vadd.s32 s11, v4;
	v23 =	vmul.f32 v18, v0;
	v14 =	vld.idx.msk [tilespmem:v32+s29+$0x0], $0xffff;
	[tilespmem:s7+$0xFFFFFF80] =	vst v11  }
0x157: {  	v26 =	vmul.f32 v26, v0;
	v7 =	vmul.f32 v31, v2;
	v11 =	vld.idx.msk [tilespmem:v13+s29+$0x0], $0xffff;
	v13 =	vadd.f32 v25, v21  }
0x158: {  	s12 =	smov.u32 s9;
	v21 =	vadd.s32 s10, v4;
	v24 =	vmul.f32 v33, v2;
	v25 =	vadd.f32 v30, v28;
	v18 =	vld.idx.msk [tilespmem:v27+s29+$0x0], $0xffff;
	[tilespmem:s7+$0x100] =	vst v29  }
0x159: {  	_ =	sdelay $0x3  }
0x15a: {  	v3 =	vld.idx.msk [tilespmem:v17+s29+$0x0], $0xffff  }
0x15b: {  	v6 =	vld.idx.msk [tilespmem:v6+s29+$0x0], $0xffff  }
0x15c: {  	v5 =	vld.idx.msk [tilespmem:v5+s29+$0x0], $0xffff  }
0x15d: {  	v54 =	vld.idx.msk [tilespmem:v21+s29+$0x0], $0xffff  }
0x15e: {  	v8 =	vld.idx.msk [tilespmem:v8+s29+$0x0], $0xffff  }
0x15f: {  	v4 =	vmul.f32 v19, v2;
	v51 =	vadd.f32 v26, v20;
	v52 =	vadd.f32 v23, v22;
	v12 =	vld.idx.msk [tilespmem:v12+s29+$0x0], $0xffff  }
0x160: {  	v16 =	vmul.f32 v16, v2;
	v9 =	vmul.f32 v9, v2;
	v10 =	vld.idx.msk [tilespmem:v10+s29+$0x0], $0xffff;
	v62 =	vadd.f32 v7, v1  }
0x161: {  	[tilespmem:s8+$0xFFFFFF00] =	vst v13;
	v53 =	vadd.f32 v24, v1;
	v15 =	vmul.f32 v15, v0;
	v14 =	vmul.f32 v14, v2  }
0x162: {  	[tilespmem:s8+$0xFFFFFE80] =	vst v25;
	v16 =	vadd.f32 v16, v1;
	v9 =	vadd.f32 v9, v1;
	v11 =	vmul.f32 v11, v0  }
0x163: {  	[tilespmem:s8+$0x180] =	vst v52;
	v4 =	vadd.f32 v4, v1;
	v57 =	vadd.f32 v15, v53;
	v18 =	vmul.f32 v18, v0  }
0x164: {  	s7 =	sadd.s32 $0x800, s7;
	[tilespmem:s8+$0xFFFFFE00] =	vst v51;
	v14 =	vadd.f32 v14, v1;
	v56 =	vadd.f32 v11, v9;
	v3 =	vmul.f32 v3, v0  }
0x165: {  	v6 =	vmul.f32 v6, v2;
	v59 =	vmul.f32 v8, v0;
	[tilespmem:s7+$0xFFFFFF80] =	vst v57;
	v16 =	vadd.f32 v18, v16  }
0x166: {  	s6 =	sadd.s32 $0x1, s6;
	v55 =	vmul.f32 v5, v2;
	v61 =	vmul.f32 v10, v0;
	[tilespmem:s7+$0x80] =	vst v56;
	v3 =	vadd.f32 v3, v14  }
0x167: {  	p0 =	sne.s32 s6, $0x10;
	v58 =	vmul.f32 v54, v0;
	v6 =	vadd.f32 v6, v1;
	v63 =	vadd.f32 v59, v4;
	[tilespmem:s7+$0x0] =	vst v16  }
.Ltmp5:
0x168: {  	v60 =	vmul.f32 v12, v0;
	v2 =	vadd.f32 v55, v1;
	v0 =	vadd.f32 v61, v62;
	[tilespmem:s7+$0x100] =	vst v3;
	(pc) =	sbr.rel @p0 .LBB2_10-.Ltmp5, $4  }
0x169: {  	v6 =	vadd.f32 v58, v6;
	[tilespmem:s7+$0x180] =	vst v63  }
0x16a: {  	v2 =	vadd.f32 v60, v2;
	[tilespmem:s7+$0xFFFFFF00] =	vst v0  }
0x16b: {  	[tilespmem:s7+$0xFFFFFE80] =	vst v6  }
0x16c: {  	s28 =	sadd.s32 $0x80, s28;
	s26 =	sadd.s32 $0x1, s26;
	[tilespmem:s7+$0xFFFFFE00] =	vst v2  }
0x16d: {  	s26 =	simm.s32 $0x0;
	s6 =	rddreg [dreg:$0xd]  }
0x16e: {  	[hbm4b:s6+s26] =	stream.linear.scatter [tilespmem:s0], [sflag:$0x3], $0x8000, $0x38;
	[tilespmem:$0x18F80] =	vst v63  }
0x16f: {  	s18 =	rddreg [dreg:$0xe]  }
0x170: {  	[tilespmem:s29], [sflag:$0x1] =	stream.linear.gather [hbm4b:s18+s26], $0x4000, $0x38;
	[tilespmem:$0x18F80] =	vst v63  }
0x171: {  	_ =	swait.ge [sflag:s4], $0x4000  }
0x172: {  	[sflag:s4] =	ssyncset.done $0x0  }
0x173: {  	[sflag:s4] =	ssyncadd.s32 $0xFFFFC000  }
0x174: {  	_ =	swait.ge [sflag:s3], $0x8000  }
0x175: {  	[sflag:s3] =	ssyncset.done $0x0  }
0x176: {  	s28 =	simm.s32 $0x0;
	s6 =	simm.s32 $0x0;
	[sflag:s3] =	ssyncadd.s32 $0xFFFF8000  }
.LBB2_14:
0x177: {  	s7 =	sshll.u32 s6, $0x4  }
0x178: {  	v3 =	vld [tilespmem:s7+$0x380];
	_ =	sdelay $0x3  }
0x179: {  	s8 =	simm.s32 $0x100  }
0x17a: {  	s9 =	simm.s32 $0x280;
	v5 =	vadd.s32 s8, v3  }
0x17b: {  	s10 =	simm.s32 $0x180;
	v6 =	vadd.s32 s9, v3  }
0x17c: {  	s11 =	simm.s32 $0x380;
	v2 =	vld [tilespmem:s7+$0x480];
	v7 =	vadd.s32 s10, v3  }
0x17d: {  	s12 =	simm.s32 $0x200;
	v0 =	vld [tilespmem:s7+$0x580];
	v8 =	vadd.s32 s11, v3  }
0x17e: {  	s16 =	simm.s32 $0x580;
	v1 =	vld [tilespmem:s7+$0x680];
	v9 =	vadd.s32 s12, v3  }
0x17f: {  	v4 =	vadd.s32 $0x1, v3;
	v26 =	vadd.s32 s16, v3;
	v5 =	vld.idx.msk [tilespmem:v5+s30+$0x0], $0xffff  }
0x180: {  	v10 =	vadd.s32 s10, v4;
	v11 =	vld.idx.msk [tilespmem:v6+s30+$0x0], $0xffff  }
0x181: {  	s18 =	simm.s32 $0x0;
	v12 =	vadd.s32 s9, v4;
	v7 =	vld.idx.msk [tilespmem:v7+s30+$0x0], $0xffff  }
0x182: {  	s10 =	simm.s32 $0x80;
	v18 =	vadd.s32 s18, v4;
	v8 =	vld.idx.msk [tilespmem:v8+s30+$0x0], $0xffff  }
0x183: {  	v16 =	vadd.s32 s10, v3;
	v20 =	vadd.s32 s10, v4;
	s10 =	simm.s32 $0x500;
	v9 =	vld.idx.msk [tilespmem:v9+s30+$0x0], $0xffff  }
0x184: {  	s17 =	simm.s32 $0x300;
	v23 =	vadd.s32 s10, v3;
	v35 =	vld.idx.msk [tilespmem:v26+s30+$0x0], $0xffff  }
0x185: {  	v6 =	vadd.s32 s17, v3;
	v10 =	vld.idx.msk [tilespmem:v10+s30+$0x0], $0xffff  }
0x186: {  	v13 =	vadd.s32 s12, v4;
	v12 =	vld.idx.msk [tilespmem:v12+s30+$0x0], $0xffff  }
0x187: {  	v18 =	vld.idx.msk [tilespmem:v18+s30+$0x0], $0xffff  }
0x188: {  	s13 =	simm.s32 $0x780;
	v14 =	vadd.s32 s17, v4;
	v19 =	vadd.s32 s11, v4;
	s11 =	simm.s32 $0x600;
	v16 =	vld.idx.msk [tilespmem:v16+s30+$0x0], $0xffff  }
0x189: {  	v15 =	vadd.s32 s18, v3;
	v27 =	vadd.s32 s13, v3;
	s12 =	simm.s32 $0x680;
	s18 =	simm.s32 $0x700;
	v25 =	vadd.s32 s11, v3;
	v32 =	vld.idx.msk [tilespmem:v23+s30+$0x0], $0xffff  }
0x18a: {  	v29 =	vadd.s32 s12, v4;
	v33 =	vadd.s32 s18, v3;
	v36 =	vadd.s32 s11, v4;
	v17 =	vld.idx.msk [tilespmem:v6+s30+$0x0], $0xffff  }
0x18b: {  	v23 =	vadd.s32 s16, v4;
	v6 =	vmul.f32 v7, v2;
	v7 =	vld.idx.msk [tilespmem:v13+s30+$0x0], $0xffff;
	v21 =	vmul.f32 v5, v2  }
0x18c: {  	s9 =	simm.s32 $0x400;
	v28 =	vld.idx.msk [tilespmem:v20+s30+$0x0], $0xffff;
	v13 =	vadd.s32 s8, v4;
	v22 =	vmul.f32 v8, v2;
	v9 =	vmul.f32 v9, v2  }
0x18d: {  	v14 =	vld.idx.msk [tilespmem:v14+s30+$0x0], $0xffff;
	v5 =	vadd.s32 s9, v3;
	v11 =	vmul.f32 v11, v2;
	v24 =	vmul.f32 v10, v0  }
0x18e: {  	s8 =	simm.s32 $0x480;
	v8 =	vld.idx.msk [tilespmem:v15+s30+$0x0], $0xffff;
	v10 =	vadd.s32 s12, v3;
	v12 =	vmul.f32 v12, v0;
	v26 =	vmul.f32 v18, v0  }
0x18f: {  	s14 =	sshll.u32 s28, $0x2;
	s15 =	sand.u32 $0x7, s26;
	v31 =	vld.idx.msk [tilespmem:v19+s30+$0x0], $0xffff;
	v15 =	vadd.f32 v6, v1;
	v6 =	vadd.s32 s8, v3;
	v9 =	vadd.f32 v9, v1  }
0x190: {  	s14 =	sand.u32 $0xFFFFF000, s14;
	s15 =	sshll.u32 s15, $0x6;
	v11 =	vadd.f32 v11, v1;
	v34 =	vmul.f32 v16, v2;
	v16 =	vld.idx.msk [tilespmem:v25+s30+$0x0], $0xffff;
	v7 =	vmul.f32 v7, v0  }
0x191: {  	s17 =	sor.u32 s15, s14;
	v25 =	vmul.f32 v28, v0;
	v21 =	vadd.f32 v21, v1;
	v22 =	vadd.f32 v22, v1;
	v13 =	vld.idx.msk [tilespmem:v13+s30+$0x0], $0xffff  }
0x192: {  	s7 =	sshrl.u32 s17, $0x2;
	v11 =	vadd.f32 v12, v11;
	v17 =	vmul.f32 v17, v2;
	v7 =	vadd.f32 v7, v9  }
0x193: {  	v19 =	vld.idx.msk [tilespmem:v27+s30+$0x0], $0xffff;
	s7 =	sadd.s32 $0x11180, s7;
	v12 =	vadd.s32 s9, v4;
	v63 =	vadd.f32 v34, v1;
	v20 =	vmul.f32 v8, v2  }
0x194: {  	v18 =	vld.idx.msk [tilespmem:v36+s30+$0x0], $0xffff;
	v8 =	vadd.s32 s13, v4;
	v30 =	vadd.f32 v17, v1;
	[tilespmem:s7+$0x0] =	vst v7;
	v7 =	vmul.f32 v14, v0  }
0x195: {  	[tilespmem:s7+$0x80] =	vst v11;
	v11 =	vadd.f32 v24, v15;
	v15 =	vld.idx.msk [tilespmem:v23+s30+$0x0], $0xffff;
	v23 =	vmul.f32 v31, v0;
	v17 =	vadd.s32 s18, v4  }
0x196: {  	v24 =	vmul.f32 v35, v2;
	v9 =	vld.idx.msk [tilespmem:v10+s30+$0x0], $0xffff;
	v13 =	vmul.f32 v13, v0;
	v27 =	vadd.f32 v7, v30  }
0x197: {  	v25 =	vadd.f32 v25, v63;
	v10 =	vadd.s32 s10, v4;
	v20 =	vadd.f32 v20, v1;
	[tilespmem:s7+$0xFFFFFF80] =	vst v11;
	v11 =	vld.idx.msk [tilespmem:v29+s30+$0x0], $0xffff  }
0x198: {  	s12 =	simm.s32 $0x10;
	v14 =	vld.idx.msk [tilespmem:v33+s30+$0x0], $0xffff;
	v7 =	vmul.f32 v32, v2;
	v13 =	vadd.f32 v13, v21;
	v21 =	vadd.s32 s8, v4;
	s8 =	smov.u32 s7;
	[tilespmem:s7+$0x100] =	vst v27  }
.LBB2_15:
0x199: {  	s9 =	smov.u32 s12  }
0x19a: {  	s11 =	sshll.u32 s12, $0x7;
	v27 =	vld.idx.msk [tilespmem:v17+s30+$0x0], $0xffff;
	v28 =	vmul.f32 v19, v2;
	v17 =	vadd.f32 v26, v20;
	v19 =	vadd.f32 v23, v22;
	s7 =	sadd.s32 $0x800, s7;
	s9 =	sadd.s32 $0x8, s12  }
0x19b: {  	v16 =	vmul.f32 v16, v2;
	s10 =	sadd.s32 $0x80, s11;
	s13 =	sadd.s32 $0x100, s11;
	s14 =	sadd.s32 $0x180, s11;
	v22 =	vadd.f32 v24, v1;
	v20 =	vld.idx.msk [tilespmem:v5+s30+$0x0], $0xffff;
	v5 =	vadd.s32 s11, v3;
	[tilespmem:s8+$0xFFFFFE80] =	vst v25  }
0x19c: {  	s15 =	sadd.s32 $0x200, s11;
	s16 =	sadd.s32 $0x280, s11;
	s17 =	sadd.s32 $0x300, s11;
	v15 =	vmul.f32 v15, v0;
	v23 =	vadd.s32 s13, v3;
	v24 =	vld.idx.msk [tilespmem:v6+s30+$0x0], $0xffff;
	v6 =	vadd.s32 s10, v3;
	[tilespmem:s8+$0x180] =	vst v19  }
0x19d: {  	p0 =	slt.u32 s12, $0x78;
	s18 =	sadd.s32 $0x380, s11;
	v25 =	vadd.s32 s15, v3;
	v19 =	vadd.s32 s16, v3;
	v26 =	vld.idx.msk [tilespmem:v12+s30+$0x0], $0xffff;
	v12 =	vmul.f32 v14, v2;
	[tilespmem:s8+$0xFFFFFE00] =	vst v17  }
0x19e: {  	v9 =	vmul.f32 v9, v2;
	v29 =	vadd.s32 s18, v3;
	v14 =	vadd.s32 s14, v3;
	v21 =	vld.idx.msk [tilespmem:v21+s30+$0x0], $0xffff;
	[tilespmem:s8+$0xFFFFFF00] =	vst v13;
	s8 =	smov.u32 s7  }
0x19f: {  	v13 =	vadd.s32 s16, v4;
	v30 =	vld.idx.msk [tilespmem:v10+s30+$0x0], $0xffff;
	v10 =	vadd.f32 v16, v1;
	v16 =	vmul.f32 v18, v0  }
0x1a0: {  	v11 =	vmul.f32 v11, v0;
	v17 =	vadd.f32 v9, v1;
	v12 =	vadd.f32 v12, v1;
	v18 =	vld.idx.msk [tilespmem:v8+s30+$0x0], $0xffff  }
0x1a1: {  	v20 =	vmul.f32 v20, v2;
	v31 =	vld.idx.msk [tilespmem:v23+s30+$0x0], $0xffff;
	v23 =	vadd.s32 s14, v4;
	v10 =	vadd.f32 v16, v10  }
0x1a2: {  	v32 =	vadd.s32 s17, v3;
	v11 =	vadd.f32 v11, v17;
	v24 =	vmul.f32 v24, v2;
	v9 =	vld.idx.msk [tilespmem:v19+s30+$0x0], $0xffff  }
0x1a3: {  	v17 =	vadd.s32 s17, v4;
	v8 =	vadd.s32 s18, v4;
	v33 =	vld.idx.msk [tilespmem:v14+s30+$0x0], $0xffff;
	[tilespmem:s7+$0x0] =	vst v10;
	v14 =	vmul.f32 v27, v0  }
0x1a4: {  	v20 =	vadd.f32 v20, v1;
	v10 =	vadd.s32 s13, v4;
	v27 =	vadd.s32 s15, v4;
	v19 =	vld.idx.msk [tilespmem:v29+s30+$0x0], $0xffff;
	[tilespmem:s7+$0x80] =	vst v11  }
.Ltmp6:
0x1a5: {  	v11 =	vadd.f32 v15, v22;
	v16 =	vld.idx.msk [tilespmem:v25+s30+$0x0], $0xffff;
	v25 =	vmul.f32 v30, v0;
	v29 =	vadd.f32 v14, v12;
	(pc) =	sbr.rel @p0 .LBB2_15-.Ltmp6, $4  }
0x1a6: {  	v22 =	vadd.f32 v28, v1;
	v30 =	vmul.f32 v21, v0;
	v21 =	vadd.f32 v7, v1;
	v15 =	vld.idx.msk [tilespmem:v23+s30+$0x0], $0xffff  }
0x1a7: {  	v28 =	vadd.f32 v24, v1;
	v12 =	vadd.s32 s11, v4;
	v23 =	vmul.f32 v18, v0;
	v14 =	vld.idx.msk [tilespmem:v32+s30+$0x0], $0xffff;
	[tilespmem:s7+$0xFFFFFF80] =	vst v11  }
0x1a8: {  	v26 =	vmul.f32 v26, v0;
	v7 =	vmul.f32 v31, v2;
	v11 =	vld.idx.msk [tilespmem:v13+s30+$0x0], $0xffff;
	v13 =	vadd.f32 v25, v21  }
0x1a9: {  	s12 =	smov.u32 s9;
	v21 =	vadd.s32 s10, v4;
	v24 =	vmul.f32 v33, v2;
	v25 =	vadd.f32 v30, v28;
	v18 =	vld.idx.msk [tilespmem:v27+s30+$0x0], $0xffff;
	[tilespmem:s7+$0x100] =	vst v29  }
0x1aa: {  	_ =	sdelay $0x3  }
0x1ab: {  	v3 =	vld.idx.msk [tilespmem:v17+s30+$0x0], $0xffff  }
0x1ac: {  	v6 =	vld.idx.msk [tilespmem:v6+s30+$0x0], $0xffff  }
0x1ad: {  	v5 =	vld.idx.msk [tilespmem:v5+s30+$0x0], $0xffff  }
0x1ae: {  	v54 =	vld.idx.msk [tilespmem:v21+s30+$0x0], $0xffff  }
0x1af: {  	v8 =	vld.idx.msk [tilespmem:v8+s30+$0x0], $0xffff  }
0x1b0: {  	v4 =	vmul.f32 v19, v2;
	v51 =	vadd.f32 v26, v20;
	v52 =	vadd.f32 v23, v22;
	v12 =	vld.idx.msk [tilespmem:v12+s30+$0x0], $0xffff  }
0x1b1: {  	v16 =	vmul.f32 v16, v2;
	v9 =	vmul.f32 v9, v2;
	v10 =	vld.idx.msk [tilespmem:v10+s30+$0x0], $0xffff;
	v62 =	vadd.f32 v7, v1  }
0x1b2: {  	[tilespmem:s8+$0xFFFFFF00] =	vst v13;
	v53 =	vadd.f32 v24, v1;
	v15 =	vmul.f32 v15, v0;
	v14 =	vmul.f32 v14, v2  }
0x1b3: {  	[tilespmem:s8+$0xFFFFFE80] =	vst v25;
	v16 =	vadd.f32 v16, v1;
	v9 =	vadd.f32 v9, v1;
	v11 =	vmul.f32 v11, v0  }
0x1b4: {  	[tilespmem:s8+$0x180] =	vst v52;
	v4 =	vadd.f32 v4, v1;
	v57 =	vadd.f32 v15, v53;
	v18 =	vmul.f32 v18, v0  }
0x1b5: {  	s7 =	sadd.s32 $0x800, s7;
	[tilespmem:s8+$0xFFFFFE00] =	vst v51;
	v14 =	vadd.f32 v14, v1;
	v56 =	vadd.f32 v11, v9;
	v3 =	vmul.f32 v3, v0  }
0x1b6: {  	v6 =	vmul.f32 v6, v2;
	v59 =	vmul.f32 v8, v0;
	[tilespmem:s7+$0xFFFFFF80] =	vst v57;
	v16 =	vadd.f32 v18, v16  }
0x1b7: {  	s6 =	sadd.s32 $0x1, s6;
	v55 =	vmul.f32 v5, v2;
	v61 =	vmul.f32 v10, v0;
	[tilespmem:s7+$0x80] =	vst v56;
	v3 =	vadd.f32 v3, v14  }
0x1b8: {  	p0 =	sne.s32 s6, $0x10;
	v58 =	vmul.f32 v54, v0;
	v6 =	vadd.f32 v6, v1;
	v63 =	vadd.f32 v59, v4;
	[tilespmem:s7+$0x0] =	vst v16  }
.Ltmp7:
0x1b9: {  	v60 =	vmul.f32 v12, v0;
	v2 =	vadd.f32 v55, v1;
	v0 =	vadd.f32 v61, v62;
	[tilespmem:s7+$0x100] =	vst v3;
	(pc) =	sbr.rel @p0 .LBB2_14-.Ltmp7, $4  }
0x1ba: {  	v6 =	vadd.f32 v58, v6;
	[tilespmem:s7+$0x180] =	vst v63  }
0x1bb: {  	v2 =	vadd.f32 v60, v2;
	[tilespmem:s7+$0xFFFFFF00] =	vst v0  }
0x1bc: {  	[tilespmem:s7+$0xFFFFFE80] =	vst v6  }
0x1bd: {  	s28 =	sadd.s32 $0x80, s28;
	s26 =	sadd.s32 $0x1, s26;
	[tilespmem:s7+$0xFFFFFE00] =	vst v2  }
0x1be: {  	s26 =	simm.s32 $0x0;
	s6 =	rddreg [dreg:$0xf]  }
0x1bf: {  	[hbm4b:s6+s26] =	stream.linear.scatter [tilespmem:s1], [sflag:$0x4], $0x8000, $0x38;
	[tilespmem:$0x18F80] =	vst v63  }
0x1c0: {  	s18 =	rddreg [dreg:$0x10]  }
0x1c1: {  	[tilespmem:s30], [sflag:$0x2] =	stream.linear.gather [hbm4b:s18+s26], $0x4000, $0x38;
	[tilespmem:$0x18F80] =	vst v63  }
0x1c2: {  	_ =	swait.ge [sflag:s31], $0x4000  }
0x1c3: {  	[sflag:s31] =	ssyncset.done $0x0  }
0x1c4: {  	[sflag:s31] =	ssyncadd.s32 $0xFFFFC000  }
0x1c5: {  	_ =	swait.ge [sflag:s2], $0x8000  }
0x1c6: {  	[sflag:s2] =	ssyncset.done $0x0  }
0x1c7: {  	s28 =	simm.s32 $0x0;
	s6 =	simm.s32 $0x0;
	[sflag:s2] =	ssyncadd.s32 $0xFFFF8000  }
.LBB2_18:
0x1c8: {  	s7 =	sshll.u32 s6, $0x4  }
0x1c9: {  	v3 =	vld [tilespmem:s7+$0x380];
	_ =	sdelay $0x3  }
0x1ca: {  	s8 =	simm.s32 $0x100  }
0x1cb: {  	s9 =	simm.s32 $0x280;
	v5 =	vadd.s32 s8, v3  }
0x1cc: {  	s10 =	simm.s32 $0x180;
	v6 =	vadd.s32 s9, v3  }
0x1cd: {  	s11 =	simm.s32 $0x380;
	v2 =	vld [tilespmem:s7+$0x480];
	v7 =	vadd.s32 s10, v3  }
0x1ce: {  	s12 =	simm.s32 $0x200;
	v0 =	vld [tilespmem:s7+$0x580];
	v8 =	vadd.s32 s11, v3  }
0x1cf: {  	s16 =	simm.s32 $0x580;
	v1 =	vld [tilespmem:s7+$0x680];
	v9 =	vadd.s32 s12, v3  }
0x1d0: {  	v4 =	vadd.s32 $0x1, v3;
	v26 =	vadd.s32 s16, v3;
	v5 =	vld.idx.msk [tilespmem:v5+s29+$0x0], $0xffff  }
0x1d1: {  	v10 =	vadd.s32 s10, v4;
	v11 =	vld.idx.msk [tilespmem:v6+s29+$0x0], $0xffff  }
0x1d2: {  	s18 =	simm.s32 $0x0;
	v12 =	vadd.s32 s9, v4;
	v7 =	vld.idx.msk [tilespmem:v7+s29+$0x0], $0xffff  }
0x1d3: {  	s10 =	simm.s32 $0x80;
	v18 =	vadd.s32 s18, v4;
	v8 =	vld.idx.msk [tilespmem:v8+s29+$0x0], $0xffff  }
0x1d4: {  	v16 =	vadd.s32 s10, v3;
	v20 =	vadd.s32 s10, v4;
	s10 =	simm.s32 $0x500;
	v9 =	vld.idx.msk [tilespmem:v9+s29+$0x0], $0xffff  }
0x1d5: {  	s17 =	simm.s32 $0x300;
	v23 =	vadd.s32 s10, v3;
	v35 =	vld.idx.msk [tilespmem:v26+s29+$0x0], $0xffff  }
0x1d6: {  	v6 =	vadd.s32 s17, v3;
	v10 =	vld.idx.msk [tilespmem:v10+s29+$0x0], $0xffff  }
0x1d7: {  	v13 =	vadd.s32 s12, v4;
	v12 =	vld.idx.msk [tilespmem:v12+s29+$0x0], $0xffff  }
0x1d8: {  	v18 =	vld.idx.msk [tilespmem:v18+s29+$0x0], $0xffff  }
0x1d9: {  	s13 =	simm.s32 $0x780;
	v14 =	vadd.s32 s17, v4;
	v19 =	vadd.s32 s11, v4;
	s11 =	simm.s32 $0x600;
	v16 =	vld.idx.msk [tilespmem:v16+s29+$0x0], $0xffff  }
0x1da: {  	v15 =	vadd.s32 s18, v3;
	v27 =	vadd.s32 s13, v3;
	s12 =	simm.s32 $0x680;
	s18 =	simm.s32 $0x700;
	v25 =	vadd.s32 s11, v3;
	v32 =	vld.idx.msk [tilespmem:v23+s29+$0x0], $0xffff  }
0x1db: {  	v29 =	vadd.s32 s12, v4;
	v33 =	vadd.s32 s18, v3;
	v36 =	vadd.s32 s11, v4;
	v17 =	vld.idx.msk [tilespmem:v6+s29+$0x0], $0xffff  }
0x1dc: {  	v23 =	vadd.s32 s16, v4;
	v6 =	vmul.f32 v7, v2;
	v7 =	vld.idx.msk [tilespmem:v13+s29+$0x0], $0xffff;
	v21 =	vmul.f32 v5, v2  }
0x1dd: {  	s9 =	simm.s32 $0x400;
	v28 =	vld.idx.msk [tilespmem:v20+s29+$0x0], $0xffff;
	v13 =	vadd.s32 s8, v4;
	v22 =	vmul.f32 v8, v2;
	v9 =	vmul.f32 v9, v2  }
0x1de: {  	v14 =	vld.idx.msk [tilespmem:v14+s29+$0x0], $0xffff;
	v5 =	vadd.s32 s9, v3;
	v11 =	vmul.f32 v11, v2;
	v24 =	vmul.f32 v10, v0  }
0x1df: {  	s8 =	simm.s32 $0x480;
	v8 =	vld.idx.msk [tilespmem:v15+s29+$0x0], $0xffff;
	v10 =	vadd.s32 s12, v3;
	v12 =	vmul.f32 v12, v0;
	v26 =	vmul.f32 v18, v0  }
0x1e0: {  	s14 =	sshll.u32 s28, $0x2;
	s15 =	sand.u32 $0x7, s26;
	v31 =	vld.idx.msk [tilespmem:v19+s29+$0x0], $0xffff;
	v15 =	vadd.f32 v6, v1;
	v6 =	vadd.s32 s8, v3;
	v9 =	vadd.f32 v9, v1  }
0x1e1: {  	s14 =	sand.u32 $0xFFFFF000, s14;
	s15 =	sshll.u32 s15, $0x6;
	v11 =	vadd.f32 v11, v1;
	v34 =	vmul.f32 v16, v2;
	v16 =	vld.idx.msk [tilespmem:v25+s29+$0x0], $0xffff;
	v7 =	vmul.f32 v7, v0  }
0x1e2: {  	s17 =	sor.u32 s15, s14;
	v25 =	vmul.f32 v28, v0;
	v21 =	vadd.f32 v21, v1;
	v22 =	vadd.f32 v22, v1;
	v13 =	vld.idx.msk [tilespmem:v13+s29+$0x0], $0xffff  }
0x1e3: {  	s7 =	sshrl.u32 s17, $0x2;
	v11 =	vadd.f32 v12, v11;
	v17 =	vmul.f32 v17, v2;
	v7 =	vadd.f32 v7, v9  }
0x1e4: {  	v19 =	vld.idx.msk [tilespmem:v27+s29+$0x0], $0xffff;
	s7 =	sadd.s32 $0x9180, s7;
	v12 =	vadd.s32 s9, v4;
	v63 =	vadd.f32 v34, v1;
	v20 =	vmul.f32 v8, v2  }
0x1e5: {  	v18 =	vld.idx.msk [tilespmem:v36+s29+$0x0], $0xffff;
	v8 =	vadd.s32 s13, v4;
	v30 =	vadd.f32 v17, v1;
	[tilespmem:s7+$0x0] =	vst v7;
	v7 =	vmul.f32 v14, v0  }
0x1e6: {  	[tilespmem:s7+$0x80] =	vst v11;
	v11 =	vadd.f32 v24, v15;
	v15 =	vld.idx.msk [tilespmem:v23+s29+$0x0], $0xffff;
	v23 =	vmul.f32 v31, v0;
	v17 =	vadd.s32 s18, v4  }
0x1e7: {  	v24 =	vmul.f32 v35, v2;
	v9 =	vld.idx.msk [tilespmem:v10+s29+$0x0], $0xffff;
	v13 =	vmul.f32 v13, v0;
	v27 =	vadd.f32 v7, v30  }
0x1e8: {  	v25 =	vadd.f32 v25, v63;
	v10 =	vadd.s32 s10, v4;
	v20 =	vadd.f32 v20, v1;
	[tilespmem:s7+$0xFFFFFF80] =	vst v11;
	v11 =	vld.idx.msk [tilespmem:v29+s29+$0x0], $0xffff  }
0x1e9: {  	s12 =	simm.s32 $0x10;
	v14 =	vld.idx.msk [tilespmem:v33+s29+$0x0], $0xffff;
	v7 =	vmul.f32 v32, v2;
	v13 =	vadd.f32 v13, v21;
	v21 =	vadd.s32 s8, v4;
	s8 =	smov.u32 s7;
	[tilespmem:s7+$0x100] =	vst v27  }
.LBB2_19:
0x1ea: {  	s9 =	smov.u32 s12  }
0x1eb: {  	s11 =	sshll.u32 s12, $0x7;
	v27 =	vld.idx.msk [tilespmem:v17+s29+$0x0], $0xffff;
	v28 =	vmul.f32 v19, v2;
	v17 =	vadd.f32 v26, v20;
	v19 =	vadd.f32 v23, v22;
	s7 =	sadd.s32 $0x800, s7;
	s9 =	sadd.s32 $0x8, s12  }
0x1ec: {  	v16 =	vmul.f32 v16, v2;
	s10 =	sadd.s32 $0x80, s11;
	s13 =	sadd.s32 $0x100, s11;
	s14 =	sadd.s32 $0x180, s11;
	v22 =	vadd.f32 v24, v1;
	v20 =	vld.idx.msk [tilespmem:v5+s29+$0x0], $0xffff;
	v5 =	vadd.s32 s11, v3;
	[tilespmem:s8+$0xFFFFFE80] =	vst v25  }
0x1ed: {  	s15 =	sadd.s32 $0x200, s11;
	s16 =	sadd.s32 $0x280, s11;
	s17 =	sadd.s32 $0x300, s11;
	v15 =	vmul.f32 v15, v0;
	v23 =	vadd.s32 s13, v3;
	v24 =	vld.idx.msk [tilespmem:v6+s29+$0x0], $0xffff;
	v6 =	vadd.s32 s10, v3;
	[tilespmem:s8+$0x180] =	vst v19  }
0x1ee: {  	p0 =	slt.u32 s12, $0x78;
	s18 =	sadd.s32 $0x380, s11;
	v25 =	vadd.s32 s15, v3;
	v19 =	vadd.s32 s16, v3;
	v26 =	vld.idx.msk [tilespmem:v12+s29+$0x0], $0xffff;
	v12 =	vmul.f32 v14, v2;
	[tilespmem:s8+$0xFFFFFE00] =	vst v17  }
0x1ef: {  	v9 =	vmul.f32 v9, v2;
	v29 =	vadd.s32 s18, v3;
	v14 =	vadd.s32 s14, v3;
	v21 =	vld.idx.msk [tilespmem:v21+s29+$0x0], $0xffff;
	[tilespmem:s8+$0xFFFFFF00] =	vst v13;
	s8 =	smov.u32 s7  }
0x1f0: {  	v13 =	vadd.s32 s16, v4;
	v30 =	vld.idx.msk [tilespmem:v10+s29+$0x0], $0xffff;
	v10 =	vadd.f32 v16, v1;
	v16 =	vmul.f32 v18, v0  }
0x1f1: {  	v11 =	vmul.f32 v11, v0;
	v17 =	vadd.f32 v9, v1;
	v12 =	vadd.f32 v12, v1;
	v18 =	vld.idx.msk [tilespmem:v8+s29+$0x0], $0xffff  }
0x1f2: {  	v20 =	vmul.f32 v20, v2;
	v31 =	vld.idx.msk [tilespmem:v23+s29+$0x0], $0xffff;
	v23 =	vadd.s32 s14, v4;
	v10 =	vadd.f32 v16, v10  }
0x1f3: {  	v32 =	vadd.s32 s17, v3;
	v11 =	vadd.f32 v11, v17;
	v24 =	vmul.f32 v24, v2;
	v9 =	vld.idx.msk [tilespmem:v19+s29+$0x0], $0xffff  }
0x1f4: {  	v17 =	vadd.s32 s17, v4;
	v8 =	vadd.s32 s18, v4;
	v33 =	vld.idx.msk [tilespmem:v14+s29+$0x0], $0xffff;
	[tilespmem:s7+$0x0] =	vst v10;
	v14 =	vmul.f32 v27, v0  }
0x1f5: {  	v20 =	vadd.f32 v20, v1;
	v10 =	vadd.s32 s13, v4;
	v27 =	vadd.s32 s15, v4;
	v19 =	vld.idx.msk [tilespmem:v29+s29+$0x0], $0xffff;
	[tilespmem:s7+$0x80] =	vst v11  }
.Ltmp8:
0x1f6: {  	v11 =	vadd.f32 v15, v22;
	v16 =	vld.idx.msk [tilespmem:v25+s29+$0x0], $0xffff;
	v25 =	vmul.f32 v30, v0;
	v29 =	vadd.f32 v14, v12;
	(pc) =	sbr.rel @p0 .LBB2_19-.Ltmp8, $4  }
0x1f7: {  	v22 =	vadd.f32 v28, v1;
	v30 =	vmul.f32 v21, v0;
	v21 =	vadd.f32 v7, v1;
	v15 =	vld.idx.msk [tilespmem:v23+s29+$0x0], $0xffff  }
0x1f8: {  	v28 =	vadd.f32 v24, v1;
	v12 =	vadd.s32 s11, v4;
	v23 =	vmul.f32 v18, v0;
	v14 =	vld.idx.msk [tilespmem:v32+s29+$0x0], $0xffff;
	[tilespmem:s7+$0xFFFFFF80] =	vst v11  }
0x1f9: {  	v26 =	vmul.f32 v26, v0;
	v7 =	vmul.f32 v31, v2;
	v11 =	vld.idx.msk [tilespmem:v13+s29+$0x0], $0xffff;
	v13 =	vadd.f32 v25, v21  }
0x1fa: {  	s12 =	smov.u32 s9;
	v21 =	vadd.s32 s10, v4;
	v24 =	vmul.f32 v33, v2;
	v25 =	vadd.f32 v30, v28;
	v18 =	vld.idx.msk [tilespmem:v27+s29+$0x0], $0xffff;
	[tilespmem:s7+$0x100] =	vst v29  }
0x1fb: {  	_ =	sdelay $0x3  }
0x1fc: {  	v3 =	vld.idx.msk [tilespmem:v17+s29+$0x0], $0xffff  }
0x1fd: {  	v6 =	vld.idx.msk [tilespmem:v6+s29+$0x0], $0xffff  }
0x1fe: {  	v5 =	vld.idx.msk [tilespmem:v5+s29+$0x0], $0xffff  }
0x1ff: {  	v54 =	vld.idx.msk [tilespmem:v21+s29+$0x0], $0xffff  }
0x200: {  	v8 =	vld.idx.msk [tilespmem:v8+s29+$0x0], $0xffff  }
0x201: {  	v4 =	vmul.f32 v19, v2;
	v51 =	vadd.f32 v26, v20;
	v52 =	vadd.f32 v23, v22;
	v12 =	vld.idx.msk [tilespmem:v12+s29+$0x0], $0xffff  }
0x202: {  	v16 =	vmul.f32 v16, v2;
	v9 =	vmul.f32 v9, v2;
	v10 =	vld.idx.msk [tilespmem:v10+s29+$0x0], $0xffff;
	v62 =	vadd.f32 v7, v1  }
0x203: {  	[tilespmem:s8+$0xFFFFFF00] =	vst v13;
	v53 =	vadd.f32 v24, v1;
	v15 =	vmul.f32 v15, v0;
	v14 =	vmul.f32 v14, v2  }
0x204: {  	[tilespmem:s8+$0xFFFFFE80] =	vst v25;
	v16 =	vadd.f32 v16, v1;
	v9 =	vadd.f32 v9, v1;
	v11 =	vmul.f32 v11, v0  }
0x205: {  	[tilespmem:s8+$0x180] =	vst v52;
	v4 =	vadd.f32 v4, v1;
	v57 =	vadd.f32 v15, v53;
	v18 =	vmul.f32 v18, v0  }
0x206: {  	s7 =	sadd.s32 $0x800, s7;
	[tilespmem:s8+$0xFFFFFE00] =	vst v51;
	v14 =	vadd.f32 v14, v1;
	v56 =	vadd.f32 v11, v9;
	v3 =	vmul.f32 v3, v0  }
0x207: {  	v6 =	vmul.f32 v6, v2;
	v59 =	vmul.f32 v8, v0;
	[tilespmem:s7+$0xFFFFFF80] =	vst v57;
	v16 =	vadd.f32 v18, v16  }
0x208: {  	s6 =	sadd.s32 $0x1, s6;
	v55 =	vmul.f32 v5, v2;
	v61 =	vmul.f32 v10, v0;
	[tilespmem:s7+$0x80] =	vst v56;
	v3 =	vadd.f32 v3, v14  }
0x209: {  	p0 =	sne.s32 s6, $0x10;
	v58 =	vmul.f32 v54, v0;
	v6 =	vadd.f32 v6, v1;
	v63 =	vadd.f32 v59, v4;
	[tilespmem:s7+$0x0] =	vst v16  }
.Ltmp9:
0x20a: {  	v60 =	vmul.f32 v12, v0;
	v2 =	vadd.f32 v55, v1;
	v0 =	vadd.f32 v61, v62;
	[tilespmem:s7+$0x100] =	vst v3;
	(pc) =	sbr.rel @p0 .LBB2_18-.Ltmp9, $4  }
0x20b: {  	v6 =	vadd.f32 v58, v6;
	[tilespmem:s7+$0x180] =	vst v63  }
0x20c: {  	v2 =	vadd.f32 v60, v2;
	[tilespmem:s7+$0xFFFFFF00] =	vst v0  }
0x20d: {  	[tilespmem:s7+$0xFFFFFE80] =	vst v6  }
0x20e: {  	s28 =	sadd.s32 $0x80, s28;
	s26 =	sadd.s32 $0x1, s26;
	[tilespmem:s7+$0xFFFFFE00] =	vst v2  }
0x20f: {  	s26 =	simm.s32 $0x0;
	s6 =	rddreg [dreg:$0x11]  }
0x210: {  	[hbm4b:s6+s26] =	stream.linear.scatter [tilespmem:s0], [sflag:$0x3], $0x8000, $0x38;
	[tilespmem:$0x18F80] =	vst v63  }
0x211: {  	s18 =	rddreg [dreg:$0x12]  }
0x212: {  	[tilespmem:s29], [sflag:$0x1] =	stream.linear.gather [hbm4b:s18+s26], $0x4000, $0x38;
	[tilespmem:$0x18F80] =	vst v63  }
0x213: {  	_ =	swait.ge [sflag:s4], $0x4000  }
0x214: {  	[sflag:s4] =	ssyncset.done $0x0  }
0x215: {  	[sflag:s4] =	ssyncadd.s32 $0xFFFFC000  }
0x216: {  	_ =	swait.ge [sflag:s3], $0x8000  }
0x217: {  	[sflag:s3] =	ssyncset.done $0x0  }
0x218: {  	s28 =	simm.s32 $0x0;
	s6 =	simm.s32 $0x0;
	[sflag:s3] =	ssyncadd.s32 $0xFFFF8000  }
.LBB2_22:
0x219: {  	s7 =	sshll.u32 s6, $0x4  }
0x21a: {  	v3 =	vld [tilespmem:s7+$0x380];
	_ =	sdelay $0x3  }
0x21b: {  	s8 =	simm.s32 $0x100  }
0x21c: {  	s9 =	simm.s32 $0x280;
	v5 =	vadd.s32 s8, v3  }
0x21d: {  	s10 =	simm.s32 $0x180;
	v6 =	vadd.s32 s9, v3  }
0x21e: {  	s11 =	simm.s32 $0x380;
	v2 =	vld [tilespmem:s7+$0x480];
	v7 =	vadd.s32 s10, v3  }
0x21f: {  	s12 =	simm.s32 $0x200;
	v0 =	vld [tilespmem:s7+$0x580];
	v8 =	vadd.s32 s11, v3  }
0x220: {  	s16 =	simm.s32 $0x580;
	v1 =	vld [tilespmem:s7+$0x680];
	v9 =	vadd.s32 s12, v3  }
0x221: {  	v4 =	vadd.s32 $0x1, v3;
	v26 =	vadd.s32 s16, v3;
	v5 =	vld.idx.msk [tilespmem:v5+s30+$0x0], $0xffff  }
0x222: {  	v10 =	vadd.s32 s10, v4;
	v11 =	vld.idx.msk [tilespmem:v6+s30+$0x0], $0xffff  }
0x223: {  	s18 =	simm.s32 $0x0;
	v12 =	vadd.s32 s9, v4;
	v7 =	vld.idx.msk [tilespmem:v7+s30+$0x0], $0xffff  }
0x224: {  	s10 =	simm.s32 $0x80;
	v18 =	vadd.s32 s18, v4;
	v8 =	vld.idx.msk [tilespmem:v8+s30+$0x0], $0xffff  }
0x225: {  	v16 =	vadd.s32 s10, v3;
	v20 =	vadd.s32 s10, v4;
	s10 =	simm.s32 $0x500;
	v9 =	vld.idx.msk [tilespmem:v9+s30+$0x0], $0xffff  }
0x226: {  	s17 =	simm.s32 $0x300;
	v23 =	vadd.s32 s10, v3;
	v35 =	vld.idx.msk [tilespmem:v26+s30+$0x0], $0xffff  }
0x227: {  	v6 =	vadd.s32 s17, v3;
	v10 =	vld.idx.msk [tilespmem:v10+s30+$0x0], $0xffff  }
0x228: {  	v13 =	vadd.s32 s12, v4;
	v12 =	vld.idx.msk [tilespmem:v12+s30+$0x0], $0xffff  }
0x229: {  	v18 =	vld.idx.msk [tilespmem:v18+s30+$0x0], $0xffff  }
0x22a: {  	s13 =	simm.s32 $0x780;
	v14 =	vadd.s32 s17, v4;
	v19 =	vadd.s32 s11, v4;
	s11 =	simm.s32 $0x600;
	v16 =	vld.idx.msk [tilespmem:v16+s30+$0x0], $0xffff  }
0x22b: {  	v15 =	vadd.s32 s18, v3;
	v27 =	vadd.s32 s13, v3;
	s12 =	simm.s32 $0x680;
	s18 =	simm.s32 $0x700;
	v25 =	vadd.s32 s11, v3;
	v32 =	vld.idx.msk [tilespmem:v23+s30+$0x0], $0xffff  }
0x22c: {  	v29 =	vadd.s32 s12, v4;
	v33 =	vadd.s32 s18, v3;
	v36 =	vadd.s32 s11, v4;
	v17 =	vld.idx.msk [tilespmem:v6+s30+$0x0], $0xffff  }
0x22d: {  	v23 =	vadd.s32 s16, v4;
	v6 =	vmul.f32 v7, v2;
	v7 =	vld.idx.msk [tilespmem:v13+s30+$0x0], $0xffff;
	v21 =	vmul.f32 v5, v2  }
0x22e: {  	s9 =	simm.s32 $0x400;
	v28 =	vld.idx.msk [tilespmem:v20+s30+$0x0], $0xffff;
	v13 =	vadd.s32 s8, v4;
	v22 =	vmul.f32 v8, v2;
	v9 =	vmul.f32 v9, v2  }
0x22f: {  	v14 =	vld.idx.msk [tilespmem:v14+s30+$0x0], $0xffff;
	v5 =	vadd.s32 s9, v3;
	v11 =	vmul.f32 v11, v2;
	v24 =	vmul.f32 v10, v0  }
0x230: {  	s8 =	simm.s32 $0x480;
	v8 =	vld.idx.msk [tilespmem:v15+s30+$0x0], $0xffff;
	v10 =	vadd.s32 s12, v3;
	v12 =	vmul.f32 v12, v0;
	v26 =	vmul.f32 v18, v0  }
0x231: {  	s14 =	sshll.u32 s28, $0x2;
	s15 =	sand.u32 $0x7, s26;
	v31 =	vld.idx.msk [tilespmem:v19+s30+$0x0], $0xffff;
	v15 =	vadd.f32 v6, v1;
	v6 =	vadd.s32 s8, v3;
	v9 =	vadd.f32 v9, v1  }
0x232: {  	s14 =	sand.u32 $0xFFFFF000, s14;
	s15 =	sshll.u32 s15, $0x6;
	v11 =	vadd.f32 v11, v1;
	v34 =	vmul.f32 v16, v2;
	v16 =	vld.idx.msk [tilespmem:v25+s30+$0x0], $0xffff;
	v7 =	vmul.f32 v7, v0  }
0x233: {  	s17 =	sor.u32 s15, s14;
	v25 =	vmul.f32 v28, v0;
	v21 =	vadd.f32 v21, v1;
	v22 =	vadd.f32 v22, v1;
	v13 =	vld.idx.msk [tilespmem:v13+s30+$0x0], $0xffff  }
0x234: {  	s7 =	sshrl.u32 s17, $0x2;
	v11 =	vadd.f32 v12, v11;
	v17 =	vmul.f32 v17, v2;
	v7 =	vadd.f32 v7, v9  }
0x235: {  	v19 =	vld.idx.msk [tilespmem:v27+s30+$0x0], $0xffff;
	s7 =	sadd.s32 $0x11180, s7;
	v12 =	vadd.s32 s9, v4;
	v63 =	vadd.f32 v34, v1;
	v20 =	vmul.f32 v8, v2  }
0x236: {  	v18 =	vld.idx.msk [tilespmem:v36+s30+$0x0], $0xffff;
	v8 =	vadd.s32 s13, v4;
	v30 =	vadd.f32 v17, v1;
	[tilespmem:s7+$0x0] =	vst v7;
	v7 =	vmul.f32 v14, v0  }
0x237: {  	[tilespmem:s7+$0x80] =	vst v11;
	v11 =	vadd.f32 v24, v15;
	v15 =	vld.idx.msk [tilespmem:v23+s30+$0x0], $0xffff;
	v23 =	vmul.f32 v31, v0;
	v17 =	vadd.s32 s18, v4  }
0x238: {  	v24 =	vmul.f32 v35, v2;
	v9 =	vld.idx.msk [tilespmem:v10+s30+$0x0], $0xffff;
	v13 =	vmul.f32 v13, v0;
	v27 =	vadd.f32 v7, v30  }
0x239: {  	v25 =	vadd.f32 v25, v63;
	v10 =	vadd.s32 s10, v4;
	v20 =	vadd.f32 v20, v1;
	[tilespmem:s7+$0xFFFFFF80] =	vst v11;
	v11 =	vld.idx.msk [tilespmem:v29+s30+$0x0], $0xffff  }
0x23a: {  	s12 =	simm.s32 $0x10;
	v14 =	vld.idx.msk [tilespmem:v33+s30+$0x0], $0xffff;
	v7 =	vmul.f32 v32, v2;
	v13 =	vadd.f32 v13, v21;
	v21 =	vadd.s32 s8, v4;
	s8 =	smov.u32 s7;
	[tilespmem:s7+$0x100] =	vst v27  }
.LBB2_23:
0x23b: {  	s9 =	smov.u32 s12  }
0x23c: {  	s11 =	sshll.u32 s12, $0x7;
	v27 =	vld.idx.msk [tilespmem:v17+s30+$0x0], $0xffff;
	v28 =	vmul.f32 v19, v2;
	v17 =	vadd.f32 v26, v20;
	v19 =	vadd.f32 v23, v22;
	s7 =	sadd.s32 $0x800, s7;
	s9 =	sadd.s32 $0x8, s12  }
0x23d: {  	v16 =	vmul.f32 v16, v2;
	s10 =	sadd.s32 $0x80, s11;
	s13 =	sadd.s32 $0x100, s11;
	s14 =	sadd.s32 $0x180, s11;
	v22 =	vadd.f32 v24, v1;
	v20 =	vld.idx.msk [tilespmem:v5+s30+$0x0], $0xffff;
	v5 =	vadd.s32 s11, v3;
	[tilespmem:s8+$0xFFFFFE80] =	vst v25  }
0x23e: {  	s15 =	sadd.s32 $0x200, s11;
	s16 =	sadd.s32 $0x280, s11;
	s17 =	sadd.s32 $0x300, s11;
	v15 =	vmul.f32 v15, v0;
	v23 =	vadd.s32 s13, v3;
	v24 =	vld.idx.msk [tilespmem:v6+s30+$0x0], $0xffff;
	v6 =	vadd.s32 s10, v3;
	[tilespmem:s8+$0x180] =	vst v19  }
0x23f: {  	p0 =	slt.u32 s12, $0x78;
	s18 =	sadd.s32 $0x380, s11;
	v25 =	vadd.s32 s15, v3;
	v19 =	vadd.s32 s16, v3;
	v26 =	vld.idx.msk [tilespmem:v12+s30+$0x0], $0xffff;
	v12 =	vmul.f32 v14, v2;
	[tilespmem:s8+$0xFFFFFE00] =	vst v17  }
0x240: {  	v9 =	vmul.f32 v9, v2;
	v29 =	vadd.s32 s18, v3;
	v14 =	vadd.s32 s14, v3;
	v21 =	vld.idx.msk [tilespmem:v21+s30+$0x0], $0xffff;
	[tilespmem:s8+$0xFFFFFF00] =	vst v13;
	s8 =	smov.u32 s7  }
0x241: {  	v13 =	vadd.s32 s16, v4;
	v30 =	vld.idx.msk [tilespmem:v10+s30+$0x0], $0xffff;
	v10 =	vadd.f32 v16, v1;
	v16 =	vmul.f32 v18, v0  }
0x242: {  	v11 =	vmul.f32 v11, v0;
	v17 =	vadd.f32 v9, v1;
	v12 =	vadd.f32 v12, v1;
	v18 =	vld.idx.msk [tilespmem:v8+s30+$0x0], $0xffff  }
0x243: {  	v20 =	vmul.f32 v20, v2;
	v31 =	vld.idx.msk [tilespmem:v23+s30+$0x0], $0xffff;
	v23 =	vadd.s32 s14, v4;
	v10 =	vadd.f32 v16, v10  }
0x244: {  	v32 =	vadd.s32 s17, v3;
	v11 =	vadd.f32 v11, v17;
	v24 =	vmul.f32 v24, v2;
	v9 =	vld.idx.msk [tilespmem:v19+s30+$0x0], $0xffff  }
0x245: {  	v17 =	vadd.s32 s17, v4;
	v8 =	vadd.s32 s18, v4;
	v33 =	vld.idx.msk [tilespmem:v14+s30+$0x0], $0xffff;
	[tilespmem:s7+$0x0] =	vst v10;
	v14 =	vmul.f32 v27, v0  }
0x246: {  	v20 =	vadd.f32 v20, v1;
	v10 =	vadd.s32 s13, v4;
	v27 =	vadd.s32 s15, v4;
	v19 =	vld.idx.msk [tilespmem:v29+s30+$0x0], $0xffff;
	[tilespmem:s7+$0x80] =	vst v11  }
.Ltmp10:
0x247: {  	v11 =	vadd.f32 v15, v22;
	v16 =	vld.idx.msk [tilespmem:v25+s30+$0x0], $0xffff;
	v25 =	vmul.f32 v30, v0;
	v29 =	vadd.f32 v14, v12;
	(pc) =	sbr.rel @p0 .LBB2_23-.Ltmp10, $4  }
0x248: {  	v22 =	vadd.f32 v28, v1;
	v30 =	vmul.f32 v21, v0;
	v21 =	vadd.f32 v7, v1;
	v15 =	vld.idx.msk [tilespmem:v23+s30+$0x0], $0xffff  }
0x249: {  	v28 =	vadd.f32 v24, v1;
	v12 =	vadd.s32 s11, v4;
	v23 =	vmul.f32 v18, v0;
	v14 =	vld.idx.msk [tilespmem:v32+s30+$0x0], $0xffff;
	[tilespmem:s7+$0xFFFFFF80] =	vst v11  }
0x24a: {  	v26 =	vmul.f32 v26, v0;
	v7 =	vmul.f32 v31, v2;
	v11 =	vld.idx.msk [tilespmem:v13+s30+$0x0], $0xffff;
	v13 =	vadd.f32 v25, v21  }
0x24b: {  	s12 =	smov.u32 s9;
	v21 =	vadd.s32 s10, v4;
	v24 =	vmul.f32 v33, v2;
	v25 =	vadd.f32 v30, v28;
	v18 =	vld.idx.msk [tilespmem:v27+s30+$0x0], $0xffff;
	[tilespmem:s7+$0x100] =	vst v29  }
0x24c: {  	_ =	sdelay $0x3  }
0x24d: {  	v3 =	vld.idx.msk [tilespmem:v17+s30+$0x0], $0xffff  }
0x24e: {  	v6 =	vld.idx.msk [tilespmem:v6+s30+$0x0], $0xffff  }
0x24f: {  	v5 =	vld.idx.msk [tilespmem:v5+s30+$0x0], $0xffff  }
0x250: {  	v54 =	vld.idx.msk [tilespmem:v21+s30+$0x0], $0xffff  }
0x251: {  	v8 =	vld.idx.msk [tilespmem:v8+s30+$0x0], $0xffff  }
0x252: {  	v4 =	vmul.f32 v19, v2;
	v51 =	vadd.f32 v26, v20;
	v52 =	vadd.f32 v23, v22;
	v12 =	vld.idx.msk [tilespmem:v12+s30+$0x0], $0xffff  }
0x253: {  	v16 =	vmul.f32 v16, v2;
	v9 =	vmul.f32 v9, v2;
	v10 =	vld.idx.msk [tilespmem:v10+s30+$0x0], $0xffff;
	v62 =	vadd.f32 v7, v1  }
0x254: {  	[tilespmem:s8+$0xFFFFFF00] =	vst v13;
	v53 =	vadd.f32 v24, v1;
	v15 =	vmul.f32 v15, v0;
	v14 =	vmul.f32 v14, v2  }
0x255: {  	[tilespmem:s8+$0xFFFFFE80] =	vst v25;
	v16 =	vadd.f32 v16, v1;
	v9 =	vadd.f32 v9, v1;
	v11 =	vmul.f32 v11, v0  }
0x256: {  	[tilespmem:s8+$0x180] =	vst v52;
	v4 =	vadd.f32 v4, v1;
	v57 =	vadd.f32 v15, v53;
	v18 =	vmul.f32 v18, v0  }
0x257: {  	s7 =	sadd.s32 $0x800, s7;
	[tilespmem:s8+$0xFFFFFE00] =	vst v51;
	v14 =	vadd.f32 v14, v1;
	v56 =	vadd.f32 v11, v9;
	v3 =	vmul.f32 v3, v0  }
0x258: {  	v6 =	vmul.f32 v6, v2;
	v59 =	vmul.f32 v8, v0;
	[tilespmem:s7+$0xFFFFFF80] =	vst v57;
	v16 =	vadd.f32 v18, v16  }
0x259: {  	s6 =	sadd.s32 $0x1, s6;
	v55 =	vmul.f32 v5, v2;
	v61 =	vmul.f32 v10, v0;
	[tilespmem:s7+$0x80] =	vst v56;
	v3 =	vadd.f32 v3, v14  }
0x25a: {  	p0 =	sne.s32 s6, $0x10;
	v58 =	vmul.f32 v54, v0;
	v6 =	vadd.f32 v6, v1;
	v63 =	vadd.f32 v59, v4;
	[tilespmem:s7+$0x0] =	vst v16  }
.Ltmp11:
0x25b: {  	v60 =	vmul.f32 v12, v0;
	v2 =	vadd.f32 v55, v1;
	v0 =	vadd.f32 v61, v62;
	[tilespmem:s7+$0x100] =	vst v3;
	(pc) =	sbr.rel @p0 .LBB2_22-.Ltmp11, $4  }
0x25c: {  	v6 =	vadd.f32 v58, v6;
	[tilespmem:s7+$0x180] =	vst v63  }
0x25d: {  	v2 =	vadd.f32 v60, v2;
	[tilespmem:s7+$0xFFFFFF00] =	vst v0  }
0x25e: {  	[tilespmem:s7+$0xFFFFFE80] =	vst v6  }
0x25f: {  	s28 =	sadd.s32 $0x80, s28;
	s26 =	sadd.s32 $0x1, s26;
	[tilespmem:s7+$0xFFFFFE00] =	vst v2  }
0x260: {  	s26 =	simm.s32 $0x0  }
0x261: {  	[hbm4b:s19+s26] =	stream.linear.scatter [tilespmem:s1], [sflag:$0x4], $0x8000, $0x38;
	[tilespmem:$0x18F80] =	vst v63  }
0x262: {  	_ = 	snop  }
0x263: {  	[tilespmem:s30], [sflag:$0x2] =	stream.linear.gather [hbm4b:s20+s26], $0x4000, $0x38;
	[tilespmem:$0x18F80] =	vst v63  }
0x264: {  	_ =	swait.ge [sflag:s31], $0x4000  }
0x265: {  	[sflag:s31] =	ssyncset.done $0x0  }
0x266: {  	[sflag:s31] =	ssyncadd.s32 $0xFFFFC000  }
0x267: {  	_ =	swait.ge [sflag:s2], $0x8000  }
0x268: {  	[sflag:s2] =	ssyncset.done $0x0  }
0x269: {  	s28 =	simm.s32 $0x0;
	s6 =	simm.s32 $0x0;
	[sflag:s2] =	ssyncadd.s32 $0xFFFF8000  }
.LBB2_26:
0x26a: {  	s7 =	sshll.u32 s6, $0x4  }
0x26b: {  	v3 =	vld [tilespmem:s7+$0x380];
	_ =	sdelay $0x3  }
0x26c: {  	s8 =	simm.s32 $0x100  }
0x26d: {  	s9 =	simm.s32 $0x280;
	v5 =	vadd.s32 s8, v3  }
0x26e: {  	s10 =	simm.s32 $0x180;
	v6 =	vadd.s32 s9, v3  }
0x26f: {  	s11 =	simm.s32 $0x380;
	v2 =	vld [tilespmem:s7+$0x480];
	v7 =	vadd.s32 s10, v3  }
0x270: {  	s12 =	simm.s32 $0x200;
	v0 =	vld [tilespmem:s7+$0x580];
	v8 =	vadd.s32 s11, v3  }
0x271: {  	s16 =	simm.s32 $0x580;
	v1 =	vld [tilespmem:s7+$0x680];
	v9 =	vadd.s32 s12, v3  }
0x272: {  	v4 =	vadd.s32 $0x1, v3;
	v26 =	vadd.s32 s16, v3;
	v5 =	vld.idx.msk [tilespmem:v5+s29+$0x0], $0xffff  }
0x273: {  	v10 =	vadd.s32 s10, v4;
	v11 =	vld.idx.msk [tilespmem:v6+s29+$0x0], $0xffff  }
0x274: {  	s18 =	simm.s32 $0x0;
	v12 =	vadd.s32 s9, v4;
	v7 =	vld.idx.msk [tilespmem:v7+s29+$0x0], $0xffff  }
0x275: {  	s10 =	simm.s32 $0x80;
	v18 =	vadd.s32 s18, v4;
	v8 =	vld.idx.msk [tilespmem:v8+s29+$0x0], $0xffff  }
0x276: {  	v16 =	vadd.s32 s10, v3;
	v20 =	vadd.s32 s10, v4;
	s10 =	simm.s32 $0x500;
	v9 =	vld.idx.msk [tilespmem:v9+s29+$0x0], $0xffff  }
0x277: {  	s17 =	simm.s32 $0x300;
	v23 =	vadd.s32 s10, v3;
	v35 =	vld.idx.msk [tilespmem:v26+s29+$0x0], $0xffff  }
0x278: {  	v6 =	vadd.s32 s17, v3;
	v10 =	vld.idx.msk [tilespmem:v10+s29+$0x0], $0xffff  }
0x279: {  	v13 =	vadd.s32 s12, v4;
	v12 =	vld.idx.msk [tilespmem:v12+s29+$0x0], $0xffff  }
0x27a: {  	v18 =	vld.idx.msk [tilespmem:v18+s29+$0x0], $0xffff  }
0x27b: {  	s13 =	simm.s32 $0x780;
	v14 =	vadd.s32 s17, v4;
	v19 =	vadd.s32 s11, v4;
	s11 =	simm.s32 $0x600;
	v16 =	vld.idx.msk [tilespmem:v16+s29+$0x0], $0xffff  }
0x27c: {  	v15 =	vadd.s32 s18, v3;
	v27 =	vadd.s32 s13, v3;
	s12 =	simm.s32 $0x680;
	s18 =	simm.s32 $0x700;
	v25 =	vadd.s32 s11, v3;
	v32 =	vld.idx.msk [tilespmem:v23+s29+$0x0], $0xffff  }
0x27d: {  	v29 =	vadd.s32 s12, v4;
	v33 =	vadd.s32 s18, v3;
	v36 =	vadd.s32 s11, v4;
	v17 =	vld.idx.msk [tilespmem:v6+s29+$0x0], $0xffff  }
0x27e: {  	v23 =	vadd.s32 s16, v4;
	v6 =	vmul.f32 v7, v2;
	v7 =	vld.idx.msk [tilespmem:v13+s29+$0x0], $0xffff;
	v21 =	vmul.f32 v5, v2  }
0x27f: {  	s9 =	simm.s32 $0x400;
	v28 =	vld.idx.msk [tilespmem:v20+s29+$0x0], $0xffff;
	v13 =	vadd.s32 s8, v4;
	v22 =	vmul.f32 v8, v2;
	v9 =	vmul.f32 v9, v2  }
0x280: {  	v14 =	vld.idx.msk [tilespmem:v14+s29+$0x0], $0xffff;
	v5 =	vadd.s32 s9, v3;
	v11 =	vmul.f32 v11, v2;
	v24 =	vmul.f32 v10, v0  }
0x281: {  	s8 =	simm.s32 $0x480;
	v8 =	vld.idx.msk [tilespmem:v15+s29+$0x0], $0xffff;
	v10 =	vadd.s32 s12, v3;
	v12 =	vmul.f32 v12, v0;
	v26 =	vmul.f32 v18, v0  }
0x282: {  	s14 =	sshll.u32 s28, $0x2;
	s15 =	sand.u32 $0x7, s26;
	v31 =	vld.idx.msk [tilespmem:v19+s29+$0x0], $0xffff;
	v15 =	vadd.f32 v6, v1;
	v6 =	vadd.s32 s8, v3;
	v9 =	vadd.f32 v9, v1  }
0x283: {  	s14 =	sand.u32 $0xFFFFF000, s14;
	s15 =	sshll.u32 s15, $0x6;
	v11 =	vadd.f32 v11, v1;
	v34 =	vmul.f32 v16, v2;
	v16 =	vld.idx.msk [tilespmem:v25+s29+$0x0], $0xffff;
	v7 =	vmul.f32 v7, v0  }
0x284: {  	s17 =	sor.u32 s15, s14;
	v25 =	vmul.f32 v28, v0;
	v21 =	vadd.f32 v21, v1;
	v22 =	vadd.f32 v22, v1;
	v13 =	vld.idx.msk [tilespmem:v13+s29+$0x0], $0xffff  }
0x285: {  	s7 =	sshrl.u32 s17, $0x2;
	v11 =	vadd.f32 v12, v11;
	v17 =	vmul.f32 v17, v2;
	v7 =	vadd.f32 v7, v9  }
0x286: {  	v19 =	vld.idx.msk [tilespmem:v27+s29+$0x0], $0xffff;
	s7 =	sadd.s32 $0x9180, s7;
	v12 =	vadd.s32 s9, v4;
	v63 =	vadd.f32 v34, v1;
	v20 =	vmul.f32 v8, v2  }
0x287: {  	v18 =	vld.idx.msk [tilespmem:v36+s29+$0x0], $0xffff;
	v8 =	vadd.s32 s13, v4;
	v30 =	vadd.f32 v17, v1;
	[tilespmem:s7+$0x0] =	vst v7;
	v7 =	vmul.f32 v14, v0  }
0x288: {  	[tilespmem:s7+$0x80] =	vst v11;
	v11 =	vadd.f32 v24, v15;
	v15 =	vld.idx.msk [tilespmem:v23+s29+$0x0], $0xffff;
	v23 =	vmul.f32 v31, v0;
	v17 =	vadd.s32 s18, v4  }
0x289: {  	v24 =	vmul.f32 v35, v2;
	v9 =	vld.idx.msk [tilespmem:v10+s29+$0x0], $0xffff;
	v13 =	vmul.f32 v13, v0;
	v27 =	vadd.f32 v7, v30  }
0x28a: {  	v25 =	vadd.f32 v25, v63;
	v10 =	vadd.s32 s10, v4;
	v20 =	vadd.f32 v20, v1;
	[tilespmem:s7+$0xFFFFFF80] =	vst v11;
	v11 =	vld.idx.msk [tilespmem:v29+s29+$0x0], $0xffff  }
0x28b: {  	s12 =	simm.s32 $0x10;
	v14 =	vld.idx.msk [tilespmem:v33+s29+$0x0], $0xffff;
	v7 =	vmul.f32 v32, v2;
	v13 =	vadd.f32 v13, v21;
	v21 =	vadd.s32 s8, v4;
	s8 =	smov.u32 s7;
	[tilespmem:s7+$0x100] =	vst v27  }
.LBB2_27:
0x28c: {  	s9 =	smov.u32 s12  }
0x28d: {  	s11 =	sshll.u32 s12, $0x7;
	v27 =	vld.idx.msk [tilespmem:v17+s29+$0x0], $0xffff;
	v28 =	vmul.f32 v19, v2;
	v17 =	vadd.f32 v26, v20;
	v19 =	vadd.f32 v23, v22;
	s7 =	sadd.s32 $0x800, s7;
	s9 =	sadd.s32 $0x8, s12  }
0x28e: {  	v16 =	vmul.f32 v16, v2;
	s10 =	sadd.s32 $0x80, s11;
	s13 =	sadd.s32 $0x100, s11;
	s14 =	sadd.s32 $0x180, s11;
	v22 =	vadd.f32 v24, v1;
	v20 =	vld.idx.msk [tilespmem:v5+s29+$0x0], $0xffff;
	v5 =	vadd.s32 s11, v3;
	[tilespmem:s8+$0xFFFFFE80] =	vst v25  }
0x28f: {  	s15 =	sadd.s32 $0x200, s11;
	s16 =	sadd.s32 $0x280, s11;
	s17 =	sadd.s32 $0x300, s11;
	v15 =	vmul.f32 v15, v0;
	v23 =	vadd.s32 s13, v3;
	v24 =	vld.idx.msk [tilespmem:v6+s29+$0x0], $0xffff;
	v6 =	vadd.s32 s10, v3;
	[tilespmem:s8+$0x180] =	vst v19  }
0x290: {  	p0 =	slt.u32 s12, $0x78;
	s18 =	sadd.s32 $0x380, s11;
	v25 =	vadd.s32 s15, v3;
	v19 =	vadd.s32 s16, v3;
	v26 =	vld.idx.msk [tilespmem:v12+s29+$0x0], $0xffff;
	v12 =	vmul.f32 v14, v2;
	[tilespmem:s8+$0xFFFFFE00] =	vst v17  }
0x291: {  	v9 =	vmul.f32 v9, v2;
	v29 =	vadd.s32 s18, v3;
	v14 =	vadd.s32 s14, v3;
	v21 =	vld.idx.msk [tilespmem:v21+s29+$0x0], $0xffff;
	[tilespmem:s8+$0xFFFFFF00] =	vst v13;
	s8 =	smov.u32 s7  }
0x292: {  	v13 =	vadd.s32 s16, v4;
	v30 =	vld.idx.msk [tilespmem:v10+s29+$0x0], $0xffff;
	v10 =	vadd.f32 v16, v1;
	v16 =	vmul.f32 v18, v0  }
0x293: {  	v11 =	vmul.f32 v11, v0;
	v17 =	vadd.f32 v9, v1;
	v12 =	vadd.f32 v12, v1;
	v18 =	vld.idx.msk [tilespmem:v8+s29+$0x0], $0xffff  }
0x294: {  	v20 =	vmul.f32 v20, v2;
	v31 =	vld.idx.msk [tilespmem:v23+s29+$0x0], $0xffff;
	v23 =	vadd.s32 s14, v4;
	v10 =	vadd.f32 v16, v10  }
0x295: {  	v32 =	vadd.s32 s17, v3;
	v11 =	vadd.f32 v11, v17;
	v24 =	vmul.f32 v24, v2;
	v9 =	vld.idx.msk [tilespmem:v19+s29+$0x0], $0xffff  }
0x296: {  	v17 =	vadd.s32 s17, v4;
	v8 =	vadd.s32 s18, v4;
	v33 =	vld.idx.msk [tilespmem:v14+s29+$0x0], $0xffff;
	[tilespmem:s7+$0x0] =	vst v10;
	v14 =	vmul.f32 v27, v0  }
0x297: {  	v20 =	vadd.f32 v20, v1;
	v10 =	vadd.s32 s13, v4;
	v27 =	vadd.s32 s15, v4;
	v19 =	vld.idx.msk [tilespmem:v29+s29+$0x0], $0xffff;
	[tilespmem:s7+$0x80] =	vst v11  }
.Ltmp12:
0x298: {  	v11 =	vadd.f32 v15, v22;
	v16 =	vld.idx.msk [tilespmem:v25+s29+$0x0], $0xffff;
	v25 =	vmul.f32 v30, v0;
	v29 =	vadd.f32 v14, v12;
	(pc) =	sbr.rel @p0 .LBB2_27-.Ltmp12, $4  }
0x299: {  	v22 =	vadd.f32 v28, v1;
	v30 =	vmul.f32 v21, v0;
	v21 =	vadd.f32 v7, v1;
	v15 =	vld.idx.msk [tilespmem:v23+s29+$0x0], $0xffff  }
0x29a: {  	v28 =	vadd.f32 v24, v1;
	v12 =	vadd.s32 s11, v4;
	v23 =	vmul.f32 v18, v0;
	v14 =	vld.idx.msk [tilespmem:v32+s29+$0x0], $0xffff;
	[tilespmem:s7+$0xFFFFFF80] =	vst v11  }
0x29b: {  	v26 =	vmul.f32 v26, v0;
	v7 =	vmul.f32 v31, v2;
	v11 =	vld.idx.msk [tilespmem:v13+s29+$0x0], $0xffff;
	v13 =	vadd.f32 v25, v21  }
0x29c: {  	s12 =	smov.u32 s9;
	v21 =	vadd.s32 s10, v4;
	v24 =	vmul.f32 v33, v2;
	v25 =	vadd.f32 v30, v28;
	v18 =	vld.idx.msk [tilespmem:v27+s29+$0x0], $0xffff;
	[tilespmem:s7+$0x100] =	vst v29  }
0x29d: {  	_ =	sdelay $0x3  }
0x29e: {  	v3 =	vld.idx.msk [tilespmem:v17+s29+$0x0], $0xffff  }
0x29f: {  	v6 =	vld.idx.msk [tilespmem:v6+s29+$0x0], $0xffff  }
0x2a0: {  	v5 =	vld.idx.msk [tilespmem:v5+s29+$0x0], $0xffff  }
0x2a1: {  	v54 =	vld.idx.msk [tilespmem:v21+s29+$0x0], $0xffff  }
0x2a2: {  	v8 =	vld.idx.msk [tilespmem:v8+s29+$0x0], $0xffff  }
0x2a3: {  	v4 =	vmul.f32 v19, v2;
	v51 =	vadd.f32 v26, v20;
	v52 =	vadd.f32 v23, v22;
	v12 =	vld.idx.msk [tilespmem:v12+s29+$0x0], $0xffff  }
0x2a4: {  	v16 =	vmul.f32 v16, v2;
	v9 =	vmul.f32 v9, v2;
	v10 =	vld.idx.msk [tilespmem:v10+s29+$0x0], $0xffff;
	v62 =	vadd.f32 v7, v1  }
0x2a5: {  	[tilespmem:s8+$0xFFFFFF00] =	vst v13;
	v53 =	vadd.f32 v24, v1;
	v15 =	vmul.f32 v15, v0;
	v14 =	vmul.f32 v14, v2  }
0x2a6: {  	[tilespmem:s8+$0xFFFFFE80] =	vst v25;
	v16 =	vadd.f32 v16, v1;
	v9 =	vadd.f32 v9, v1;
	v11 =	vmul.f32 v11, v0  }
0x2a7: {  	[tilespmem:s8+$0x180] =	vst v52;
	v4 =	vadd.f32 v4, v1;
	v57 =	vadd.f32 v15, v53;
	v18 =	vmul.f32 v18, v0  }
0x2a8: {  	s7 =	sadd.s32 $0x800, s7;
	[tilespmem:s8+$0xFFFFFE00] =	vst v51;
	v14 =	vadd.f32 v14, v1;
	v56 =	vadd.f32 v11, v9;
	v3 =	vmul.f32 v3, v0  }
0x2a9: {  	v6 =	vmul.f32 v6, v2;
	v59 =	vmul.f32 v8, v0;
	[tilespmem:s7+$0xFFFFFF80] =	vst v57;
	v16 =	vadd.f32 v18, v16  }
0x2aa: {  	s6 =	sadd.s32 $0x1, s6;
	v55 =	vmul.f32 v5, v2;
	v61 =	vmul.f32 v10, v0;
	[tilespmem:s7+$0x80] =	vst v56;
	v3 =	vadd.f32 v3, v14  }
0x2ab: {  	p0 =	sne.s32 s6, $0x10;
	v58 =	vmul.f32 v54, v0;
	v6 =	vadd.f32 v6, v1;
	v63 =	vadd.f32 v59, v4;
	[tilespmem:s7+$0x0] =	vst v16  }
.Ltmp13:
0x2ac: {  	v60 =	vmul.f32 v12, v0;
	v2 =	vadd.f32 v55, v1;
	v0 =	vadd.f32 v61, v62;
	[tilespmem:s7+$0x100] =	vst v3;
	(pc) =	sbr.rel @p0 .LBB2_26-.Ltmp13, $4  }
0x2ad: {  	v6 =	vadd.f32 v58, v6;
	[tilespmem:s7+$0x180] =	vst v63  }
0x2ae: {  	v2 =	vadd.f32 v60, v2;
	[tilespmem:s7+$0xFFFFFF00] =	vst v0  }
0x2af: {  	[tilespmem:s7+$0xFFFFFE80] =	vst v6  }
0x2b0: {  	s28 =	sadd.s32 $0x80, s28;
	s26 =	sadd.s32 $0x1, s26;
	[tilespmem:s7+$0xFFFFFE00] =	vst v2  }
0x2b1: {  	s26 =	simm.s32 $0x0  }
0x2b2: {  	[hbm4b:s21+s26] =	stream.linear.scatter [tilespmem:s0], [sflag:$0x3], $0x8000, $0x38;
	[tilespmem:$0x18F80] =	vst v63  }
0x2b3: {  	_ =	swait.ge [sflag:s4], $0x4000  }
0x2b4: {  	[sflag:s4] =	ssyncset.done $0x0  }
0x2b5: {  	[sflag:s4] =	ssyncadd.s32 $0xFFFFC000  }
0x2b6: {  	_ =	swait.ge [sflag:s3], $0x8000  }
0x2b7: {  	[sflag:s3] =	ssyncset.done $0x0  }
0x2b8: {  	s28 =	simm.s32 $0x0;
	s6 =	simm.s32 $0x0;
	[sflag:s3] =	ssyncadd.s32 $0xFFFF8000  }
.LBB2_30:
0x2b9: {  	s7 =	sshll.u32 s6, $0x4  }
0x2ba: {  	v3 =	vld [tilespmem:s7+$0x380];
	_ =	sdelay $0x3  }
0x2bb: {  	s8 =	simm.s32 $0x100  }
0x2bc: {  	s9 =	simm.s32 $0x280;
	v5 =	vadd.s32 s8, v3  }
0x2bd: {  	s10 =	simm.s32 $0x180;
	v6 =	vadd.s32 s9, v3  }
0x2be: {  	s11 =	simm.s32 $0x380;
	v2 =	vld [tilespmem:s7+$0x480];
	v7 =	vadd.s32 s10, v3  }
0x2bf: {  	s12 =	simm.s32 $0x200;
	v0 =	vld [tilespmem:s7+$0x580];
	v8 =	vadd.s32 s11, v3  }
0x2c0: {  	s16 =	simm.s32 $0x580;
	v1 =	vld [tilespmem:s7+$0x680];
	v9 =	vadd.s32 s12, v3  }
0x2c1: {  	v4 =	vadd.s32 $0x1, v3;
	v26 =	vadd.s32 s16, v3;
	v5 =	vld.idx.msk [tilespmem:v5+s30+$0x0], $0xffff  }
0x2c2: {  	v10 =	vadd.s32 s10, v4;
	v11 =	vld.idx.msk [tilespmem:v6+s30+$0x0], $0xffff  }
0x2c3: {  	s18 =	simm.s32 $0x0;
	v12 =	vadd.s32 s9, v4;
	v7 =	vld.idx.msk [tilespmem:v7+s30+$0x0], $0xffff  }
0x2c4: {  	s10 =	simm.s32 $0x80;
	v18 =	vadd.s32 s18, v4;
	v8 =	vld.idx.msk [tilespmem:v8+s30+$0x0], $0xffff  }
0x2c5: {  	v16 =	vadd.s32 s10, v3;
	v20 =	vadd.s32 s10, v4;
	s10 =	simm.s32 $0x500;
	v9 =	vld.idx.msk [tilespmem:v9+s30+$0x0], $0xffff  }
0x2c6: {  	s17 =	simm.s32 $0x300;
	v23 =	vadd.s32 s10, v3;
	v35 =	vld.idx.msk [tilespmem:v26+s30+$0x0], $0xffff  }
0x2c7: {  	v6 =	vadd.s32 s17, v3;
	v10 =	vld.idx.msk [tilespmem:v10+s30+$0x0], $0xffff  }
0x2c8: {  	v13 =	vadd.s32 s12, v4;
	v12 =	vld.idx.msk [tilespmem:v12+s30+$0x0], $0xffff  }
0x2c9: {  	v18 =	vld.idx.msk [tilespmem:v18+s30+$0x0], $0xffff  }
0x2ca: {  	s13 =	simm.s32 $0x780;
	v14 =	vadd.s32 s17, v4;
	v19 =	vadd.s32 s11, v4;
	s11 =	simm.s32 $0x600;
	v16 =	vld.idx.msk [tilespmem:v16+s30+$0x0], $0xffff  }
0x2cb: {  	v15 =	vadd.s32 s18, v3;
	v27 =	vadd.s32 s13, v3;
	s12 =	simm.s32 $0x680;
	s18 =	simm.s32 $0x700;
	v25 =	vadd.s32 s11, v3;
	v32 =	vld.idx.msk [tilespmem:v23+s30+$0x0], $0xffff  }
0x2cc: {  	v29 =	vadd.s32 s12, v4;
	v33 =	vadd.s32 s18, v3;
	v36 =	vadd.s32 s11, v4;
	v17 =	vld.idx.msk [tilespmem:v6+s30+$0x0], $0xffff  }
0x2cd: {  	v23 =	vadd.s32 s16, v4;
	v6 =	vmul.f32 v7, v2;
	v7 =	vld.idx.msk [tilespmem:v13+s30+$0x0], $0xffff;
	v21 =	vmul.f32 v5, v2  }
0x2ce: {  	s9 =	simm.s32 $0x400;
	v28 =	vld.idx.msk [tilespmem:v20+s30+$0x0], $0xffff;
	v13 =	vadd.s32 s8, v4;
	v22 =	vmul.f32 v8, v2;
	v9 =	vmul.f32 v9, v2  }
0x2cf: {  	v14 =	vld.idx.msk [tilespmem:v14+s30+$0x0], $0xffff;
	v5 =	vadd.s32 s9, v3;
	v11 =	vmul.f32 v11, v2;
	v24 =	vmul.f32 v10, v0  }
0x2d0: {  	s8 =	simm.s32 $0x480;
	v8 =	vld.idx.msk [tilespmem:v15+s30+$0x0], $0xffff;
	v10 =	vadd.s32 s12, v3;
	v12 =	vmul.f32 v12, v0;
	v26 =	vmul.f32 v18, v0  }
0x2d1: {  	s14 =	sshll.u32 s28, $0x2;
	s15 =	sand.u32 $0x7, s26;
	v31 =	vld.idx.msk [tilespmem:v19+s30+$0x0], $0xffff;
	v15 =	vadd.f32 v6, v1;
	v6 =	vadd.s32 s8, v3;
	v9 =	vadd.f32 v9, v1  }
0x2d2: {  	s14 =	sand.u32 $0xFFFFF000, s14;
	s15 =	sshll.u32 s15, $0x6;
	v11 =	vadd.f32 v11, v1;
	v34 =	vmul.f32 v16, v2;
	v16 =	vld.idx.msk [tilespmem:v25+s30+$0x0], $0xffff;
	v7 =	vmul.f32 v7, v0  }
0x2d3: {  	s17 =	sor.u32 s15, s14;
	v25 =	vmul.f32 v28, v0;
	v21 =	vadd.f32 v21, v1;
	v22 =	vadd.f32 v22, v1;
	v13 =	vld.idx.msk [tilespmem:v13+s30+$0x0], $0xffff  }
0x2d4: {  	s7 =	sshrl.u32 s17, $0x2;
	v11 =	vadd.f32 v12, v11;
	v17 =	vmul.f32 v17, v2;
	v7 =	vadd.f32 v7, v9  }
0x2d5: {  	v19 =	vld.idx.msk [tilespmem:v27+s30+$0x0], $0xffff;
	s7 =	sadd.s32 $0x11180, s7;
	v12 =	vadd.s32 s9, v4;
	v63 =	vadd.f32 v34, v1;
	v20 =	vmul.f32 v8, v2  }
0x2d6: {  	v18 =	vld.idx.msk [tilespmem:v36+s30+$0x0], $0xffff;
	v8 =	vadd.s32 s13, v4;
	v30 =	vadd.f32 v17, v1;
	[tilespmem:s7+$0x0] =	vst v7;
	v7 =	vmul.f32 v14, v0  }
0x2d7: {  	[tilespmem:s7+$0x80] =	vst v11;
	v11 =	vadd.f32 v24, v15;
	v15 =	vld.idx.msk [tilespmem:v23+s30+$0x0], $0xffff;
	v23 =	vmul.f32 v31, v0;
	v17 =	vadd.s32 s18, v4  }
0x2d8: {  	v24 =	vmul.f32 v35, v2;
	v9 =	vld.idx.msk [tilespmem:v10+s30+$0x0], $0xffff;
	v13 =	vmul.f32 v13, v0;
	v27 =	vadd.f32 v7, v30  }
0x2d9: {  	v25 =	vadd.f32 v25, v63;
	v10 =	vadd.s32 s10, v4;
	v20 =	vadd.f32 v20, v1;
	[tilespmem:s7+$0xFFFFFF80] =	vst v11;
	v11 =	vld.idx.msk [tilespmem:v29+s30+$0x0], $0xffff  }
0x2da: {  	s12 =	simm.s32 $0x10;
	v14 =	vld.idx.msk [tilespmem:v33+s30+$0x0], $0xffff;
	v7 =	vmul.f32 v32, v2;
	v13 =	vadd.f32 v13, v21;
	v21 =	vadd.s32 s8, v4;
	s8 =	smov.u32 s7;
	[tilespmem:s7+$0x100] =	vst v27  }
.LBB2_31:
0x2db: {  	s9 =	smov.u32 s12  }
0x2dc: {  	s11 =	sshll.u32 s12, $0x7;
	v27 =	vld.idx.msk [tilespmem:v17+s30+$0x0], $0xffff;
	v28 =	vmul.f32 v19, v2;
	v17 =	vadd.f32 v26, v20;
	v19 =	vadd.f32 v23, v22;
	s7 =	sadd.s32 $0x800, s7;
	s9 =	sadd.s32 $0x8, s12  }
0x2dd: {  	v16 =	vmul.f32 v16, v2;
	s10 =	sadd.s32 $0x80, s11;
	s13 =	sadd.s32 $0x100, s11;
	s14 =	sadd.s32 $0x180, s11;
	v22 =	vadd.f32 v24, v1;
	v20 =	vld.idx.msk [tilespmem:v5+s30+$0x0], $0xffff;
	v5 =	vadd.s32 s11, v3;
	[tilespmem:s8+$0xFFFFFE80] =	vst v25  }
0x2de: {  	s15 =	sadd.s32 $0x200, s11;
	s16 =	sadd.s32 $0x280, s11;
	s17 =	sadd.s32 $0x300, s11;
	v15 =	vmul.f32 v15, v0;
	v23 =	vadd.s32 s13, v3;
	v24 =	vld.idx.msk [tilespmem:v6+s30+$0x0], $0xffff;
	v6 =	vadd.s32 s10, v3;
	[tilespmem:s8+$0x180] =	vst v19  }
0x2df: {  	p0 =	slt.u32 s12, $0x78;
	s18 =	sadd.s32 $0x380, s11;
	v25 =	vadd.s32 s15, v3;
	v19 =	vadd.s32 s16, v3;
	v26 =	vld.idx.msk [tilespmem:v12+s30+$0x0], $0xffff;
	v12 =	vmul.f32 v14, v2;
	[tilespmem:s8+$0xFFFFFE00] =	vst v17  }
0x2e0: {  	v9 =	vmul.f32 v9, v2;
	v29 =	vadd.s32 s18, v3;
	v14 =	vadd.s32 s14, v3;
	v21 =	vld.idx.msk [tilespmem:v21+s30+$0x0], $0xffff;
	[tilespmem:s8+$0xFFFFFF00] =	vst v13;
	s8 =	smov.u32 s7  }
0x2e1: {  	v13 =	vadd.s32 s16, v4;
	v30 =	vld.idx.msk [tilespmem:v10+s30+$0x0], $0xffff;
	v10 =	vadd.f32 v16, v1;
	v16 =	vmul.f32 v18, v0  }
0x2e2: {  	v11 =	vmul.f32 v11, v0;
	v17 =	vadd.f32 v9, v1;
	v12 =	vadd.f32 v12, v1;
	v18 =	vld.idx.msk [tilespmem:v8+s30+$0x0], $0xffff  }
0x2e3: {  	v20 =	vmul.f32 v20, v2;
	v31 =	vld.idx.msk [tilespmem:v23+s30+$0x0], $0xffff;
	v23 =	vadd.s32 s14, v4;
	v10 =	vadd.f32 v16, v10  }
0x2e4: {  	v32 =	vadd.s32 s17, v3;
	v11 =	vadd.f32 v11, v17;
	v24 =	vmul.f32 v24, v2;
	v9 =	vld.idx.msk [tilespmem:v19+s30+$0x0], $0xffff  }
0x2e5: {  	v17 =	vadd.s32 s17, v4;
	v8 =	vadd.s32 s18, v4;
	v33 =	vld.idx.msk [tilespmem:v14+s30+$0x0], $0xffff;
	[tilespmem:s7+$0x0] =	vst v10;
	v14 =	vmul.f32 v27, v0  }
0x2e6: {  	v20 =	vadd.f32 v20, v1;
	v10 =	vadd.s32 s13, v4;
	v27 =	vadd.s32 s15, v4;
	v19 =	vld.idx.msk [tilespmem:v29+s30+$0x0], $0xffff;
	[tilespmem:s7+$0x80] =	vst v11  }
.Ltmp14:
0x2e7: {  	v11 =	vadd.f32 v15, v22;
	v16 =	vld.idx.msk [tilespmem:v25+s30+$0x0], $0xffff;
	v25 =	vmul.f32 v30, v0;
	v29 =	vadd.f32 v14, v12;
	(pc) =	sbr.rel @p0 .LBB2_31-.Ltmp14, $4  }
0x2e8: {  	v22 =	vadd.f32 v28, v1;
	v30 =	vmul.f32 v21, v0;
	v21 =	vadd.f32 v7, v1;
	v15 =	vld.idx.msk [tilespmem:v23+s30+$0x0], $0xffff  }
0x2e9: {  	v28 =	vadd.f32 v24, v1;
	v12 =	vadd.s32 s11, v4;
	v23 =	vmul.f32 v18, v0;
	v14 =	vld.idx.msk [tilespmem:v32+s30+$0x0], $0xffff;
	[tilespmem:s7+$0xFFFFFF80] =	vst v11  }
0x2ea: {  	v26 =	vmul.f32 v26, v0;
	v7 =	vmul.f32 v31, v2;
	v11 =	vld.idx.msk [tilespmem:v13+s30+$0x0], $0xffff;
	v13 =	vadd.f32 v25, v21  }
0x2eb: {  	s12 =	smov.u32 s9;
	v21 =	vadd.s32 s10, v4;
	v24 =	vmul.f32 v33, v2;
	v25 =	vadd.f32 v30, v28;
	v18 =	vld.idx.msk [tilespmem:v27+s30+$0x0], $0xffff;
	[tilespmem:s7+$0x100] =	vst v29  }
0x2ec: {  	_ =	sdelay $0x3  }
0x2ed: {  	v3 =	vld.idx.msk [tilespmem:v17+s30+$0x0], $0xffff  }
0x2ee: {  	v6 =	vld.idx.msk [tilespmem:v6+s30+$0x0], $0xffff  }
0x2ef: {  	v5 =	vld.idx.msk [tilespmem:v5+s30+$0x0], $0xffff  }
0x2f0: {  	v54 =	vld.idx.msk [tilespmem:v21+s30+$0x0], $0xffff  }
0x2f1: {  	v8 =	vld.idx.msk [tilespmem:v8+s30+$0x0], $0xffff  }
0x2f2: {  	v4 =	vmul.f32 v19, v2;
	v51 =	vadd.f32 v26, v20;
	v52 =	vadd.f32 v23, v22;
	v12 =	vld.idx.msk [tilespmem:v12+s30+$0x0], $0xffff  }
0x2f3: {  	v16 =	vmul.f32 v16, v2;
	v9 =	vmul.f32 v9, v2;
	v10 =	vld.idx.msk [tilespmem:v10+s30+$0x0], $0xffff;
	v62 =	vadd.f32 v7, v1  }
0x2f4: {  	[tilespmem:s8+$0xFFFFFF00] =	vst v13;
	v53 =	vadd.f32 v24, v1;
	v15 =	vmul.f32 v15, v0;
	v14 =	vmul.f32 v14, v2  }
0x2f5: {  	[tilespmem:s8+$0xFFFFFE80] =	vst v25;
	v16 =	vadd.f32 v16, v1;
	v9 =	vadd.f32 v9, v1;
	v11 =	vmul.f32 v11, v0  }
0x2f6: {  	[tilespmem:s8+$0x180] =	vst v52;
	v4 =	vadd.f32 v4, v1;
	v57 =	vadd.f32 v15, v53;
	v18 =	vmul.f32 v18, v0  }
0x2f7: {  	s7 =	sadd.s32 $0x800, s7;
	[tilespmem:s8+$0xFFFFFE00] =	vst v51;
	v14 =	vadd.f32 v14, v1;
	v56 =	vadd.f32 v11, v9;
	v3 =	vmul.f32 v3, v0  }
0x2f8: {  	v6 =	vmul.f32 v6, v2;
	v59 =	vmul.f32 v8, v0;
	[tilespmem:s7+$0xFFFFFF80] =	vst v57;
	v16 =	vadd.f32 v18, v16  }
0x2f9: {  	s6 =	sadd.s32 $0x1, s6;
	v55 =	vmul.f32 v5, v2;
	v61 =	vmul.f32 v10, v0;
	[tilespmem:s7+$0x80] =	vst v56;
	v3 =	vadd.f32 v3, v14  }
0x2fa: {  	p0 =	sne.s32 s6, $0x10;
	v58 =	vmul.f32 v54, v0;
	v6 =	vadd.f32 v6, v1;
	v63 =	vadd.f32 v59, v4;
	[tilespmem:s7+$0x0] =	vst v16  }
.Ltmp15:
0x2fb: {  	v60 =	vmul.f32 v12, v0;
	v2 =	vadd.f32 v55, v1;
	v0 =	vadd.f32 v61, v62;
	[tilespmem:s7+$0x100] =	vst v3;
	(pc) =	sbr.rel @p0 .LBB2_30-.Ltmp15, $4  }
0x2fc: {  	v6 =	vadd.f32 v58, v6;
	[tilespmem:s7+$0x180] =	vst v63  }
0x2fd: {  	v2 =	vadd.f32 v60, v2;
	[tilespmem:s7+$0xFFFFFF00] =	vst v0  }
0x2fe: {  	[tilespmem:s7+$0xFFFFFE80] =	vst v6  }
0x2ff: {  	s28 =	sadd.s32 $0x80, s28;
	s26 =	sadd.s32 $0x1, s26;
	[tilespmem:s7+$0xFFFFFE00] =	vst v2  }
0x300: {  	[hbm4b:s22+s5] =	stream.linear.scatter [tilespmem:s1], [sflag:$0x4], $0x8000, $0x38;
	[tilespmem:$0x18F80] =	vst v63  }
0x301: {  	s25 =	sadd.s32 $0x1, s25  }
0x302: {  	_ =	swait.ge [sflag:s2], $0x8000;
	p0 =	sne.s32 s25, s23  }
.Ltmp16:
0x303: {  	[sflag:s2] =	ssyncset.done $0x0;
	(pc) =	sbr.rel @p0 .LBB2_1-.Ltmp16, $4  }
0x304: {  	[sflag:s2] =	ssyncadd.s32 $0xFFFF8000  }
0x305: {  	_ =	swait.ge [sflag:s3], $0x8000  }
0x306: {  	[sflag:s3] =	ssyncset.done $0x0  }
0x307: {  	[sflag:s3] =	ssyncadd.s32 $0xFFFF8000  }
0x308: {  	_ =	sfence.sel $0x180000  }
0x309: {  	[bflag:$0x0] =	sbarrier.arrive $0xFFFF  }
0x30a: {  	_ =	strace $0x90000047  }
0x30b: {  	s0 =	stileid.u32;
	[bflag:$0x2] =	sbarrier.arrive $0xFFFF  }
0x30c: {  	p0 =	sne.s32 s0, $0x0;
	s0 =	rddreg [dreg:$0x5]  }
0x30d: {  	s0 =	sadd.s32 @!p0 $0x100000, s0  }
0x30e: {  	[sflag:s0] =	ssyncadd.tile.s32 @!p0 $0x1;
	_ =	shalt  }
.Lfunc_end2:
_tile_overlayer_lowered:
.L_overlay_start_2:
0x30f: {  	(tag) =	ssettag $0x2  }
0x310: {  	s0 =	rddreg [dreg:$0x0];
	s2 =	stileid.u32  }
0x311: {  	s1 =	rddreg [dreg:$0x1];
	p0 =	sne.s32 s2, $0x0  }
0x312: {  	s3 =	rddreg [dreg:$0x2];
	[bflag:$0x3] =	sbarrier.arrive $0xFFFF;
	s2 =	simm.s32 @!p0 $0x1C05  }
0x313: {  	[timem:s3], [sflag:s2] =	dma.local @!p0 [hbm:s0], s1  }
0x314: {  	s0 =	simm.s32 @!p0 $0x5  }
0x315: {  	_ =	swait.ge @!p0 [sflag:s0], s1  }
0x316: {  	s1 =	ssub.s32 @!p0 $0x0, s1;
	[sflag:s0] =	ssyncset.done @!p0 $0x0  }
0x317: {  	[sflag:s0] =	ssyncadd.s32 @!p0 s1  }
0x318: {  	[bflag:$0x3] =	sbarrier.arrive $0xFFFF  }
0x319: {  	_ =	shalt  }

</sc_bundles>
